<compile_context>
chip_gen: v7x
topology: tpu7x:2x2x1
jax: 0.10.2.dev20260603
libtpu: 0.0.44.dev20260713+nightly
codegen_flags: <defaults>
</compile_context>

<pallas_src>
import functools

import jax
import jax.numpy as jnp
from jax import lax
from jax.experimental import pallas as pl
from jax.experimental.pallas import tpu as pltpu
from jax.experimental.pallas import tpu_sc as plsc

_N_NODES = 10000
_N_EDGES = 320000
_D = 128
_NUM_REL = 1000

_NW = 32
_EPW = _N_EDGES // _NW
_E = 80
_NB = 4
_CHUNKS = _EPW // _E
_DP = _D // 2


def _precompute(z, phase_rel):

    def zn_body(z_ref, o_ref):
        x = z_ref[...]
        n = jnp.sqrt(jnp.sum(x * x, axis=1, keepdims=True))
        o_ref[...] = x / jnp.maximum(n, 1e-12)

    zn = pl.pallas_call(
        zn_body,
        out_shape=jax.ShapeDtypeStruct((_N_NODES, _D), jnp.float32),
        grid=(10,),
        in_specs=[pl.BlockSpec((_N_NODES // 10, _D), lambda i: (i, 0))],
        out_specs=pl.BlockSpec((_N_NODES // 10, _D), lambda i: (i, 0)),
    )(z)

    def cos_body(p_ref, o_ref):
        o_ref[...] = jnp.cos(p_ref[...])

    cosr = pl.pallas_call(
        cos_body,
        out_shape=jax.ShapeDtypeStruct((_NUM_REL, _D), jnp.float32),
    )(phase_rel)
    return zn, cosr


_mesh = plsc.VectorSubcoreMesh(core_axis_name="c", subcore_axis_name="s")


@functools.partial(
    pl.kernel,
    mesh=_mesh,
    compiler_params=pltpu.CompilerParams(needs_layout_passes=False,
                                         use_tc_tiling_on_sc=False),
    out_type=jax.ShapeDtypeStruct((_N_EDGES,), jnp.float32),
    scratch_types=[
        pltpu.VMEM((_EPW,), jnp.int32),
        pltpu.VMEM((_EPW,), jnp.int32),
        pltpu.VMEM((_EPW,), jnp.int32),
        pltpu.VMEM((_NB, _E, _DP), jnp.int32),
        pltpu.VMEM((_NB, _E, _DP), jnp.int32),
        pltpu.VMEM((_NB, _E, _DP), jnp.int32),
        pltpu.VMEM((_EPW,), jnp.float32),
        pltpu.SemaphoreType.DMA,
        pltpu.SemaphoreType.DMA,
        pltpu.SemaphoreType.DMA,
        pltpu.SemaphoreType.DMA,
    ],
)
def _score_sc(zn_hbm, cos_hbm, src_hbm, dst_hbm, typ_hbm, out_hbm,
              src_i, dst_i, typ_i, src_r, dst_r, rel_r, out_v,
              sem0, sem1, sem2, sem3):
    wid = lax.axis_index("s") * 2 + lax.axis_index("c")
    base = pl.multiple_of(wid * _EPW, _EPW)
    pltpu.sync_copy(src_hbm.at[pl.ds(base, _EPW)], src_i)
    pltpu.sync_copy(dst_hbm.at[pl.ds(base, _EPW)], dst_i)
    pltpu.sync_copy(typ_hbm.at[pl.ds(base, _EPW)], typ_i)
    sems = (sem0, sem1, sem2, sem3)
    lane = lax.iota(jnp.int32, 16)

    def fire(c, b):
        off = pl.multiple_of(c * _E, _E)
        pltpu.async_copy(zn_hbm.at[src_i.at[pl.ds(off, _E)]], src_r.at[b], sems[b])
        pltpu.async_copy(zn_hbm.at[dst_i.at[pl.ds(off, _E)]], dst_r.at[b], sems[b])
        pltpu.async_copy(cos_hbm.at[typ_i.at[pl.ds(off, _E)]], rel_r.at[b], sems[b])

    def drain(b):
        pltpu.make_async_copy(zn_hbm.at[pl.ds(0, _E)], src_r.at[b], sems[b]).wait()
        pltpu.make_async_copy(zn_hbm.at[pl.ds(0, _E)], dst_r.at[b], sems[b]).wait()
        pltpu.make_async_copy(cos_hbm.at[pl.ds(0, _E)], rel_r.at[b], sems[b]).wait()

    def compute(c, b):
        src_f = src_r.at[b]
        dst_f = dst_r.at[b]
        rel_f = rel_r.at[b]

        def unpk(x):
            return plsc.unpack(plsc.bitcast(x, jnp.bfloat16),
                               format=plsc.PackFormat.INTERLEAVED)

        def group_body(g, carry):
            rows = g * 16 + lane

            def t_body(t, accs):
                a0, a1, col = accs
                sp = plsc.load_gather(src_f, [rows, col])
                up = plsc.load_gather(dst_f, [rows, col])
                rp = plsc.load_gather(rel_f, [rows, col])
                s0, s1 = unpk(sp)
                u0, u1 = unpk(up)
                r0, r1 = unpk(rp)
                nxt = lax.bitwise_and(col + 1, _DP - 1)
                return (a0 + s0 * u0 * r0, a1 + s1 * u1 * r1, nxt)

            z16 = jnp.zeros((16,), jnp.float32)
            a0, a1, _ = lax.fori_loop(0, _DP, t_body, (z16, z16, lane),
                                      unroll=4)
            out_v[pl.ds(c * _E + g * 16, 16)] = a0 + a1
            return carry

        lax.fori_loop(0, _E // 16, group_body, 0)

    for b in range(_NB - 1):
        fire(b, b)

    def ring_body(t, carry):
        i = t * _NB
        for b in range(_NB):
            c = i + b

            @pl.when(c + _NB - 1 < _CHUNKS)
            def _():
                fire(c + _NB - 1, (b + _NB - 1) % _NB)

            @pl.when(c < _CHUNKS)
            def _():
                drain(b)
                compute(c, b)

        return carry

    lax.fori_loop(0, (_CHUNKS + _NB - 1) // _NB, ring_body, 0)
    pltpu.sync_copy(out_v, out_hbm.at[pl.ds(base, _EPW)])


def kernel(z, phase_rel, edge_index, edge_type):
    zn, cosr = _precompute(z, phase_rel)
    zn_p = jax.lax.bitcast_convert_type(
        zn.astype(jnp.bfloat16).reshape(_N_NODES, _DP, 2), jnp.int32)
    cos_p = jax.lax.bitcast_convert_type(
        cosr.astype(jnp.bfloat16).reshape(_NUM_REL, _DP, 2), jnp.int32)
    src = edge_index[0]
    dst = edge_index[1]
    return _score_sc(zn_p, cos_p, src, dst, edge_type)

# --- scband reference (transcript-rebuilt; emitter-appended) ---
"""Pipeline reference for scband-rotat-edecoder-30674656428511 (READ-ONLY COPY).

The authoritative reference and input builder live on the scoring server;
editing this copy changes nothing except your own understanding.
"""

import jax, jax.numpy as jnp
import numpy as np

N_NODES = 10000
N_EDGES = 320000
D = 128
NUM_REL = 1000


def setup_inputs(seed: int = 0) -> dict:
    key = jax.random.key(seed)
    k1, k2, k3, k4 = jax.random.split(key, 4)
    z = jax.random.normal(k1, (N_NODES, D), dtype=jnp.float32)
    edge_index = jax.random.randint(k2, (2, N_EDGES), 0, N_NODES, dtype=jnp.int64 if jax.config.jax_enable_x64 else jnp.int32).astype(jnp.int32)
    edge_type = jax.random.randint(k3, (N_EDGES,), 0, NUM_REL).astype(jnp.int32)
    # learned parameter: relation phases, init uniform(-pi, pi) like the torch module
    phase_rel = jax.random.uniform(k4, (NUM_REL, D), dtype=jnp.float32, minval=-3.141592653589793, maxval=3.141592653589793)
    return {"z": z, "phase_rel": phase_rel, "edge_index": edge_index, "edge_type": edge_type}


def reference(z, phase_rel, edge_index, edge_type):
    # F.normalize(z, p=2, dim=1) with eps=1e-12 clamp
    norm = jnp.sqrt(jnp.sum(z * z, axis=1, keepdims=True))
    zn = z / jnp.maximum(norm, 1e-12)
    # view_as_complex(stack([z, zeros_like(z)], -1)) -> complex with zero imag
    zc = jax.lax.complex(zn, jnp.zeros_like(zn))
    z_src = jnp.take(zc, edge_index[0], axis=0)
    z_dst = jnp.take(zc, edge_index[1], axis=0)
    # phase_rel -> unit complex rotations
    rel_c = jax.lax.complex(jnp.cos(phase_rel), jnp.sin(phase_rel))
    rel = jnp.take(rel_c, edge_type, axis=0)
    score = jnp.real(jnp.sum(z_src * rel * jnp.conj(z_dst), axis=1))
    return score


if False:  # reference __main__ guard neutralized (emitter)
    out = reference(**setup_inputs())
    print(out.shape, out.dtype)

if __name__ == "__main__":
    import jax
    _d = setup_inputs()
    print(jax.jit(kernel)(*tuple(_d.values())))

</pallas_src>

<mosaic_0001>
#map = affine_map<(d0, d1) -> (0, 0)>
#map1 = affine_map<(d0, d1) -> (0)>
module attributes {stable_mosaic.version = 14 : i64} {
  func.func @_score_sc(%arg0: i32, %arg1: i32, %arg2: memref<10000x64xi32, #tpu.memory_space<hbm>>, %arg3: memref<1000x64xi32, #tpu.memory_space<hbm>>, %arg4: memref<320000xi32, #tpu.memory_space<hbm>>, %arg5: memref<320000xi32, #tpu.memory_space<hbm>>, %arg6: memref<320000xi32, #tpu.memory_space<hbm>>, %arg7: memref<320000xf32, #tpu.memory_space<hbm>>, %arg8: memref<10000xi32, #tpu.memory_space<vmem>>, %arg9: memref<10000xi32, #tpu.memory_space<vmem>>, %arg10: memref<10000xi32, #tpu.memory_space<vmem>>, %arg11: memref<4x80x64xi32, #tpu.memory_space<vmem>>, %arg12: memref<4x80x64xi32, #tpu.memory_space<vmem>>, %arg13: memref<4x80x64xi32, #tpu.memory_space<vmem>>, %arg14: memref<10000xf32, #tpu.memory_space<vmem>>, %arg15: memref<!tpu.dma_semaphore, #tpu.memory_space<semaphore_mem>>, %arg16: memref<!tpu.dma_semaphore, #tpu.memory_space<semaphore_mem>>, %arg17: memref<!tpu.dma_semaphore, #tpu.memory_space<semaphore_mem>>, %arg18: memref<!tpu.dma_semaphore, #tpu.memory_space<semaphore_mem>>) attributes {dimension_semantics = [#tpu.dimension_semantics<core_parallel>, #tpu.dimension_semantics<subcore_parallel>], iteration_bounds = array<i64: 2, 16>, scalar_prefetch = 0 : i64, scratch_operands = 11 : i64, tpu.core_type = #tpu.core_type<sc_vector_subcore>, window_params = [{transform_indices = #map}, {transform_indices = #map}, {transform_indices = #map1}, {transform_indices = #map1}, {transform_indices = #map1}, {transform_indices = #map1}]} {
    %mul3A = arith.constant 2 : i32
    %mul3A_0 = arith.muli %arg1, %mul3A : i32
    %add3A = arith.addi %mul3A_0, %arg0 : i32
    %mul3A_1 = arith.constant 10000 : i32
    %mul3A_2 = arith.muli %add3A, %mul3A_1 : i32
    %multiple_of3A = tpu.assume_multiple %mul3A_2, 10000 : i32
    "tpu.region"() ({
      %run_scoped3A = tpu.sem_alloc : memref<!tpu.dma_semaphore, #tpu.memory_space<semaphore_mem>>
      %dma_start3A_94 = tpu.memref_slice %arg4[%multiple_of3A] : memref<320000xi32, #tpu.memory_space<hbm>> -> memref<10000xi32, #tpu.memory_space<hbm>>
      %dma_start3A_95 = tpu.memref_slice %arg4[%multiple_of3A] : memref<320000xi32, #tpu.memory_space<hbm>> -> memref<10000xi32, #tpu.memory_space<hbm>>
      tpu.enqueue_dma source(%dma_start3A_95 : memref<10000xi32, #tpu.memory_space<hbm>>) target(%arg8 : memref<10000xi32, #tpu.memory_space<vmem>>) target_semaphore(%run_scoped3A : memref<!tpu.dma_semaphore, #tpu.memory_space<semaphore_mem>>)
      %dma_wait3A = tpu.memref_slice %arg4[%multiple_of3A] : memref<320000xi32, #tpu.memory_space<hbm>> -> memref<10000xi32, #tpu.memory_space<hbm>>
      %dma_wait3A_96 = tpu.memref_slice %arg4[%multiple_of3A] : memref<320000xi32, #tpu.memory_space<hbm>> -> memref<10000xi32, #tpu.memory_space<hbm>>
      tpu.wait_dma2 semaphore(%run_scoped3A : memref<!tpu.dma_semaphore, #tpu.memory_space<semaphore_mem>>) src(%dma_wait3A_96 : memref<10000xi32, #tpu.memory_space<hbm>>) dst(%arg8 : memref<10000xi32, #tpu.memory_space<vmem>>)
      tpu.yield
    }) : () -> ()
    "tpu.region"() ({
      %run_scoped3A = tpu.sem_alloc : memref<!tpu.dma_semaphore, #tpu.memory_space<semaphore_mem>>
      %dma_start3A_94 = tpu.memref_slice %arg5[%multiple_of3A] : memref<320000xi32, #tpu.memory_space<hbm>> -> memref<10000xi32, #tpu.memory_space<hbm>>
      %dma_start3A_95 = tpu.memref_slice %arg5[%multiple_of3A] : memref<320000xi32, #tpu.memory_space<hbm>> -> memref<10000xi32, #tpu.memory_space<hbm>>
      tpu.enqueue_dma source(%dma_start3A_95 : memref<10000xi32, #tpu.memory_space<hbm>>) target(%arg9 : memref<10000xi32, #tpu.memory_space<vmem>>) target_semaphore(%run_scoped3A : memref<!tpu.dma_semaphore, #tpu.memory_space<semaphore_mem>>)
      %dma_wait3A = tpu.memref_slice %arg5[%multiple_of3A] : memref<320000xi32, #tpu.memory_space<hbm>> -> memref<10000xi32, #tpu.memory_space<hbm>>
      %dma_wait3A_96 = tpu.memref_slice %arg5[%multiple_of3A] : memref<320000xi32, #tpu.memory_space<hbm>> -> memref<10000xi32, #tpu.memory_space<hbm>>
      tpu.wait_dma2 semaphore(%run_scoped3A : memref<!tpu.dma_semaphore, #tpu.memory_space<semaphore_mem>>) src(%dma_wait3A_96 : memref<10000xi32, #tpu.memory_space<hbm>>) dst(%arg9 : memref<10000xi32, #tpu.memory_space<vmem>>)
      tpu.yield
    }) : () -> ()
    "tpu.region"() ({
      %run_scoped3A = tpu.sem_alloc : memref<!tpu.dma_semaphore, #tpu.memory_space<semaphore_mem>>
      %dma_start3A_94 = tpu.memref_slice %arg6[%multiple_of3A] : memref<320000xi32, #tpu.memory_space<hbm>> -> memref<10000xi32, #tpu.memory_space<hbm>>
      %dma_start3A_95 = tpu.memref_slice %arg6[%multiple_of3A] : memref<320000xi32, #tpu.memory_space<hbm>> -> memref<10000xi32, #tpu.memory_space<hbm>>
      tpu.enqueue_dma source(%dma_start3A_95 : memref<10000xi32, #tpu.memory_space<hbm>>) target(%arg10 : memref<10000xi32, #tpu.memory_space<vmem>>) target_semaphore(%run_scoped3A : memref<!tpu.dma_semaphore, #tpu.memory_space<semaphore_mem>>)
      %dma_wait3A = tpu.memref_slice %arg6[%multiple_of3A] : memref<320000xi32, #tpu.memory_space<hbm>> -> memref<10000xi32, #tpu.memory_space<hbm>>
      %dma_wait3A_96 = tpu.memref_slice %arg6[%multiple_of3A] : memref<320000xi32, #tpu.memory_space<hbm>> -> memref<10000xi32, #tpu.memory_space<hbm>>
      tpu.wait_dma2 semaphore(%run_scoped3A : memref<!tpu.dma_semaphore, #tpu.memory_space<semaphore_mem>>) src(%dma_wait3A_96 : memref<10000xi32, #tpu.memory_space<hbm>>) dst(%arg10 : memref<10000xi32, #tpu.memory_space<vmem>>)
      tpu.yield
    }) : () -> ()
    %iota3A = tpu.iota {dimensions = array<i32: 0>} : vector<16xi32>
    %multiple_of3A_3 = arith.constant 0 : i32
    %multiple_of3A_4 = tpu.assume_multiple %multiple_of3A_3, 80 : i32
    %dma_start3A = arith.constant 0 : i32
    %dma_start3A_5 = arith.constant 0 : i32
    %dma_start3A_6 = arith.constant 0 : i32
    %dma_start3A_7 = tpu.memref_slice %arg11[%dma_start3A, %dma_start3A_5, %dma_start3A_6] : memref<4x80x64xi32, #tpu.memory_space<vmem>> -> memref<1x80x64xi32, #tpu.memory_space<vmem>>
    %dma_start3A_8 = tpu.memref_squeeze %dma_start3A_7 : memref<1x80x64xi32, #tpu.memory_space<vmem>> -> memref<80x64xi32, #tpu.memory_space<vmem>>
    %dma_start3A_9 = tpu.memref_slice %arg8[%multiple_of3A_4] : memref<10000xi32, #tpu.memory_space<vmem>> -> memref<80xi32, #tpu.memory_space<vmem>>
    %dma_start3A_10 = arith.constant 0 : i32
    %dma_start3A_11 = arith.constant 0 : i32
    %dma_start3A_12 = tpu.memref_slice %arg2[%dma_start3A_10, %dma_start3A_11] : memref<10000x64xi32, #tpu.memory_space<hbm>> -> memref<10000x64xi32, #tpu.memory_space<hbm>>
    tpu.enqueue_indirect_dma source(%dma_start3A_12 : memref<10000x64xi32, #tpu.memory_space<hbm>>) target(%dma_start3A_8 : memref<80x64xi32, #tpu.memory_space<vmem>>) offsets(%dma_start3A_9 : memref<80xi32, #tpu.memory_space<vmem>>) semaphore(%arg15 : memref<!tpu.dma_semaphore, #tpu.memory_space<semaphore_mem>>)
    %dma_start3A_13 = arith.constant 0 : i32
    %dma_start3A_14 = arith.constant 0 : i32
    %dma_start3A_15 = arith.constant 0 : i32
    %dma_start3A_16 = tpu.memref_slice %arg12[%dma_start3A_13, %dma_start3A_14, %dma_start3A_15] : memref<4x80x64xi32, #tpu.memory_space<vmem>> -> memref<1x80x64xi32, #tpu.memory_space<vmem>>
    %dma_start3A_17 = tpu.memref_squeeze %dma_start3A_16 : memref<1x80x64xi32, #tpu.memory_space<vmem>> -> memref<80x64xi32, #tpu.memory_space<vmem>>
    %dma_start3A_18 = tpu.memref_slice %arg9[%multiple_of3A_4] : memref<10000xi32, #tpu.memory_space<vmem>> -> memref<80xi32, #tpu.memory_space<vmem>>
    %dma_start3A_19 = arith.constant 0 : i32
    %dma_start3A_20 = arith.constant 0 : i32
    %dma_start3A_21 = tpu.memref_slice %arg2[%dma_start3A_19, %dma_start3A_20] : memref<10000x64xi32, #tpu.memory_space<hbm>> -> memref<10000x64xi32, #tpu.memory_space<hbm>>
    tpu.enqueue_indirect_dma source(%dma_start3A_21 : memref<10000x64xi32, #tpu.memory_space<hbm>>) target(%dma_start3A_17 : memref<80x64xi32, #tpu.memory_space<vmem>>) offsets(%dma_start3A_18 : memref<80xi32, #tpu.memory_space<vmem>>) semaphore(%arg15 : memref<!tpu.dma_semaphore, #tpu.memory_space<semaphore_mem>>)
    %dma_start3A_22 = arith.constant 0 : i32
    %dma_start3A_23 = arith.constant 0 : i32
    %dma_start3A_24 = arith.constant 0 : i32
    %dma_start3A_25 = tpu.memref_slice %arg13[%dma_start3A_22, %dma_start3A_23, %dma_start3A_24] : memref<4x80x64xi32, #tpu.memory_space<vmem>> -> memref<1x80x64xi32, #tpu.memory_space<vmem>>
    %dma_start3A_26 = tpu.memref_squeeze %dma_start3A_25 : memref<1x80x64xi32, #tpu.memory_space<vmem>> -> memref<80x64xi32, #tpu.memory_space<vmem>>
    %dma_start3A_27 = tpu.memref_slice %arg10[%multiple_of3A_4] : memref<10000xi32, #tpu.memory_space<vmem>> -> memref<80xi32, #tpu.memory_space<vmem>>
    %dma_start3A_28 = arith.constant 0 : i32
    %dma_start3A_29 = arith.constant 0 : i32
    %dma_start3A_30 = tpu.memref_slice %arg3[%dma_start3A_28, %dma_start3A_29] : memref<1000x64xi32, #tpu.memory_space<hbm>> -> memref<1000x64xi32, #tpu.memory_space<hbm>>
    tpu.enqueue_indirect_dma source(%dma_start3A_30 : memref<1000x64xi32, #tpu.memory_space<hbm>>) target(%dma_start3A_26 : memref<80x64xi32, #tpu.memory_space<vmem>>) offsets(%dma_start3A_27 : memref<80xi32, #tpu.memory_space<vmem>>) semaphore(%arg15 : memref<!tpu.dma_semaphore, #tpu.memory_space<semaphore_mem>>)
    %multiple_of3A_31 = arith.constant 80 : i32
    %multiple_of3A_32 = tpu.assume_multiple %multiple_of3A_31, 80 : i32
    %dma_start3A_33 = arith.constant 1 : i32
    %dma_start3A_34 = arith.constant 0 : i32
    %dma_start3A_35 = arith.constant 0 : i32
    %dma_start3A_36 = tpu.memref_slice %arg11[%dma_start3A_33, %dma_start3A_34, %dma_start3A_35] : memref<4x80x64xi32, #tpu.memory_space<vmem>> -> memref<1x80x64xi32, #tpu.memory_space<vmem>>
    %dma_start3A_37 = tpu.memref_squeeze %dma_start3A_36 : memref<1x80x64xi32, #tpu.memory_space<vmem>> -> memref<80x64xi32, #tpu.memory_space<vmem>>
    %dma_start3A_38 = tpu.memref_slice %arg8[%multiple_of3A_32] : memref<10000xi32, #tpu.memory_space<vmem>> -> memref<80xi32, #tpu.memory_space<vmem>>
    %dma_start3A_39 = arith.constant 0 : i32
    %dma_start3A_40 = arith.constant 0 : i32
    %dma_start3A_41 = tpu.memref_slice %arg2[%dma_start3A_39, %dma_start3A_40] : memref<10000x64xi32, #tpu.memory_space<hbm>> -> memref<10000x64xi32, #tpu.memory_space<hbm>>
    tpu.enqueue_indirect_dma source(%dma_start3A_41 : memref<10000x64xi32, #tpu.memory_space<hbm>>) target(%dma_start3A_37 : memref<80x64xi32, #tpu.memory_space<vmem>>) offsets(%dma_start3A_38 : memref<80xi32, #tpu.memory_space<vmem>>) semaphore(%arg16 : memref<!tpu.dma_semaphore, #tpu.memory_space<semaphore_mem>>)
    %dma_start3A_42 = arith.constant 1 : i32
    %dma_start3A_43 = arith.constant 0 : i32
    %dma_start3A_44 = arith.constant 0 : i32
    %dma_start3A_45 = tpu.memref_slice %arg12[%dma_start3A_42, %dma_start3A_43, %dma_start3A_44] : memref<4x80x64xi32, #tpu.memory_space<vmem>> -> memref<1x80x64xi32, #tpu.memory_space<vmem>>
    %dma_start3A_46 = tpu.memref_squeeze %dma_start3A_45 : memref<1x80x64xi32, #tpu.memory_space<vmem>> -> memref<80x64xi32, #tpu.memory_space<vmem>>
    %dma_start3A_47 = tpu.memref_slice %arg9[%multiple_of3A_32] : memref<10000xi32, #tpu.memory_space<vmem>> -> memref<80xi32, #tpu.memory_space<vmem>>
    %dma_start3A_48 = arith.constant 0 : i32
    %dma_start3A_49 = arith.constant 0 : i32
    %dma_start3A_50 = tpu.memref_slice %arg2[%dma_start3A_48, %dma_start3A_49] : memref<10000x64xi32, #tpu.memory_space<hbm>> -> memref<10000x64xi32, #tpu.memory_space<hbm>>
    tpu.enqueue_indirect_dma source(%dma_start3A_50 : memref<10000x64xi32, #tpu.memory_space<hbm>>) target(%dma_start3A_46 : memref<80x64xi32, #tpu.memory_space<vmem>>) offsets(%dma_start3A_47 : memref<80xi32, #tpu.memory_space<vmem>>) semaphore(%arg16 : memref<!tpu.dma_semaphore, #tpu.memory_space<semaphore_mem>>)
    %dma_start3A_51 = arith.constant 1 : i32
    %dma_start3A_52 = arith.constant 0 : i32
    %dma_start3A_53 = arith.constant 0 : i32
    %dma_start3A_54 = tpu.memref_slice %arg13[%dma_start3A_51, %dma_start3A_52, %dma_start3A_53] : memref<4x80x64xi32, #tpu.memory_space<vmem>> -> memref<1x80x64xi32, #tpu.memory_space<vmem>>
    %dma_start3A_55 = tpu.memref_squeeze %dma_start3A_54 : memref<1x80x64xi32, #tpu.memory_space<vmem>> -> memref<80x64xi32, #tpu.memory_space<vmem>>
    %dma_start3A_56 = tpu.memref_slice %arg10[%multiple_of3A_32] : memref<10000xi32, #tpu.memory_space<vmem>> -> memref<80xi32, #tpu.memory_space<vmem>>
    %dma_start3A_57 = arith.constant 0 : i32
    %dma_start3A_58 = arith.constant 0 : i32
    %dma_start3A_59 = tpu.memref_slice %arg3[%dma_start3A_57, %dma_start3A_58] : memref<1000x64xi32, #tpu.memory_space<hbm>> -> memref<1000x64xi32, #tpu.memory_space<hbm>>
    tpu.enqueue_indirect_dma source(%dma_start3A_59 : memref<1000x64xi32, #tpu.memory_space<hbm>>) target(%dma_start3A_55 : memref<80x64xi32, #tpu.memory_space<vmem>>) offsets(%dma_start3A_56 : memref<80xi32, #tpu.memory_space<vmem>>) semaphore(%arg16 : memref<!tpu.dma_semaphore, #tpu.memory_space<semaphore_mem>>)
    %multiple_of3A_60 = arith.constant 160 : i32
    %multiple_of3A_61 = tpu.assume_multiple %multiple_of3A_60, 80 : i32
    %dma_start3A_62 = arith.constant 2 : i32
    %dma_start3A_63 = arith.constant 0 : i32
    %dma_start3A_64 = arith.constant 0 : i32
    %dma_start3A_65 = tpu.memref_slice %arg11[%dma_start3A_62, %dma_start3A_63, %dma_start3A_64] : memref<4x80x64xi32, #tpu.memory_space<vmem>> -> memref<1x80x64xi32, #tpu.memory_space<vmem>>
    %dma_start3A_66 = tpu.memref_squeeze %dma_start3A_65 : memref<1x80x64xi32, #tpu.memory_space<vmem>> -> memref<80x64xi32, #tpu.memory_space<vmem>>
    %dma_start3A_67 = tpu.memref_slice %arg8[%multiple_of3A_61] : memref<10000xi32, #tpu.memory_space<vmem>> -> memref<80xi32, #tpu.memory_space<vmem>>
    %dma_start3A_68 = arith.constant 0 : i32
    %dma_start3A_69 = arith.constant 0 : i32
    %dma_start3A_70 = tpu.memref_slice %arg2[%dma_start3A_68, %dma_start3A_69] : memref<10000x64xi32, #tpu.memory_space<hbm>> -> memref<10000x64xi32, #tpu.memory_space<hbm>>
    tpu.enqueue_indirect_dma source(%dma_start3A_70 : memref<10000x64xi32, #tpu.memory_space<hbm>>) target(%dma_start3A_66 : memref<80x64xi32, #tpu.memory_space<vmem>>) offsets(%dma_start3A_67 : memref<80xi32, #tpu.memory_space<vmem>>) semaphore(%arg17 : memref<!tpu.dma_semaphore, #tpu.memory_space<semaphore_mem>>)
    %dma_start3A_71 = arith.constant 2 : i32
    %dma_start3A_72 = arith.constant 0 : i32
    %dma_start3A_73 = arith.constant 0 : i32
    %dma_start3A_74 = tpu.memref_slice %arg12[%dma_start3A_71, %dma_start3A_72, %dma_start3A_73] : memref<4x80x64xi32, #tpu.memory_space<vmem>> -> memref<1x80x64xi32, #tpu.memory_space<vmem>>
    %dma_start3A_75 = tpu.memref_squeeze %dma_start3A_74 : memref<1x80x64xi32, #tpu.memory_space<vmem>> -> memref<80x64xi32, #tpu.memory_space<vmem>>
    %dma_start3A_76 = tpu.memref_slice %arg9[%multiple_of3A_61] : memref<10000xi32, #tpu.memory_space<vmem>> -> memref<80xi32, #tpu.memory_space<vmem>>
    %dma_start3A_77 = arith.constant 0 : i32
    %dma_start3A_78 = arith.constant 0 : i32
    %dma_start3A_79 = tpu.memref_slice %arg2[%dma_start3A_77, %dma_start3A_78] : memref<10000x64xi32, #tpu.memory_space<hbm>> -> memref<10000x64xi32, #tpu.memory_space<hbm>>
    tpu.enqueue_indirect_dma source(%dma_start3A_79 : memref<10000x64xi32, #tpu.memory_space<hbm>>) target(%dma_start3A_75 : memref<80x64xi32, #tpu.memory_space<vmem>>) offsets(%dma_start3A_76 : memref<80xi32, #tpu.memory_space<vmem>>) semaphore(%arg17 : memref<!tpu.dma_semaphore, #tpu.memory_space<semaphore_mem>>)
    %dma_start3A_80 = arith.constant 2 : i32
    %dma_start3A_81 = arith.constant 0 : i32
    %dma_start3A_82 = arith.constant 0 : i32
    %dma_start3A_83 = tpu.memref_slice %arg13[%dma_start3A_80, %dma_start3A_81, %dma_start3A_82] : memref<4x80x64xi32, #tpu.memory_space<vmem>> -> memref<1x80x64xi32, #tpu.memory_space<vmem>>
    %dma_start3A_84 = tpu.memref_squeeze %dma_start3A_83 : memref<1x80x64xi32, #tpu.memory_space<vmem>> -> memref<80x64xi32, #tpu.memory_space<vmem>>
    %dma_start3A_85 = tpu.memref_slice %arg10[%multiple_of3A_61] : memref<10000xi32, #tpu.memory_space<vmem>> -> memref<80xi32, #tpu.memory_space<vmem>>
    %dma_start3A_86 = arith.constant 0 : i32
    %dma_start3A_87 = arith.constant 0 : i32
    %dma_start3A_88 = tpu.memref_slice %arg3[%dma_start3A_86, %dma_start3A_87] : memref<1000x64xi32, #tpu.memory_space<hbm>> -> memref<1000x64xi32, #tpu.memory_space<hbm>>
    tpu.enqueue_indirect_dma source(%dma_start3A_88 : memref<1000x64xi32, #tpu.memory_space<hbm>>) target(%dma_start3A_84 : memref<80x64xi32, #tpu.memory_space<vmem>>) offsets(%dma_start3A_85 : memref<80xi32, #tpu.memory_space<vmem>>) semaphore(%arg17 : memref<!tpu.dma_semaphore, #tpu.memory_space<semaphore_mem>>)
    %scan3A = arith.constant 0 : i32
    %scan3A_89 = arith.constant 0 : i32
    %scan3A_90 = arith.constant 32 : i32
    %scan3A_91 = arith.addi %scan3A_89, %scan3A_90 : i32
    %scan3A_92 = arith.constant 1 : i32
    scf.for %scan3A_94 = %scan3A_89 to %scan3A_91 step %scan3A_92  : i32 {
      %mul3A_95 = arith.constant 4 : i32
      %mul3A_96 = arith.muli %scan3A_94, %mul3A_95 : i32
      %add3A_97 = arith.constant 0 : i32
      %add3A_98 = arith.addi %mul3A_96, %add3A_97 : i32
      %add3A_99 = arith.constant 4 : i32
      %add3A_100 = arith.addi %add3A_98, %add3A_99 : i32
      %sub3A = arith.constant 1 : i32
      %sub3A_101 = arith.subi %add3A_100, %sub3A : i32
      %lt3A = arith.constant 125 : i32
      %lt3A_102 = arith.cmpi slt, %sub3A_101, %lt3A : i32
      %convert_element_type3A = arith.extui %lt3A_102 : i1 to i32
      %cond3A = arith.constant 0 : i32
      %cond3A_103 = arith.cmpi ne, %convert_element_type3A, %cond3A : i32
      scf.if %cond3A_103 {
        %add3A_157 = arith.constant 4 : i32
        %add3A_158 = arith.addi %add3A_98, %add3A_157 : i32
        %sub3A_159 = arith.constant 1 : i32
        %sub3A_160 = arith.subi %add3A_158, %sub3A_159 : i32
        %mul3A_161 = arith.constant 80 : i32
        %mul3A_162 = arith.muli %sub3A_160, %mul3A_161 : i32
        %multiple_of3A_163 = tpu.assume_multiple %mul3A_162, 80 : i32
        %dma_start3A_164 = arith.constant 3 : i32
        %dma_start3A_165 = arith.constant 0 : i32
        %dma_start3A_166 = arith.constant 0 : i32
        %dma_start3A_167 = tpu.memref_slice %arg11[%dma_start3A_164, %dma_start3A_165, %dma_start3A_166] : memref<4x80x64xi32, #tpu.memory_space<vmem>> -> memref<1x80x64xi32, #tpu.memory_space<vmem>>
        %dma_start3A_168 = tpu.memref_squeeze %dma_start3A_167 : memref<1x80x64xi32, #tpu.memory_space<vmem>> -> memref<80x64xi32, #tpu.memory_space<vmem>>
        %dma_start3A_169 = tpu.memref_slice %arg8[%multiple_of3A_163] : memref<10000xi32, #tpu.memory_space<vmem>> -> memref<80xi32, #tpu.memory_space<vmem>>
        %dma_start3A_170 = arith.constant 0 : i32
        %dma_start3A_171 = arith.constant 0 : i32
        %dma_start3A_172 = tpu.memref_slice %arg2[%dma_start3A_170, %dma_start3A_171] : memref<10000x64xi32, #tpu.memory_space<hbm>> -> memref<10000x64xi32, #tpu.memory_space<hbm>>
        tpu.enqueue_indirect_dma source(%dma_start3A_172 : memref<10000x64xi32, #tpu.memory_space<hbm>>) target(%dma_start3A_168 : memref<80x64xi32, #tpu.memory_space<vmem>>) offsets(%dma_start3A_169 : memref<80xi32, #tpu.memory_space<vmem>>) semaphore(%arg18 : memref<!tpu.dma_semaphore, #tpu.memory_space<semaphore_mem>>)
        %dma_start3A_173 = arith.constant 3 : i32
        %dma_start3A_174 = arith.constant 0 : i32
        %dma_start3A_175 = arith.constant 0 : i32
        %dma_start3A_176 = tpu.memref_slice %arg12[%dma_start3A_173, %dma_start3A_174, %dma_start3A_175] : memref<4x80x64xi32, #tpu.memory_space<vmem>> -> memref<1x80x64xi32, #tpu.memory_space<vmem>>
        %dma_start3A_177 = tpu.memref_squeeze %dma_start3A_176 : memref<1x80x64xi32, #tpu.memory_space<vmem>> -> memref<80x64xi32, #tpu.memory_space<vmem>>
        %dma_start3A_178 = tpu.memref_slice %arg9[%multiple_of3A_163] : memref<10000xi32, #tpu.memory_space<vmem>> -> memref<80xi32, #tpu.memory_space<vmem>>
        %dma_start3A_179 = arith.constant 0 : i32
        %dma_start3A_180 = arith.constant 0 : i32
        %dma_start3A_181 = tpu.memref_slice %arg2[%dma_start3A_179, %dma_start3A_180] : memref<10000x64xi32, #tpu.memory_space<hbm>> -> memref<10000x64xi32, #tpu.memory_space<hbm>>
        tpu.enqueue_indirect_dma source(%dma_start3A_181 : memref<10000x64xi32, #tpu.memory_space<hbm>>) target(%dma_start3A_177 : memref<80x64xi32, #tpu.memory_space<vmem>>) offsets(%dma_start3A_178 : memref<80xi32, #tpu.memory_space<vmem>>) semaphore(%arg18 : memref<!tpu.dma_semaphore, #tpu.memory_space<semaphore_mem>>)
        %dma_start3A_182 = arith.constant 3 : i32
        %dma_start3A_183 = arith.constant 0 : i32
        %dma_start3A_184 = arith.constant 0 : i32
        %dma_start3A_185 = tpu.memref_slice %arg13[%dma_start3A_182, %dma_start3A_183, %dma_start3A_184] : memref<4x80x64xi32, #tpu.memory_space<vmem>> -> memref<1x80x64xi32, #tpu.memory_space<vmem>>
        %dma_start3A_186 = tpu.memref_squeeze %dma_start3A_185 : memref<1x80x64xi32, #tpu.memory_space<vmem>> -> memref<80x64xi32, #tpu.memory_space<vmem>>
        %dma_start3A_187 = tpu.memref_slice %arg10[%multiple_of3A_163] : memref<10000xi32, #tpu.memory_space<vmem>> -> memref<80xi32, #tpu.memory_space<vmem>>
        %dma_start3A_188 = arith.constant 0 : i32
        %dma_start3A_189 = arith.constant 0 : i32
        %dma_start3A_190 = tpu.memref_slice %arg3[%dma_start3A_188, %dma_start3A_189] : memref<1000x64xi32, #tpu.memory_space<hbm>> -> memref<1000x64xi32, #tpu.memory_space<hbm>>
        tpu.enqueue_indirect_dma source(%dma_start3A_190 : memref<1000x64xi32, #tpu.memory_space<hbm>>) target(%dma_start3A_186 : memref<80x64xi32, #tpu.memory_space<vmem>>) offsets(%dma_start3A_187 : memref<80xi32, #tpu.memory_space<vmem>>) semaphore(%arg18 : memref<!tpu.dma_semaphore, #tpu.memory_space<semaphore_mem>>)
      } else {
      }
      %lt3A_104 = arith.constant 125 : i32
      %lt3A_105 = arith.cmpi slt, %add3A_98, %lt3A_104 : i32
      %convert_element_type3A_106 = arith.extui %lt3A_105 : i1 to i32
      %cond3A_107 = arith.constant 0 : i32
      %cond3A_108 = arith.cmpi ne, %convert_element_type3A_106, %cond3A_107 : i32
      scf.if %cond3A_108 {
        %dma_wait3A = arith.constant 0 : i32
        %dma_wait3A_157 = arith.constant 0 : i32
        %dma_wait3A_158 = arith.constant 0 : i32
        %dma_wait3A_159 = tpu.memref_slice %arg11[%dma_wait3A, %dma_wait3A_157, %dma_wait3A_158] : memref<4x80x64xi32, #tpu.memory_space<vmem>> -> memref<1x80x64xi32, #tpu.memory_space<vmem>>
        %dma_wait3A_160 = tpu.memref_squeeze %dma_wait3A_159 : memref<1x80x64xi32, #tpu.memory_space<vmem>> -> memref<80x64xi32, #tpu.memory_space<vmem>>
        %dma_wait3A_161 = arith.constant 0 : i32
        %dma_wait3A_162 = arith.constant 0 : i32
        %dma_wait3A_163 = tpu.memref_slice %arg2[%dma_wait3A_161, %dma_wait3A_162] : memref<10000x64xi32, #tpu.memory_space<hbm>> -> memref<80x64xi32, #tpu.memory_space<hbm>>
        %dma_wait3A_164 = arith.constant 0 : i32
        %dma_wait3A_165 = arith.constant 0 : i32
        %dma_wait3A_166 = tpu.memref_slice %arg11[%dma_wait3A, %dma_wait3A_164, %dma_wait3A_165] : memref<4x80x64xi32, #tpu.memory_space<vmem>> -> memref<1x80x64xi32, #tpu.memory_space<vmem>>
        %dma_wait3A_167 = tpu.memref_squeeze %dma_wait3A_166 : memref<1x80x64xi32, #tpu.memory_space<vmem>> -> memref<80x64xi32, #tpu.memory_space<vmem>>
        %dma_wait3A_168 = arith.constant 0 : i32
        %dma_wait3A_169 = arith.constant 0 : i32
        %dma_wait3A_170 = tpu.memref_slice %arg2[%dma_wait3A_168, %dma_wait3A_169] : memref<10000x64xi32, #tpu.memory_space<hbm>> -> memref<80x64xi32, #tpu.memory_space<hbm>>
        tpu.wait_dma2 semaphore(%arg15 : memref<!tpu.dma_semaphore, #tpu.memory_space<semaphore_mem>>) src(%dma_wait3A_170 : memref<80x64xi32, #tpu.memory_space<hbm>>) dst(%dma_wait3A_167 : memref<80x64xi32, #tpu.memory_space<vmem>>)
        %dma_wait3A_171 = arith.constant 0 : i32
        %dma_wait3A_172 = arith.constant 0 : i32
        %dma_wait3A_173 = arith.constant 0 : i32
        %dma_wait3A_174 = tpu.memref_slice %arg12[%dma_wait3A_171, %dma_wait3A_172, %dma_wait3A_173] : memref<4x80x64xi32, #tpu.memory_space<vmem>> -> memref<1x80x64xi32, #tpu.memory_space<vmem>>
        %dma_wait3A_175 = tpu.memref_squeeze %dma_wait3A_174 : memref<1x80x64xi32, #tpu.memory_space<vmem>> -> memref<80x64xi32, #tpu.memory_space<vmem>>
        %dma_wait3A_176 = arith.constant 0 : i32
        %dma_wait3A_177 = arith.constant 0 : i32
        %dma_wait3A_178 = tpu.memref_slice %arg2[%dma_wait3A_176, %dma_wait3A_177] : memref<10000x64xi32, #tpu.memory_space<hbm>> -> memref<80x64xi32, #tpu.memory_space<hbm>>
        %dma_wait3A_179 = arith.constant 0 : i32
        %dma_wait3A_180 = arith.constant 0 : i32
        %dma_wait3A_181 = tpu.memref_slice %arg12[%dma_wait3A_171, %dma_wait3A_179, %dma_wait3A_180] : memref<4x80x64xi32, #tpu.memory_space<vmem>> -> memref<1x80x64xi32, #tpu.memory_space<vmem>>
        %dma_wait3A_182 = tpu.memref_squeeze %dma_wait3A_181 : memref<1x80x64xi32, #tpu.memory_space<vmem>> -> memref<80x64xi32, #tpu.memory_space<vmem>>
        %dma_wait3A_183 = arith.constant 0 : i32
        %dma_wait3A_184 = arith.constant 0 : i32
        %dma_wait3A_185 = tpu.memref_slice %arg2[%dma_wait3A_183, %dma_wait3A_184] : memref<10000x64xi32, #tpu.memory_space<hbm>> -> memref<80x64xi32, #tpu.memory_space<hbm>>
        tpu.wait_dma2 semaphore(%arg15 : memref<!tpu.dma_semaphore, #tpu.memory_space<semaphore_mem>>) src(%dma_wait3A_185 : memref<80x64xi32, #tpu.memory_space<hbm>>) dst(%dma_wait3A_182 : memref<80x64xi32, #tpu.memory_space<vmem>>)
        %dma_wait3A_186 = arith.constant 0 : i32
        %dma_wait3A_187 = arith.constant 0 : i32
        %dma_wait3A_188 = arith.constant 0 : i32
        %dma_wait3A_189 = tpu.memref_slice %arg13[%dma_wait3A_186, %dma_wait3A_187, %dma_wait3A_188] : memref<4x80x64xi32, #tpu.memory_space<vmem>> -> memref<1x80x64xi32, #tpu.memory_space<vmem>>
        %dma_wait3A_190 = tpu.memref_squeeze %dma_wait3A_189 : memref<1x80x64xi32, #tpu.memory_space<vmem>> -> memref<80x64xi32, #tpu.memory_space<vmem>>
        %dma_wait3A_191 = arith.constant 0 : i32
        %dma_wait3A_192 = arith.constant 0 : i32
        %dma_wait3A_193 = tpu.memref_slice %arg3[%dma_wait3A_191, %dma_wait3A_192] : memref<1000x64xi32, #tpu.memory_space<hbm>> -> memref<80x64xi32, #tpu.memory_space<hbm>>
        %dma_wait3A_194 = arith.constant 0 : i32
        %dma_wait3A_195 = arith.constant 0 : i32
        %dma_wait3A_196 = tpu.memref_slice %arg13[%dma_wait3A_186, %dma_wait3A_194, %dma_wait3A_195] : memref<4x80x64xi32, #tpu.memory_space<vmem>> -> memref<1x80x64xi32, #tpu.memory_space<vmem>>
        %dma_wait3A_197 = tpu.memref_squeeze %dma_wait3A_196 : memref<1x80x64xi32, #tpu.memory_space<vmem>> -> memref<80x64xi32, #tpu.memory_space<vmem>>
        %dma_wait3A_198 = arith.constant 0 : i32
        %dma_wait3A_199 = arith.constant 0 : i32
        %dma_wait3A_200 = tpu.memref_slice %arg3[%dma_wait3A_198, %dma_wait3A_199] : memref<1000x64xi32, #tpu.memory_space<hbm>> -> memref<80x64xi32, #tpu.memory_space<hbm>>
        tpu.wait_dma2 semaphore(%arg15 : memref<!tpu.dma_semaphore, #tpu.memory_space<semaphore_mem>>) src(%dma_wait3A_200 : memref<80x64xi32, #tpu.memory_space<hbm>>) dst(%dma_wait3A_197 : memref<80x64xi32, #tpu.memory_space<vmem>>)
        %scan3A_201 = arith.constant 0 : i32
        %scan3A_202 = arith.constant 0 : i32
        %scan3A_203 = arith.constant 0 : i32
        %scan3A_204 = arith.constant 0 : i32
        %scan3A_205 = arith.constant 0 : i32
        %scan3A_206 = arith.constant 5 : i32
        %scan3A_207 = arith.addi %scan3A_205, %scan3A_206 : i32
        %scan3A_208 = arith.constant 1 : i32
        scf.for %scan3A_210 = %scan3A_205 to %scan3A_207 step %scan3A_208  : i32 {
          %mul3A_211 = arith.constant 16 : i32
          %mul3A_212 = arith.muli %scan3A_210, %mul3A_211 : i32
          %add3A_213 = vector.broadcast %mul3A_212 : i32 to vector<16xi32>
          %add3A_214 = arith.addi %add3A_213, %iota3A : vector<16xi32>
          %broadcast_in_dim3A = arith.constant 0.000000e+00 : f32
          %broadcast_in_dim3A_215 = vector.broadcast %broadcast_in_dim3A : f32 to vector<16xf32>
          %scan3A_216 = arith.constant 0 : i32
          %scan3A_217 = arith.constant 64 : i32
          %scan3A_218 = arith.addi %scan3A_216, %scan3A_217 : i32
          %scan3A_219 = arith.constant 4 : i32
          %scan3A_220:3 = scf.for %scan3A_229 = %scan3A_216 to %scan3A_218 step %scan3A_219 iter_args(%scan3A_230 = %broadcast_in_dim3A_215, %scan3A_231 = %broadcast_in_dim3A_215, %scan3A_232 = %iota3A) -> (vector<16xf32>, vector<16xf32>, vector<16xi32>)  : i32 {
            %gather3A = arith.constant 0 : i32
            %gather3A_233 = arith.constant 0 : i32
            %gather3A_234 = tpu.memref_slice %arg11[%scan3A_202, %gather3A, %gather3A_233] : memref<4x80x64xi32, #tpu.memory_space<vmem>> -> memref<1x80x64xi32, #tpu.memory_space<vmem>>
            %gather3A_235 = tpu.memref_squeeze %gather3A_234 : memref<1x80x64xi32, #tpu.memory_space<vmem>> -> memref<80x64xi32, #tpu.memory_space<vmem>>
            %gather3A_236 = tpu.vector_load_idx %gather3A_235[%add3A_214, %scan3A_232] : memref<80x64xi32, #tpu.memory_space<vmem>>[vector<16xi32>, vector<16xi32>], vector<16xi32>,
            %gather3A_237 = arith.constant 0 : i32
            %gather3A_238 = arith.constant 0 : i32
            %gather3A_239 = tpu.memref_slice %arg12[%scan3A_203, %gather3A_237, %gather3A_238] : memref<4x80x64xi32, #tpu.memory_space<vmem>> -> memref<1x80x64xi32, #tpu.memory_space<vmem>>
            %gather3A_240 = tpu.memref_squeeze %gather3A_239 : memref<1x80x64xi32, #tpu.memory_space<vmem>> -> memref<80x64xi32, #tpu.memory_space<vmem>>
            %gather3A_241 = tpu.vector_load_idx %gather3A_240[%add3A_214, %scan3A_232] : memref<80x64xi32, #tpu.memory_space<vmem>>[vector<16xi32>, vector<16xi32>], vector<16xi32>,
            %gather3A_242 = arith.constant 0 : i32
            %gather3A_243 = arith.constant 0 : i32
            %gather3A_244 = tpu.memref_slice %arg13[%scan3A_204, %gather3A_242, %gather3A_243] : memref<4x80x64xi32, #tpu.memory_space<vmem>> -> memref<1x80x64xi32, #tpu.memory_space<vmem>>
            %gather3A_245 = tpu.memref_squeeze %gather3A_244 : memref<1x80x64xi32, #tpu.memory_space<vmem>> -> memref<80x64xi32, #tpu.memory_space<vmem>>
            %gather3A_246 = tpu.vector_load_idx %gather3A_245[%add3A_214, %scan3A_232] : memref<80x64xi32, #tpu.memory_space<vmem>>[vector<16xi32>, vector<16xi32>], vector<16xi32>,
            %bitcast3A = vector.bitcast %gather3A_236 : vector<16xi32> to vector<32xbf16>
            %unpack3A = tpu.unpack_subelements %bitcast3A, 0 {pack_format = #tpu.pack_format<interleaved>} : vector<32xbf16> -> vector<16xf32>
            %unpack3A_247 = tpu.unpack_subelements %bitcast3A, 1 {pack_format = #tpu.pack_format<interleaved>} : vector<32xbf16> -> vector<16xf32>
            %bitcast3A_248 = vector.bitcast %gather3A_241 : vector<16xi32> to vector<32xbf16>
            %unpack3A_249 = tpu.unpack_subelements %bitcast3A_248, 0 {pack_format = #tpu.pack_format<interleaved>} : vector<32xbf16> -> vector<16xf32>
            %unpack3A_250 = tpu.unpack_subelements %bitcast3A_248, 1 {pack_format = #tpu.pack_format<interleaved>} : vector<32xbf16> -> vector<16xf32>
            %bitcast3A_251 = vector.bitcast %gather3A_246 : vector<16xi32> to vector<32xbf16>
            %unpack3A_252 = tpu.unpack_subelements %bitcast3A_251, 0 {pack_format = #tpu.pack_format<interleaved>} : vector<32xbf16> -> vector<16xf32>
            %unpack3A_253 = tpu.unpack_subelements %bitcast3A_251, 1 {pack_format = #tpu.pack_format<interleaved>} : vector<32xbf16> -> vector<16xf32>
            %add3A_254 = arith.constant 1 : i32
            %add3A_255 = vector.broadcast %add3A_254 : i32 to vector<16xi32>
            %add3A_256 = arith.addi %scan3A_232, %add3A_255 : vector<16xi32>
            %and3A = arith.constant 63 : i32
            %and3A_257 = vector.broadcast %and3A : i32 to vector<16xi32>
            %and3A_258 = arith.andi %add3A_256, %and3A_257 : vector<16xi32>
            %mul3A_259 = arith.mulf %unpack3A, %unpack3A_249 : vector<16xf32>
            %mul3A_260 = arith.mulf %mul3A_259, %unpack3A_252 : vector<16xf32>
            %add3A_261 = arith.addf %scan3A_230, %mul3A_260 : vector<16xf32>
            %mul3A_262 = arith.mulf %unpack3A_247, %unpack3A_250 : vector<16xf32>
            %mul3A_263 = arith.mulf %mul3A_262, %unpack3A_253 : vector<16xf32>
            %add3A_264 = arith.addf %scan3A_231, %mul3A_263 : vector<16xf32>
            %scan3A_265 = arith.constant 1 : i32
            %scan3A_266 = arith.addi %scan3A_229, %scan3A_265 : i32
            %gather3A_267 = arith.constant 0 : i32
            %gather3A_268 = arith.constant 0 : i32
            %gather3A_269 = tpu.memref_slice %arg11[%scan3A_202, %gather3A_267, %gather3A_268] : memref<4x80x64xi32, #tpu.memory_space<vmem>> -> memref<1x80x64xi32, #tpu.memory_space<vmem>>
            %gather3A_270 = tpu.memref_squeeze %gather3A_269 : memref<1x80x64xi32, #tpu.memory_space<vmem>> -> memref<80x64xi32, #tpu.memory_space<vmem>>
            %gather3A_271 = tpu.vector_load_idx %gather3A_270[%add3A_214, %and3A_258] : memref<80x64xi32, #tpu.memory_space<vmem>>[vector<16xi32>, vector<16xi32>], vector<16xi32>,
            %gather3A_272 = arith.constant 0 : i32
            %gather3A_273 = arith.constant 0 : i32
            %gather3A_274 = tpu.memref_slice %arg12[%scan3A_203, %gather3A_272, %gather3A_273] : memref<4x80x64xi32, #tpu.memory_space<vmem>> -> memref<1x80x64xi32, #tpu.memory_space<vmem>>
            %gather3A_275 = tpu.memref_squeeze %gather3A_274 : memref<1x80x64xi32, #tpu.memory_space<vmem>> -> memref<80x64xi32, #tpu.memory_space<vmem>>
            %gather3A_276 = tpu.vector_load_idx %gather3A_275[%add3A_214, %and3A_258] : memref<80x64xi32, #tpu.memory_space<vmem>>[vector<16xi32>, vector<16xi32>], vector<16xi32>,
            %gather3A_277 = arith.constant 0 : i32
            %gather3A_278 = arith.constant 0 : i32
            %gather3A_279 = tpu.memref_slice %arg13[%scan3A_204, %gather3A_277, %gather3A_278] : memref<4x80x64xi32, #tpu.memory_space<vmem>> -> memref<1x80x64xi32, #tpu.memory_space<vmem>>
            %gather3A_280 = tpu.memref_squeeze %gather3A_279 : memref<1x80x64xi32, #tpu.memory_space<vmem>> -> memref<80x64xi32, #tpu.memory_space<vmem>>
            %gather3A_281 = tpu.vector_load_idx %gather3A_280[%add3A_214, %and3A_258] : memref<80x64xi32, #tpu.memory_space<vmem>>[vector<16xi32>, vector<16xi32>], vector<16xi32>,
            %bitcast3A_282 = vector.bitcast %gather3A_271 : vector<16xi32> to vector<32xbf16>
            %unpack3A_283 = tpu.unpack_subelements %bitcast3A_282, 0 {pack_format = #tpu.pack_format<interleaved>} : vector<32xbf16> -> vector<16xf32>
            %unpack3A_284 = tpu.unpack_subelements %bitcast3A_282, 1 {pack_format = #tpu.pack_format<interleaved>} : vector<32xbf16> -> vector<16xf32>
            %bitcast3A_285 = vector.bitcast %gather3A_276 : vector<16xi32> to vector<32xbf16>
            %unpack3A_286 = tpu.unpack_subelements %bitcast3A_285, 0 {pack_format = #tpu.pack_format<interleaved>} : vector<32xbf16> -> vector<16xf32>
            %unpack3A_287 = tpu.unpack_subelements %bitcast3A_285, 1 {pack_format = #tpu.pack_format<interleaved>} : vector<32xbf16> -> vector<16xf32>
            %bitcast3A_288 = vector.bitcast %gather3A_281 : vector<16xi32> to vector<32xbf16>
            %unpack3A_289 = tpu.unpack_subelements %bitcast3A_288, 0 {pack_format = #tpu.pack_format<interleaved>} : vector<32xbf16> -> vector<16xf32>
            %unpack3A_290 = tpu.unpack_subelements %bitcast3A_288, 1 {pack_format = #tpu.pack_format<interleaved>} : vector<32xbf16> -> vector<16xf32>
            %add3A_291 = arith.constant 1 : i32
            %add3A_292 = vector.broadcast %add3A_291 : i32 to vector<16xi32>
            %add3A_293 = arith.addi %and3A_258, %add3A_292 : vector<16xi32>
            %and3A_294 = arith.constant 63 : i32
            %and3A_295 = vector.broadcast %and3A_294 : i32 to vector<16xi32>
            %and3A_296 = arith.andi %add3A_293, %and3A_295 : vector<16xi32>
            %mul3A_297 = arith.mulf %unpack3A_283, %unpack3A_286 : vector<16xf32>
            %mul3A_298 = arith.mulf %mul3A_297, %unpack3A_289 : vector<16xf32>
            %add3A_299 = arith.addf %add3A_261, %mul3A_298 : vector<16xf32>
            %mul3A_300 = arith.mulf %unpack3A_284, %unpack3A_287 : vector<16xf32>
            %mul3A_301 = arith.mulf %mul3A_300, %unpack3A_290 : vector<16xf32>
            %add3A_302 = arith.addf %add3A_264, %mul3A_301 : vector<16xf32>
            %scan3A_303 = arith.constant 2 : i32
            %scan3A_304 = arith.addi %scan3A_229, %scan3A_303 : i32
            %gather3A_305 = arith.constant 0 : i32
            %gather3A_306 = arith.constant 0 : i32
            %gather3A_307 = tpu.memref_slice %arg11[%scan3A_202, %gather3A_305, %gather3A_306] : memref<4x80x64xi32, #tpu.memory_space<vmem>> -> memref<1x80x64xi32, #tpu.memory_space<vmem>>
            %gather3A_308 = tpu.memref_squeeze %gather3A_307 : memref<1x80x64xi32, #tpu.memory_space<vmem>> -> memref<80x64xi32, #tpu.memory_space<vmem>>
            %gather3A_309 = tpu.vector_load_idx %gather3A_308[%add3A_214, %and3A_296] : memref<80x64xi32, #tpu.memory_space<vmem>>[vector<16xi32>, vector<16xi32>], vector<16xi32>,
            %gather3A_310 = arith.constant 0 : i32
            %gather3A_311 = arith.constant 0 : i32
            %gather3A_312 = tpu.memref_slice %arg12[%scan3A_203, %gather3A_310, %gather3A_311] : memref<4x80x64xi32, #tpu.memory_space<vmem>> -> memref<1x80x64xi32, #tpu.memory_space<vmem>>
            %gather3A_313 = tpu.memref_squeeze %gather3A_312 : memref<1x80x64xi32, #tpu.memory_space<vmem>> -> memref<80x64xi32, #tpu.memory_space<vmem>>
            %gather3A_314 = tpu.vector_load_idx %gather3A_313[%add3A_214, %and3A_296] : memref<80x64xi32, #tpu.memory_space<vmem>>[vector<16xi32>, vector<16xi32>], vector<16xi32>,
            %gather3A_315 = arith.constant 0 : i32
            %gather3A_316 = arith.constant 0 : i32
            %gather3A_317 = tpu.memref_slice %arg13[%scan3A_204, %gather3A_315, %gather3A_316] : memref<4x80x64xi32, #tpu.memory_space<vmem>> -> memref<1x80x64xi32, #tpu.memory_space<vmem>>
            %gather3A_318 = tpu.memref_squeeze %gather3A_317 : memref<1x80x64xi32, #tpu.memory_space<vmem>> -> memref<80x64xi32, #tpu.memory_space<vmem>>
            %gather3A_319 = tpu.vector_load_idx %gather3A_318[%add3A_214, %and3A_296] : memref<80x64xi32, #tpu.memory_space<vmem>>[vector<16xi32>, vector<16xi32>], vector<16xi32>,
            %bitcast3A_320 = vector.bitcast %gather3A_309 : vector<16xi32> to vector<32xbf16>
            %unpack3A_321 = tpu.unpack_subelements %bitcast3A_320, 0 {pack_format = #tpu.pack_format<interleaved>} : vector<32xbf16> -> vector<16xf32>
            %unpack3A_322 = tpu.unpack_subelements %bitcast3A_320, 1 {pack_format = #tpu.pack_format<interleaved>} : vector<32xbf16> -> vector<16xf32>
            %bitcast3A_323 = vector.bitcast %gather3A_314 : vector<16xi32> to vector<32xbf16>
            %unpack3A_324 = tpu.unpack_subelements %bitcast3A_323, 0 {pack_format = #tpu.pack_format<interleaved>} : vector<32xbf16> -> vector<16xf32>
            %unpack3A_325 = tpu.unpack_subelements %bitcast3A_323, 1 {pack_format = #tpu.pack_format<interleaved>} : vector<32xbf16> -> vector<16xf32>
            %bitcast3A_326 = vector.bitcast %gather3A_319 : vector<16xi32> to vector<32xbf16>
            %unpack3A_327 = tpu.unpack_subelements %bitcast3A_326, 0 {pack_format = #tpu.pack_format<interleaved>} : vector<32xbf16> -> vector<16xf32>
            %unpack3A_328 = tpu.unpack_subelements %bitcast3A_326, 1 {pack_format = #tpu.pack_format<interleaved>} : vector<32xbf16> -> vector<16xf32>
            %add3A_329 = arith.constant 1 : i32
            %add3A_330 = vector.broadcast %add3A_329 : i32 to vector<16xi32>
            %add3A_331 = arith.addi %and3A_296, %add3A_330 : vector<16xi32>
            %and3A_332 = arith.constant 63 : i32
            %and3A_333 = vector.broadcast %and3A_332 : i32 to vector<16xi32>
            %and3A_334 = arith.andi %add3A_331, %and3A_333 : vector<16xi32>
            %mul3A_335 = arith.mulf %unpack3A_321, %unpack3A_324 : vector<16xf32>
            %mul3A_336 = arith.mulf %mul3A_335, %unpack3A_327 : vector<16xf32>
            %add3A_337 = arith.addf %add3A_299, %mul3A_336 : vector<16xf32>
            %mul3A_338 = arith.mulf %unpack3A_322, %unpack3A_325 : vector<16xf32>
            %mul3A_339 = arith.mulf %mul3A_338, %unpack3A_328 : vector<16xf32>
            %add3A_340 = arith.addf %add3A_302, %mul3A_339 : vector<16xf32>
            %scan3A_341 = arith.constant 3 : i32
            %scan3A_342 = arith.addi %scan3A_229, %scan3A_341 : i32
            %gather3A_343 = arith.constant 0 : i32
            %gather3A_344 = arith.constant 0 : i32
            %gather3A_345 = tpu.memref_slice %arg11[%scan3A_202, %gather3A_343, %gather3A_344] : memref<4x80x64xi32, #tpu.memory_space<vmem>> -> memref<1x80x64xi32, #tpu.memory_space<vmem>>
            %gather3A_346 = tpu.memref_squeeze %gather3A_345 : memref<1x80x64xi32, #tpu.memory_space<vmem>> -> memref<80x64xi32, #tpu.memory_space<vmem>>
            %gather3A_347 = tpu.vector_load_idx %gather3A_346[%add3A_214, %and3A_334] : memref<80x64xi32, #tpu.memory_space<vmem>>[vector<16xi32>, vector<16xi32>], vector<16xi32>,
            %gather3A_348 = arith.constant 0 : i32
            %gather3A_349 = arith.constant 0 : i32
            %gather3A_350 = tpu.memref_slice %arg12[%scan3A_203, %gather3A_348, %gather3A_349] : memref<4x80x64xi32, #tpu.memory_space<vmem>> -> memref<1x80x64xi32, #tpu.memory_space<vmem>>
            %gather3A_351 = tpu.memref_squeeze %gather3A_350 : memref<1x80x64xi32, #tpu.memory_space<vmem>> -> memref<80x64xi32, #tpu.memory_space<vmem>>
            %gather3A_352 = tpu.vector_load_idx %gather3A_351[%add3A_214, %and3A_334] : memref<80x64xi32, #tpu.memory_space<vmem>>[vector<16xi32>, vector<16xi32>], vector<16xi32>,
            %gather3A_353 = arith.constant 0 : i32
            %gather3A_354 = arith.constant 0 : i32
            %gather3A_355 = tpu.memref_slice %arg13[%scan3A_204, %gather3A_353, %gather3A_354] : memref<4x80x64xi32, #tpu.memory_space<vmem>> -> memref<1x80x64xi32, #tpu.memory_space<vmem>>
            %gather3A_356 = tpu.memref_squeeze %gather3A_355 : memref<1x80x64xi32, #tpu.memory_space<vmem>> -> memref<80x64xi32, #tpu.memory_space<vmem>>
            %gather3A_357 = tpu.vector_load_idx %gather3A_356[%add3A_214, %and3A_334] : memref<80x64xi32, #tpu.memory_space<vmem>>[vector<16xi32>, vector<16xi32>], vector<16xi32>,
            %bitcast3A_358 = vector.bitcast %gather3A_347 : vector<16xi32> to vector<32xbf16>
            %unpack3A_359 = tpu.unpack_subelements %bitcast3A_358, 0 {pack_format = #tpu.pack_format<interleaved>} : vector<32xbf16> -> vector<16xf32>
            %unpack3A_360 = tpu.unpack_subelements %bitcast3A_358, 1 {pack_format = #tpu.pack_format<interleaved>} : vector<32xbf16> -> vector<16xf32>
            %bitcast3A_361 = vector.bitcast %gather3A_352 : vector<16xi32> to vector<32xbf16>
            %unpack3A_362 = tpu.unpack_subelements %bitcast3A_361, 0 {pack_format = #tpu.pack_format<interleaved>} : vector<32xbf16> -> vector<16xf32>
            %unpack3A_363 = tpu.unpack_subelements %bitcast3A_361, 1 {pack_format = #tpu.pack_format<interleaved>} : vector<32xbf16> -> vector<16xf32>
            %bitcast3A_364 = vector.bitcast %gather3A_357 : vector<16xi32> to vector<32xbf16>
            %unpack3A_365 = tpu.unpack_subelements %bitcast3A_364, 0 {pack_format = #tpu.pack_format<interleaved>} : vector<32xbf16> -> vector<16xf32>
            %unpack3A_366 = tpu.unpack_subelements %bitcast3A_364, 1 {pack_format = #tpu.pack_format<interleaved>} : vector<32xbf16> -> vector<16xf32>
            %add3A_367 = arith.constant 1 : i32
            %add3A_368 = vector.broadcast %add3A_367 : i32 to vector<16xi32>
            %add3A_369 = arith.addi %and3A_334, %add3A_368 : vector<16xi32>
            %and3A_370 = arith.constant 63 : i32
            %and3A_371 = vector.broadcast %and3A_370 : i32 to vector<16xi32>
            %and3A_372 = arith.andi %add3A_369, %and3A_371 : vector<16xi32>
            %mul3A_373 = arith.mulf %unpack3A_359, %unpack3A_362 : vector<16xf32>
            %mul3A_374 = arith.mulf %mul3A_373, %unpack3A_365 : vector<16xf32>
            %add3A_375 = arith.addf %add3A_337, %mul3A_374 : vector<16xf32>
            %mul3A_376 = arith.mulf %unpack3A_360, %unpack3A_363 : vector<16xf32>
            %mul3A_377 = arith.mulf %mul3A_376, %unpack3A_366 : vector<16xf32>
            %add3A_378 = arith.addf %add3A_340, %mul3A_377 : vector<16xf32>
            scf.yield %add3A_375, %add3A_378, %and3A_372 : vector<16xf32>, vector<16xf32>, vector<16xi32>
          }
          %scan3A_221 = arith.constant 64 : i32
          %add3A_222 = arith.addf %scan3A_220#0, %scan3A_220#1 : vector<16xf32>
          %mul3A_223 = arith.constant 80 : i32
          %mul3A_224 = arith.muli %add3A_98, %mul3A_223 : i32
          %mul3A_225 = arith.constant 16 : i32
          %mul3A_226 = arith.muli %scan3A_210, %mul3A_225 : i32
          %add3A_227 = arith.addi %mul3A_224, %mul3A_226 : i32
          %swap3A = arith.index_cast %add3A_227 : i32 to index
          %swap3A_228 = tpu.vector_load %arg14[%swap3A] {strides = array<i32>} : memref<10000xf32, #tpu.memory_space<vmem>>, vector<16xf32>,
          tpu.vector_store %arg14[%swap3A], %add3A_222 {strides = array<i32>} : memref<10000xf32, #tpu.memory_space<vmem>>, vector<16xf32>,
        }
        %scan3A_209 = arith.constant 5 : i32
      } else {
      }
      %add3A_109 = arith.constant 1 : i32
      %add3A_110 = arith.addi %mul3A_96, %add3A_109 : i32
      %add3A_111 = arith.constant 4 : i32
      %add3A_112 = arith.addi %add3A_110, %add3A_111 : i32
      %sub3A_113 = arith.constant 1 : i32
      %sub3A_114 = arith.subi %add3A_112, %sub3A_113 : i32
      %lt3A_115 = arith.constant 125 : i32
      %lt3A_116 = arith.cmpi slt, %sub3A_114, %lt3A_115 : i32
      %convert_element_type3A_117 = arith.extui %lt3A_116 : i1 to i32
      %cond3A_118 = arith.constant 0 : i32
      %cond3A_119 = arith.cmpi ne, %convert_element_type3A_117, %cond3A_118 : i32
      scf.if %cond3A_119 {
        %add3A_157 = arith.constant 4 : i32
        %add3A_158 = arith.addi %add3A_110, %add3A_157 : i32
        %sub3A_159 = arith.constant 1 : i32
        %sub3A_160 = arith.subi %add3A_158, %sub3A_159 : i32
        %mul3A_161 = arith.constant 80 : i32
        %mul3A_162 = arith.muli %sub3A_160, %mul3A_161 : i32
        %multiple_of3A_163 = tpu.assume_multiple %mul3A_162, 80 : i32
        %dma_start3A_164 = arith.constant 0 : i32
        %dma_start3A_165 = arith.constant 0 : i32
        %dma_start3A_166 = arith.constant 0 : i32
        %dma_start3A_167 = tpu.memref_slice %arg11[%dma_start3A_164, %dma_start3A_165, %dma_start3A_166] : memref<4x80x64xi32, #tpu.memory_space<vmem>> -> memref<1x80x64xi32, #tpu.memory_space<vmem>>
        %dma_start3A_168 = tpu.memref_squeeze %dma_start3A_167 : memref<1x80x64xi32, #tpu.memory_space<vmem>> -> memref<80x64xi32, #tpu.memory_space<vmem>>
        %dma_start3A_169 = tpu.memref_slice %arg8[%multiple_of3A_163] : memref<10000xi32, #tpu.memory_space<vmem>> -> memref<80xi32, #tpu.memory_space<vmem>>
        %dma_start3A_170 = arith.constant 0 : i32
        %dma_start3A_171 = arith.constant 0 : i32
        %dma_start3A_172 = tpu.memref_slice %arg2[%dma_start3A_170, %dma_start3A_171] : memref<10000x64xi32, #tpu.memory_space<hbm>> -> memref<10000x64xi32, #tpu.memory_space<hbm>>
        tpu.enqueue_indirect_dma source(%dma_start3A_172 : memref<10000x64xi32, #tpu.memory_space<hbm>>) target(%dma_start3A_168 : memref<80x64xi32, #tpu.memory_space<vmem>>) offsets(%dma_start3A_169 : memref<80xi32, #tpu.memory_space<vmem>>) semaphore(%arg15 : memref<!tpu.dma_semaphore, #tpu.memory_space<semaphore_mem>>)
        %dma_start3A_173 = arith.constant 0 : i32
        %dma_start3A_174 = arith.constant 0 : i32
        %dma_start3A_175 = arith.constant 0 : i32
        %dma_start3A_176 = tpu.memref_slice %arg12[%dma_start3A_173, %dma_start3A_174, %dma_start3A_175] : memref<4x80x64xi32, #tpu.memory_space<vmem>> -> memref<1x80x64xi32, #tpu.memory_space<vmem>>
        %dma_start3A_177 = tpu.memref_squeeze %dma_start3A_176 : memref<1x80x64xi32, #tpu.memory_space<vmem>> -> memref<80x64xi32, #tpu.memory_space<vmem>>
        %dma_start3A_178 = tpu.memref_slice %arg9[%multiple_of3A_163] : memref<10000xi32, #tpu.memory_space<vmem>> -> memref<80xi32, #tpu.memory_space<vmem>>
        %dma_start3A_179 = arith.constant 0 : i32
        %dma_start3A_180 = arith.constant 0 : i32
        %dma_start3A_181 = tpu.memref_slice %arg2[%dma_start3A_179, %dma_start3A_180] : memref<10000x64xi32, #tpu.memory_space<hbm>> -> memref<10000x64xi32, #tpu.memory_space<hbm>>
        tpu.enqueue_indirect_dma source(%dma_start3A_181 : memref<10000x64xi32, #tpu.memory_space<hbm>>) target(%dma_start3A_177 : memref<80x64xi32, #tpu.memory_space<vmem>>) offsets(%dma_start3A_178 : memref<80xi32, #tpu.memory_space<vmem>>) semaphore(%arg15 : memref<!tpu.dma_semaphore, #tpu.memory_space<semaphore_mem>>)
        %dma_start3A_182 = arith.constant 0 : i32
        %dma_start3A_183 = arith.constant 0 : i32
        %dma_start3A_184 = arith.constant 0 : i32
        %dma_start3A_185 = tpu.memref_slice %arg13[%dma_start3A_182, %dma_start3A_183, %dma_start3A_184] : memref<4x80x64xi32, #tpu.memory_space<vmem>> -> memref<1x80x64xi32, #tpu.memory_space<vmem>>
        %dma_start3A_186 = tpu.memref_squeeze %dma_start3A_185 : memref<1x80x64xi32, #tpu.memory_space<vmem>> -> memref<80x64xi32, #tpu.memory_space<vmem>>
        %dma_start3A_187 = tpu.memref_slice %arg10[%multiple_of3A_163] : memref<10000xi32, #tpu.memory_space<vmem>> -> memref<80xi32, #tpu.memory_space<vmem>>
        %dma_start3A_188 = arith.constant 0 : i32
        %dma_start3A_189 = arith.constant 0 : i32
        %dma_start3A_190 = tpu.memref_slice %arg3[%dma_start3A_188, %dma_start3A_189] : memref<1000x64xi32, #tpu.memory_space<hbm>> -> memref<1000x64xi32, #tpu.memory_space<hbm>>
        tpu.enqueue_indirect_dma source(%dma_start3A_190 : memref<1000x64xi32, #tpu.memory_space<hbm>>) target(%dma_start3A_186 : memref<80x64xi32, #tpu.memory_space<vmem>>) offsets(%dma_start3A_187 : memref<80xi32, #tpu.memory_space<vmem>>) semaphore(%arg15 : memref<!tpu.dma_semaphore, #tpu.memory_space<semaphore_mem>>)
      } else {
      }
      %lt3A_120 = arith.constant 125 : i32
      %lt3A_121 = arith.cmpi slt, %add3A_110, %lt3A_120 : i32
      %convert_element_type3A_122 = arith.extui %lt3A_121 : i1 to i32
      %cond3A_123 = arith.constant 0 : i32
      %cond3A_124 = arith.cmpi ne, %convert_element_type3A_122, %cond3A_123 : i32
      scf.if %cond3A_124 {
        %dma_wait3A = arith.constant 1 : i32
        %dma_wait3A_157 = arith.constant 0 : i32
        %dma_wait3A_158 = arith.constant 0 : i32
        %dma_wait3A_159 = tpu.memref_slice %arg11[%dma_wait3A, %dma_wait3A_157, %dma_wait3A_158] : memref<4x80x64xi32, #tpu.memory_space<vmem>> -> memref<1x80x64xi32, #tpu.memory_space<vmem>>
        %dma_wait3A_160 = tpu.memref_squeeze %dma_wait3A_159 : memref<1x80x64xi32, #tpu.memory_space<vmem>> -> memref<80x64xi32, #tpu.memory_space<vmem>>
        %dma_wait3A_161 = arith.constant 0 : i32
        %dma_wait3A_162 = arith.constant 0 : i32
        %dma_wait3A_163 = tpu.memref_slice %arg2[%dma_wait3A_161, %dma_wait3A_162] : memref<10000x64xi32, #tpu.memory_space<hbm>> -> memref<80x64xi32, #tpu.memory_space<hbm>>
        %dma_wait3A_164 = arith.constant 0 : i32
        %dma_wait3A_165 = arith.constant 0 : i32
        %dma_wait3A_166 = tpu.memref_slice %arg11[%dma_wait3A, %dma_wait3A_164, %dma_wait3A_165] : memref<4x80x64xi32, #tpu.memory_space<vmem>> -> memref<1x80x64xi32, #tpu.memory_space<vmem>>
        %dma_wait3A_167 = tpu.memref_squeeze %dma_wait3A_166 : memref<1x80x64xi32, #tpu.memory_space<vmem>> -> memref<80x64xi32, #tpu.memory_space<vmem>>
        %dma_wait3A_168 = arith.constant 0 : i32
        %dma_wait3A_169 = arith.constant 0 : i32
        %dma_wait3A_170 = tpu.memref_slice %arg2[%dma_wait3A_168, %dma_wait3A_169] : memref<10000x64xi32, #tpu.memory_space<hbm>> -> memref<80x64xi32, #tpu.memory_space<hbm>>
        tpu.wait_dma2 semaphore(%arg16 : memref<!tpu.dma_semaphore, #tpu.memory_space<semaphore_mem>>) src(%dma_wait3A_170 : memref<80x64xi32, #tpu.memory_space<hbm>>) dst(%dma_wait3A_167 : memref<80x64xi32, #tpu.memory_space<vmem>>)
        %dma_wait3A_171 = arith.constant 1 : i32
        %dma_wait3A_172 = arith.constant 0 : i32
        %dma_wait3A_173 = arith.constant 0 : i32
        %dma_wait3A_174 = tpu.memref_slice %arg12[%dma_wait3A_171, %dma_wait3A_172, %dma_wait3A_173] : memref<4x80x64xi32, #tpu.memory_space<vmem>> -> memref<1x80x64xi32, #tpu.memory_space<vmem>>
        %dma_wait3A_175 = tpu.memref_squeeze %dma_wait3A_174 : memref<1x80x64xi32, #tpu.memory_space<vmem>> -> memref<80x64xi32, #tpu.memory_space<vmem>>
        %dma_wait3A_176 = arith.constant 0 : i32
        %dma_wait3A_177 = arith.constant 0 : i32
        %dma_wait3A_178 = tpu.memref_slice %arg2[%dma_wait3A_176, %dma_wait3A_177] : memref<10000x64xi32, #tpu.memory_space<hbm>> -> memref<80x64xi32, #tpu.memory_space<hbm>>
        %dma_wait3A_179 = arith.constant 0 : i32
        %dma_wait3A_180 = arith.constant 0 : i32
        %dma_wait3A_181 = tpu.memref_slice %arg12[%dma_wait3A_171, %dma_wait3A_179, %dma_wait3A_180] : memref<4x80x64xi32, #tpu.memory_space<vmem>> -> memref<1x80x64xi32, #tpu.memory_space<vmem>>
        %dma_wait3A_182 = tpu.memref_squeeze %dma_wait3A_181 : memref<1x80x64xi32, #tpu.memory_space<vmem>> -> memref<80x64xi32, #tpu.memory_space<vmem>>
        %dma_wait3A_183 = arith.constant 0 : i32
        %dma_wait3A_184 = arith.constant 0 : i32
        %dma_wait3A_185 = tpu.memref_slice %arg2[%dma_wait3A_183, %dma_wait3A_184] : memref<10000x64xi32, #tpu.memory_space<hbm>> -> memref<80x64xi32, #tpu.memory_space<hbm>>
        tpu.wait_dma2 semaphore(%arg16 : memref<!tpu.dma_semaphore, #tpu.memory_space<semaphore_mem>>) src(%dma_wait3A_185 : memref<80x64xi32, #tpu.memory_space<hbm>>) dst(%dma_wait3A_182 : memref<80x64xi32, #tpu.memory_space<vmem>>)
        %dma_wait3A_186 = arith.constant 1 : i32
        %dma_wait3A_187 = arith.constant 0 : i32
        %dma_wait3A_188 = arith.constant 0 : i32
        %dma_wait3A_189 = tpu.memref_slice %arg13[%dma_wait3A_186, %dma_wait3A_187, %dma_wait3A_188] : memref<4x80x64xi32, #tpu.memory_space<vmem>> -> memref<1x80x64xi32, #tpu.memory_space<vmem>>
        %dma_wait3A_190 = tpu.memref_squeeze %dma_wait3A_189 : memref<1x80x64xi32, #tpu.memory_space<vmem>> -> memref<80x64xi32, #tpu.memory_space<vmem>>
        %dma_wait3A_191 = arith.constant 0 : i32
        %dma_wait3A_192 = arith.constant 0 : i32
        %dma_wait3A_193 = tpu.memref_slice %arg3[%dma_wait3A_191, %dma_wait3A_192] : memref<1000x64xi32, #tpu.memory_space<hbm>> -> memref<80x64xi32, #tpu.memory_space<hbm>>
        %dma_wait3A_194 = arith.constant 0 : i32
        %dma_wait3A_195 = arith.constant 0 : i32
        %dma_wait3A_196 = tpu.memref_slice %arg13[%dma_wait3A_186, %dma_wait3A_194, %dma_wait3A_195] : memref<4x80x64xi32, #tpu.memory_space<vmem>> -> memref<1x80x64xi32, #tpu.memory_space<vmem>>
        %dma_wait3A_197 = tpu.memref_squeeze %dma_wait3A_196 : memref<1x80x64xi32, #tpu.memory_space<vmem>> -> memref<80x64xi32, #tpu.memory_space<vmem>>
        %dma_wait3A_198 = arith.constant 0 : i32
        %dma_wait3A_199 = arith.constant 0 : i32
        %dma_wait3A_200 = tpu.memref_slice %arg3[%dma_wait3A_198, %dma_wait3A_199] : memref<1000x64xi32, #tpu.memory_space<hbm>> -> memref<80x64xi32, #tpu.memory_space<hbm>>
        tpu.wait_dma2 semaphore(%arg16 : memref<!tpu.dma_semaphore, #tpu.memory_space<semaphore_mem>>) src(%dma_wait3A_200 : memref<80x64xi32, #tpu.memory_space<hbm>>) dst(%dma_wait3A_197 : memref<80x64xi32, #tpu.memory_space<vmem>>)
        %scan3A_201 = arith.constant 0 : i32
        %scan3A_202 = arith.constant 1 : i32
        %scan3A_203 = arith.constant 1 : i32
        %scan3A_204 = arith.constant 1 : i32
        %scan3A_205 = arith.constant 0 : i32
        %scan3A_206 = arith.constant 5 : i32
        %scan3A_207 = arith.addi %scan3A_205, %scan3A_206 : i32
        %scan3A_208 = arith.constant 1 : i32
        scf.for %scan3A_210 = %scan3A_205 to %scan3A_207 step %scan3A_208  : i32 {
          %mul3A_211 = arith.constant 16 : i32
          %mul3A_212 = arith.muli %scan3A_210, %mul3A_211 : i32
          %add3A_213 = vector.broadcast %mul3A_212 : i32 to vector<16xi32>
          %add3A_214 = arith.addi %add3A_213, %iota3A : vector<16xi32>
          %broadcast_in_dim3A = arith.constant 0.000000e+00 : f32
          %broadcast_in_dim3A_215 = vector.broadcast %broadcast_in_dim3A : f32 to vector<16xf32>
          %scan3A_216 = arith.constant 0 : i32
          %scan3A_217 = arith.constant 64 : i32
          %scan3A_218 = arith.addi %scan3A_216, %scan3A_217 : i32
          %scan3A_219 = arith.constant 4 : i32
          %scan3A_220:3 = scf.for %scan3A_229 = %scan3A_216 to %scan3A_218 step %scan3A_219 iter_args(%scan3A_230 = %broadcast_in_dim3A_215, %scan3A_231 = %broadcast_in_dim3A_215, %scan3A_232 = %iota3A) -> (vector<16xf32>, vector<16xf32>, vector<16xi32>)  : i32 {
            %gather3A = arith.constant 0 : i32
            %gather3A_233 = arith.constant 0 : i32
            %gather3A_234 = tpu.memref_slice %arg11[%scan3A_202, %gather3A, %gather3A_233] : memref<4x80x64xi32, #tpu.memory_space<vmem>> -> memref<1x80x64xi32, #tpu.memory_space<vmem>>
            %gather3A_235 = tpu.memref_squeeze %gather3A_234 : memref<1x80x64xi32, #tpu.memory_space<vmem>> -> memref<80x64xi32, #tpu.memory_space<vmem>>
            %gather3A_236 = tpu.vector_load_idx %gather3A_235[%add3A_214, %scan3A_232] : memref<80x64xi32, #tpu.memory_space<vmem>>[vector<16xi32>, vector<16xi32>], vector<16xi32>,
            %gather3A_237 = arith.constant 0 : i32
            %gather3A_238 = arith.constant 0 : i32
            %gather3A_239 = tpu.memref_slice %arg12[%scan3A_203, %gather3A_237, %gather3A_238] : memref<4x80x64xi32, #tpu.memory_space<vmem>> -> memref<1x80x64xi32, #tpu.memory_space<vmem>>
            %gather3A_240 = tpu.memref_squeeze %gather3A_239 : memref<1x80x64xi32, #tpu.memory_space<vmem>> -> memref<80x64xi32, #tpu.memory_space<vmem>>
            %gather3A_241 = tpu.vector_load_idx %gather3A_240[%add3A_214, %scan3A_232] : memref<80x64xi32, #tpu.memory_space<vmem>>[vector<16xi32>, vector<16xi32>], vector<16xi32>,
            %gather3A_242 = arith.constant 0 : i32
            %gather3A_243 = arith.constant 0 : i32
            %gather3A_244 = tpu.memref_slice %arg13[%scan3A_204, %gather3A_242, %gather3A_243] : memref<4x80x64xi32, #tpu.memory_space<vmem>> -> memref<1x80x64xi32, #tpu.memory_space<vmem>>
            %gather3A_245 = tpu.memref_squeeze %gather3A_244 : memref<1x80x64xi32, #tpu.memory_space<vmem>> -> memref<80x64xi32, #tpu.memory_space<vmem>>
            %gather3A_246 = tpu.vector_load_idx %gather3A_245[%add3A_214, %scan3A_232] : memref<80x64xi32, #tpu.memory_space<vmem>>[vector<16xi32>, vector<16xi32>], vector<16xi32>,
            %bitcast3A = vector.bitcast %gather3A_236 : vector<16xi32> to vector<32xbf16>
            %unpack3A = tpu.unpack_subelements %bitcast3A, 0 {pack_format = #tpu.pack_format<interleaved>} : vector<32xbf16> -> vector<16xf32>
            %unpack3A_247 = tpu.unpack_subelements %bitcast3A, 1 {pack_format = #tpu.pack_format<interleaved>} : vector<32xbf16> -> vector<16xf32>
            %bitcast3A_248 = vector.bitcast %gather3A_241 : vector<16xi32> to vector<32xbf16>
            %unpack3A_249 = tpu.unpack_subelements %bitcast3A_248, 0 {pack_format = #tpu.pack_format<interleaved>} : vector<32xbf16> -> vector<16xf32>
            %unpack3A_250 = tpu.unpack_subelements %bitcast3A_248, 1 {pack_format = #tpu.pack_format<interleaved>} : vector<32xbf16> -> vector<16xf32>
            %bitcast3A_251 = vector.bitcast %gather3A_246 : vector<16xi32> to vector<32xbf16>
            %unpack3A_252 = tpu.unpack_subelements %bitcast3A_251, 0 {pack_format = #tpu.pack_format<interleaved>} : vector<32xbf16> -> vector<16xf32>
            %unpack3A_253 = tpu.unpack_subelements %bitcast3A_251, 1 {pack_format = #tpu.pack_format<interleaved>} : vector<32xbf16> -> vector<16xf32>
            %add3A_254 = arith.constant 1 : i32
            %add3A_255 = vector.broadcast %add3A_254 : i32 to vector<16xi32>
            %add3A_256 = arith.addi %scan3A_232, %add3A_255 : vector<16xi32>
            %and3A = arith.constant 63 : i32
            %and3A_257 = vector.broadcast %and3A : i32 to vector<16xi32>
            %and3A_258 = arith.andi %add3A_256, %and3A_257 : vector<16xi32>
            %mul3A_259 = arith.mulf %unpack3A, %unpack3A_249 : vector<16xf32>
            %mul3A_260 = arith.mulf %mul3A_259, %unpack3A_252 : vector<16xf32>
            %add3A_261 = arith.addf %scan3A_230, %mul3A_260 : vector<16xf32>
            %mul3A_262 = arith.mulf %unpack3A_247, %unpack3A_250 : vector<16xf32>
            %mul3A_263 = arith.mulf %mul3A_262, %unpack3A_253 : vector<16xf32>
            %add3A_264 = arith.addf %scan3A_231, %mul3A_263 : vector<16xf32>
            %scan3A_265 = arith.constant 1 : i32
            %scan3A_266 = arith.addi %scan3A_229, %scan3A_265 : i32
            %gather3A_267 = arith.constant 0 : i32
            %gather3A_268 = arith.constant 0 : i32
            %gather3A_269 = tpu.memref_slice %arg11[%scan3A_202, %gather3A_267, %gather3A_268] : memref<4x80x64xi32, #tpu.memory_space<vmem>> -> memref<1x80x64xi32, #tpu.memory_space<vmem>>
            %gather3A_270 = tpu.memref_squeeze %gather3A_269 : memref<1x80x64xi32, #tpu.memory_space<vmem>> -> memref<80x64xi32, #tpu.memory_space<vmem>>
            %gather3A_271 = tpu.vector_load_idx %gather3A_270[%add3A_214, %and3A_258] : memref<80x64xi32, #tpu.memory_space<vmem>>[vector<16xi32>, vector<16xi32>], vector<16xi32>,
            %gather3A_272 = arith.constant 0 : i32
            %gather3A_273 = arith.constant 0 : i32
            %gather3A_274 = tpu.memref_slice %arg12[%scan3A_203, %gather3A_272, %gather3A_273] : memref<4x80x64xi32, #tpu.memory_space<vmem>> -> memref<1x80x64xi32, #tpu.memory_space<vmem>>
            %gather3A_275 = tpu.memref_squeeze %gather3A_274 : memref<1x80x64xi32, #tpu.memory_space<vmem>> -> memref<80x64xi32, #tpu.memory_space<vmem>>
            %gather3A_276 = tpu.vector_load_idx %gather3A_275[%add3A_214, %and3A_258] : memref<80x64xi32, #tpu.memory_space<vmem>>[vector<16xi32>, vector<16xi32>], vector<16xi32>,
            %gather3A_277 = arith.constant 0 : i32
            %gather3A_278 = arith.constant 0 : i32
            %gather3A_279 = tpu.memref_slice %arg13[%scan3A_204, %gather3A_277, %gather3A_278] : memref<4x80x64xi32, #tpu.memory_space<vmem>> -> memref<1x80x64xi32, #tpu.memory_space<vmem>>
            %gather3A_280 = tpu.memref_squeeze %gather3A_279 : memref<1x80x64xi32, #tpu.memory_space<vmem>> -> memref<80x64xi32, #tpu.memory_space<vmem>>
            %gather3A_281 = tpu.vector_load_idx %gather3A_280[%add3A_214, %and3A_258] : memref<80x64xi32, #tpu.memory_space<vmem>>[vector<16xi32>, vector<16xi32>], vector<16xi32>,
            %bitcast3A_282 = vector.bitcast %gather3A_271 : vector<16xi32> to vector<32xbf16>
            %unpack3A_283 = tpu.unpack_subelements %bitcast3A_282, 0 {pack_format = #tpu.pack_format<interleaved>} : vector<32xbf16> -> vector<16xf32>
            %unpack3A_284 = tpu.unpack_subelements %bitcast3A_282, 1 {pack_format = #tpu.pack_format<interleaved>} : vector<32xbf16> -> vector<16xf32>
            %bitcast3A_285 = vector.bitcast %gather3A_276 : vector<16xi32> to vector<32xbf16>
            %unpack3A_286 = tpu.unpack_subelements %bitcast3A_285, 0 {pack_format = #tpu.pack_format<interleaved>} : vector<32xbf16> -> vector<16xf32>
            %unpack3A_287 = tpu.unpack_subelements %bitcast3A_285, 1 {pack_format = #tpu.pack_format<interleaved>} : vector<32xbf16> -> vector<16xf32>
            %bitcast3A_288 = vector.bitcast %gather3A_281 : vector<16xi32> to vector<32xbf16>
            %unpack3A_289 = tpu.unpack_subelements %bitcast3A_288, 0 {pack_format = #tpu.pack_format<interleaved>} : vector<32xbf16> -> vector<16xf32>
            %unpack3A_290 = tpu.unpack_subelements %bitcast3A_288, 1 {pack_format = #tpu.pack_format<interleaved>} : vector<32xbf16> -> vector<16xf32>
            %add3A_291 = arith.constant 1 : i32
            %add3A_292 = vector.broadcast %add3A_291 : i32 to vector<16xi32>
            %add3A_293 = arith.addi %and3A_258, %add3A_292 : vector<16xi32>
            %and3A_294 = arith.constant 63 : i32
            %and3A_295 = vector.broadcast %and3A_294 : i32 to vector<16xi32>
            %and3A_296 = arith.andi %add3A_293, %and3A_295 : vector<16xi32>
            %mul3A_297 = arith.mulf %unpack3A_283, %unpack3A_286 : vector<16xf32>
            %mul3A_298 = arith.mulf %mul3A_297, %unpack3A_289 : vector<16xf32>
            %add3A_299 = arith.addf %add3A_261, %mul3A_298 : vector<16xf32>
            %mul3A_300 = arith.mulf %unpack3A_284, %unpack3A_287 : vector<16xf32>
            %mul3A_301 = arith.mulf %mul3A_300, %unpack3A_290 : vector<16xf32>
            %add3A_302 = arith.addf %add3A_264, %mul3A_301 : vector<16xf32>
            %scan3A_303 = arith.constant 2 : i32
            %scan3A_304 = arith.addi %scan3A_229, %scan3A_303 : i32
            %gather3A_305 = arith.constant 0 : i32
            %gather3A_306 = arith.constant 0 : i32
            %gather3A_307 = tpu.memref_slice %arg11[%scan3A_202, %gather3A_305, %gather3A_306] : memref<4x80x64xi32, #tpu.memory_space<vmem>> -> memref<1x80x64xi32, #tpu.memory_space<vmem>>
            %gather3A_308 = tpu.memref_squeeze %gather3A_307 : memref<1x80x64xi32, #tpu.memory_space<vmem>> -> memref<80x64xi32, #tpu.memory_space<vmem>>
            %gather3A_309 = tpu.vector_load_idx %gather3A_308[%add3A_214, %and3A_296] : memref<80x64xi32, #tpu.memory_space<vmem>>[vector<16xi32>, vector<16xi32>], vector<16xi32>,
            %gather3A_310 = arith.constant 0 : i32
            %gather3A_311 = arith.constant 0 : i32
            %gather3A_312 = tpu.memref_slice %arg12[%scan3A_203, %gather3A_310, %gather3A_311] : memref<4x80x64xi32, #tpu.memory_space<vmem>> -> memref<1x80x64xi32, #tpu.memory_space<vmem>>
            %gather3A_313 = tpu.memref_squeeze %gather3A_312 : memref<1x80x64xi32, #tpu.memory_space<vmem>> -> memref<80x64xi32, #tpu.memory_space<vmem>>
            %gather3A_314 = tpu.vector_load_idx %gather3A_313[%add3A_214, %and3A_296] : memref<80x64xi32, #tpu.memory_space<vmem>>[vector<16xi32>, vector<16xi32>], vector<16xi32>,
            %gather3A_315 = arith.constant 0 : i32
            %gather3A_316 = arith.constant 0 : i32
            %gather3A_317 = tpu.memref_slice %arg13[%scan3A_204, %gather3A_315, %gather3A_316] : memref<4x80x64xi32, #tpu.memory_space<vmem>> -> memref<1x80x64xi32, #tpu.memory_space<vmem>>
            %gather3A_318 = tpu.memref_squeeze %gather3A_317 : memref<1x80x64xi32, #tpu.memory_space<vmem>> -> memref<80x64xi32, #tpu.memory_space<vmem>>
            %gather3A_319 = tpu.vector_load_idx %gather3A_318[%add3A_214, %and3A_296] : memref<80x64xi32, #tpu.memory_space<vmem>>[vector<16xi32>, vector<16xi32>], vector<16xi32>,
            %bitcast3A_320 = vector.bitcast %gather3A_309 : vector<16xi32> to vector<32xbf16>
            %unpack3A_321 = tpu.unpack_subelements %bitcast3A_320, 0 {pack_format = #tpu.pack_format<interleaved>} : vector<32xbf16> -> vector<16xf32>
            %unpack3A_322 = tpu.unpack_subelements %bitcast3A_320, 1 {pack_format = #tpu.pack_format<interleaved>} : vector<32xbf16> -> vector<16xf32>
            %bitcast3A_323 = vector.bitcast %gather3A_314 : vector<16xi32> to vector<32xbf16>
            %unpack3A_324 = tpu.unpack_subelements %bitcast3A_323, 0 {pack_format = #tpu.pack_format<interleaved>} : vector<32xbf16> -> vector<16xf32>
            %unpack3A_325 = tpu.unpack_subelements %bitcast3A_323, 1 {pack_format = #tpu.pack_format<interleaved>} : vector<32xbf16> -> vector<16xf32>
            %bitcast3A_326 = vector.bitcast %gather3A_319 : vector<16xi32> to vector<32xbf16>
            %unpack3A_327 = tpu.unpack_subelements %bitcast3A_326, 0 {pack_format = #tpu.pack_format<interleaved>} : vector<32xbf16> -> vector<16xf32>
            %unpack3A_328 = tpu.unpack_subelements %bitcast3A_326, 1 {pack_format = #tpu.pack_format<interleaved>} : vector<32xbf16> -> vector<16xf32>
            %add3A_329 = arith.constant 1 : i32
            %add3A_330 = vector.broadcast %add3A_329 : i32 to vector<16xi32>
            %add3A_331 = arith.addi %and3A_296, %add3A_330 : vector<16xi32>
            %and3A_332 = arith.constant 63 : i32
            %and3A_333 = vector.broadcast %and3A_332 : i32 to vector<16xi32>
            %and3A_334 = arith.andi %add3A_331, %and3A_333 : vector<16xi32>
            %mul3A_335 = arith.mulf %unpack3A_321, %unpack3A_324 : vector<16xf32>
            %mul3A_336 = arith.mulf %mul3A_335, %unpack3A_327 : vector<16xf32>
            %add3A_337 = arith.addf %add3A_299, %mul3A_336 : vector<16xf32>
            %mul3A_338 = arith.mulf %unpack3A_322, %unpack3A_325 : vector<16xf32>
            %mul3A_339 = arith.mulf %mul3A_338, %unpack3A_328 : vector<16xf32>
            %add3A_340 = arith.addf %add3A_302, %mul3A_339 : vector<16xf32>
            %scan3A_341 = arith.constant 3 : i32
            %scan3A_342 = arith.addi %scan3A_229, %scan3A_341 : i32
            %gather3A_343 = arith.constant 0 : i32
            %gather3A_344 = arith.constant 0 : i32
            %gather3A_345 = tpu.memref_slice %arg11[%scan3A_202, %gather3A_343, %gather3A_344] : memref<4x80x64xi32, #tpu.memory_space<vmem>> -> memref<1x80x64xi32, #tpu.memory_space<vmem>>
            %gather3A_346 = tpu.memref_squeeze %gather3A_345 : memref<1x80x64xi32, #tpu.memory_space<vmem>> -> memref<80x64xi32, #tpu.memory_space<vmem>>
            %gather3A_347 = tpu.vector_load_idx %gather3A_346[%add3A_214, %and3A_334] : memref<80x64xi32, #tpu.memory_space<vmem>>[vector<16xi32>, vector<16xi32>], vector<16xi32>,
            %gather3A_348 = arith.constant 0 : i32
            %gather3A_349 = arith.constant 0 : i32
            %gather3A_350 = tpu.memref_slice %arg12[%scan3A_203, %gather3A_348, %gather3A_349] : memref<4x80x64xi32, #tpu.memory_space<vmem>> -> memref<1x80x64xi32, #tpu.memory_space<vmem>>
            %gather3A_351 = tpu.memref_squeeze %gather3A_350 : memref<1x80x64xi32, #tpu.memory_space<vmem>> -> memref<80x64xi32, #tpu.memory_space<vmem>>
            %gather3A_352 = tpu.vector_load_idx %gather3A_351[%add3A_214, %and3A_334] : memref<80x64xi32, #tpu.memory_space<vmem>>[vector<16xi32>, vector<16xi32>], vector<16xi32>,
            %gather3A_353 = arith.constant 0 : i32
            %gather3A_354 = arith.constant 0 : i32
            %gather3A_355 = tpu.memref_slice %arg13[%scan3A_204, %gather3A_353, %gather3A_354] : memref<4x80x64xi32, #tpu.memory_space<vmem>> -> memref<1x80x64xi32, #tpu.memory_space<vmem>>
            %gather3A_356 = tpu.memref_squeeze %gather3A_355 : memref<1x80x64xi32, #tpu.memory_space<vmem>> -> memref<80x64xi32, #tpu.memory_space<vmem>>
            %gather3A_357 = tpu.vector_load_idx %gather3A_356[%add3A_214, %and3A_334] : memref<80x64xi32, #tpu.memory_space<vmem>>[vector<16xi32>, vector<16xi32>], vector<16xi32>,
            %bitcast3A_358 = vector.bitcast %gather3A_347 : vector<16xi32> to vector<32xbf16>
            %unpack3A_359 = tpu.unpack_subelements %bitcast3A_358, 0 {pack_format = #tpu.pack_format<interleaved>} : vector<32xbf16> -> vector<16xf32>
            %unpack3A_360 = tpu.unpack_subelements %bitcast3A_358, 1 {pack_format = #tpu.pack_format<interleaved>} : vector<32xbf16> -> vector<16xf32>
            %bitcast3A_361 = vector.bitcast %gather3A_352 : vector<16xi32> to vector<32xbf16>
            %unpack3A_362 = tpu.unpack_subelements %bitcast3A_361, 0 {pack_format = #tpu.pack_format<interleaved>} : vector<32xbf16> -> vector<16xf32>
            %unpack3A_363 = tpu.unpack_subelements %bitcast3A_361, 1 {pack_format = #tpu.pack_format<interleaved>} : vector<32xbf16> -> vector<16xf32>
            %bitcast3A_364 = vector.bitcast %gather3A_357 : vector<16xi32> to vector<32xbf16>
            %unpack3A_365 = tpu.unpack_subelements %bitcast3A_364, 0 {pack_format = #tpu.pack_format<interleaved>} : vector<32xbf16> -> vector<16xf32>
            %unpack3A_366 = tpu.unpack_subelements %bitcast3A_364, 1 {pack_format = #tpu.pack_format<interleaved>} : vector<32xbf16> -> vector<16xf32>
            %add3A_367 = arith.constant 1 : i32
            %add3A_368 = vector.broadcast %add3A_367 : i32 to vector<16xi32>
            %add3A_369 = arith.addi %and3A_334, %add3A_368 : vector<16xi32>
            %and3A_370 = arith.constant 63 : i32
            %and3A_371 = vector.broadcast %and3A_370 : i32 to vector<16xi32>
            %and3A_372 = arith.andi %add3A_369, %and3A_371 : vector<16xi32>
            %mul3A_373 = arith.mulf %unpack3A_359, %unpack3A_362 : vector<16xf32>
            %mul3A_374 = arith.mulf %mul3A_373, %unpack3A_365 : vector<16xf32>
            %add3A_375 = arith.addf %add3A_337, %mul3A_374 : vector<16xf32>
            %mul3A_376 = arith.mulf %unpack3A_360, %unpack3A_363 : vector<16xf32>
            %mul3A_377 = arith.mulf %mul3A_376, %unpack3A_366 : vector<16xf32>
            %add3A_378 = arith.addf %add3A_340, %mul3A_377 : vector<16xf32>
            scf.yield %add3A_375, %add3A_378, %and3A_372 : vector<16xf32>, vector<16xf32>, vector<16xi32>
          }
          %scan3A_221 = arith.constant 64 : i32
          %add3A_222 = arith.addf %scan3A_220#0, %scan3A_220#1 : vector<16xf32>
          %mul3A_223 = arith.constant 80 : i32
          %mul3A_224 = arith.muli %add3A_110, %mul3A_223 : i32
          %mul3A_225 = arith.constant 16 : i32
          %mul3A_226 = arith.muli %scan3A_210, %mul3A_225 : i32
          %add3A_227 = arith.addi %mul3A_224, %mul3A_226 : i32
          %swap3A = arith.index_cast %add3A_227 : i32 to index
          %swap3A_228 = tpu.vector_load %arg14[%swap3A] {strides = array<i32>} : memref<10000xf32, #tpu.memory_space<vmem>>, vector<16xf32>,
          tpu.vector_store %arg14[%swap3A], %add3A_222 {strides = array<i32>} : memref<10000xf32, #tpu.memory_space<vmem>>, vector<16xf32>,
        }
        %scan3A_209 = arith.constant 5 : i32
      } else {
      }
      %add3A_125 = arith.constant 2 : i32
      %add3A_126 = arith.addi %mul3A_96, %add3A_125 : i32
      %add3A_127 = arith.constant 4 : i32
      %add3A_128 = arith.addi %add3A_126, %add3A_127 : i32
      %sub3A_129 = arith.constant 1 : i32
      %sub3A_130 = arith.subi %add3A_128, %sub3A_129 : i32
      %lt3A_131 = arith.constant 125 : i32
      %lt3A_132 = arith.cmpi slt, %sub3A_130, %lt3A_131 : i32
      %convert_element_type3A_133 = arith.extui %lt3A_132 : i1 to i32
      %cond3A_134 = arith.constant 0 : i32
      %cond3A_135 = arith.cmpi ne, %convert_element_type3A_133, %cond3A_134 : i32
      scf.if %cond3A_135 {
        %add3A_157 = arith.constant 4 : i32
        %add3A_158 = arith.addi %add3A_126, %add3A_157 : i32
        %sub3A_159 = arith.constant 1 : i32
        %sub3A_160 = arith.subi %add3A_158, %sub3A_159 : i32
        %mul3A_161 = arith.constant 80 : i32
        %mul3A_162 = arith.muli %sub3A_160, %mul3A_161 : i32
        %multiple_of3A_163 = tpu.assume_multiple %mul3A_162, 80 : i32
        %dma_start3A_164 = arith.constant 1 : i32
        %dma_start3A_165 = arith.constant 0 : i32
        %dma_start3A_166 = arith.constant 0 : i32
        %dma_start3A_167 = tpu.memref_slice %arg11[%dma_start3A_164, %dma_start3A_165, %dma_start3A_166] : memref<4x80x64xi32, #tpu.memory_space<vmem>> -> memref<1x80x64xi32, #tpu.memory_space<vmem>>
        %dma_start3A_168 = tpu.memref_squeeze %dma_start3A_167 : memref<1x80x64xi32, #tpu.memory_space<vmem>> -> memref<80x64xi32, #tpu.memory_space<vmem>>
        %dma_start3A_169 = tpu.memref_slice %arg8[%multiple_of3A_163] : memref<10000xi32, #tpu.memory_space<vmem>> -> memref<80xi32, #tpu.memory_space<vmem>>
        %dma_start3A_170 = arith.constant 0 : i32
        %dma_start3A_171 = arith.constant 0 : i32
        %dma_start3A_172 = tpu.memref_slice %arg2[%dma_start3A_170, %dma_start3A_171] : memref<10000x64xi32, #tpu.memory_space<hbm>> -> memref<10000x64xi32, #tpu.memory_space<hbm>>
        tpu.enqueue_indirect_dma source(%dma_start3A_172 : memref<10000x64xi32, #tpu.memory_space<hbm>>) target(%dma_start3A_168 : memref<80x64xi32, #tpu.memory_space<vmem>>) offsets(%dma_start3A_169 : memref<80xi32, #tpu.memory_space<vmem>>) semaphore(%arg16 : memref<!tpu.dma_semaphore, #tpu.memory_space<semaphore_mem>>)
        %dma_start3A_173 = arith.constant 1 : i32
        %dma_start3A_174 = arith.constant 0 : i32
        %dma_start3A_175 = arith.constant 0 : i32
        %dma_start3A_176 = tpu.memref_slice %arg12[%dma_start3A_173, %dma_start3A_174, %dma_start3A_175] : memref<4x80x64xi32, #tpu.memory_space<vmem>> -> memref<1x80x64xi32, #tpu.memory_space<vmem>>
        %dma_start3A_177 = tpu.memref_squeeze %dma_start3A_176 : memref<1x80x64xi32, #tpu.memory_space<vmem>> -> memref<80x64xi32, #tpu.memory_space<vmem>>
        %dma_start3A_178 = tpu.memref_slice %arg9[%multiple_of3A_163] : memref<10000xi32, #tpu.memory_space<vmem>> -> memref<80xi32, #tpu.memory_space<vmem>>
        %dma_start3A_179 = arith.constant 0 : i32
        %dma_start3A_180 = arith.constant 0 : i32
        %dma_start3A_181 = tpu.memref_slice %arg2[%dma_start3A_179, %dma_start3A_180] : memref<10000x64xi32, #tpu.memory_space<hbm>> -> memref<10000x64xi32, #tpu.memory_space<hbm>>
        tpu.enqueue_indirect_dma source(%dma_start3A_181 : memref<10000x64xi32, #tpu.memory_space<hbm>>) target(%dma_start3A_177 : memref<80x64xi32, #tpu.memory_space<vmem>>) offsets(%dma_start3A_178 : memref<80xi32, #tpu.memory_space<vmem>>) semaphore(%arg16 : memref<!tpu.dma_semaphore, #tpu.memory_space<semaphore_mem>>)
        %dma_start3A_182 = arith.constant 1 : i32
        %dma_start3A_183 = arith.constant 0 : i32
        %dma_start3A_184 = arith.constant 0 : i32
        %dma_start3A_185 = tpu.memref_slice %arg13[%dma_start3A_182, %dma_start3A_183, %dma_start3A_184] : memref<4x80x64xi32, #tpu.memory_space<vmem>> -> memref<1x80x64xi32, #tpu.memory_space<vmem>>
        %dma_start3A_186 = tpu.memref_squeeze %dma_start3A_185 : memref<1x80x64xi32, #tpu.memory_space<vmem>> -> memref<80x64xi32, #tpu.memory_space<vmem>>
        %dma_start3A_187 = tpu.memref_slice %arg10[%multiple_of3A_163] : memref<10000xi32, #tpu.memory_space<vmem>> -> memref<80xi32, #tpu.memory_space<vmem>>
        %dma_start3A_188 = arith.constant 0 : i32
        %dma_start3A_189 = arith.constant 0 : i32
        %dma_start3A_190 = tpu.memref_slice %arg3[%dma_start3A_188, %dma_start3A_189] : memref<1000x64xi32, #tpu.memory_space<hbm>> -> memref<1000x64xi32, #tpu.memory_space<hbm>>
        tpu.enqueue_indirect_dma source(%dma_start3A_190 : memref<1000x64xi32, #tpu.memory_space<hbm>>) target(%dma_start3A_186 : memref<80x64xi32, #tpu.memory_space<vmem>>) offsets(%dma_start3A_187 : memref<80xi32, #tpu.memory_space<vmem>>) semaphore(%arg16 : memref<!tpu.dma_semaphore, #tpu.memory_space<semaphore_mem>>)
      } else {
      }
      %lt3A_136 = arith.constant 125 : i32
      %lt3A_137 = arith.cmpi slt, %add3A_126, %lt3A_136 : i32
      %convert_element_type3A_138 = arith.extui %lt3A_137 : i1 to i32
      %cond3A_139 = arith.constant 0 : i32
      %cond3A_140 = arith.cmpi ne, %convert_element_type3A_138, %cond3A_139 : i32
      scf.if %cond3A_140 {
        %dma_wait3A = arith.constant 2 : i32
        %dma_wait3A_157 = arith.constant 0 : i32
        %dma_wait3A_158 = arith.constant 0 : i32
        %dma_wait3A_159 = tpu.memref_slice %arg11[%dma_wait3A, %dma_wait3A_157, %dma_wait3A_158] : memref<4x80x64xi32, #tpu.memory_space<vmem>> -> memref<1x80x64xi32, #tpu.memory_space<vmem>>
        %dma_wait3A_160 = tpu.memref_squeeze %dma_wait3A_159 : memref<1x80x64xi32, #tpu.memory_space<vmem>> -> memref<80x64xi32, #tpu.memory_space<vmem>>
        %dma_wait3A_161 = arith.constant 0 : i32
        %dma_wait3A_162 = arith.constant 0 : i32
        %dma_wait3A_163 = tpu.memref_slice %arg2[%dma_wait3A_161, %dma_wait3A_162] : memref<10000x64xi32, #tpu.memory_space<hbm>> -> memref<80x64xi32, #tpu.memory_space<hbm>>
        %dma_wait3A_164 = arith.constant 0 : i32
        %dma_wait3A_165 = arith.constant 0 : i32
        %dma_wait3A_166 = tpu.memref_slice %arg11[%dma_wait3A, %dma_wait3A_164, %dma_wait3A_165] : memref<4x80x64xi32, #tpu.memory_space<vmem>> -> memref<1x80x64xi32, #tpu.memory_space<vmem>>
        %dma_wait3A_167 = tpu.memref_squeeze %dma_wait3A_166 : memref<1x80x64xi32, #tpu.memory_space<vmem>> -> memref<80x64xi32, #tpu.memory_space<vmem>>
        %dma_wait3A_168 = arith.constant 0 : i32
        %dma_wait3A_169 = arith.constant 0 : i32
        %dma_wait3A_170 = tpu.memref_slice %arg2[%dma_wait3A_168, %dma_wait3A_169] : memref<10000x64xi32, #tpu.memory_space<hbm>> -> memref<80x64xi32, #tpu.memory_space<hbm>>
        tpu.wait_dma2 semaphore(%arg17 : memref<!tpu.dma_semaphore, #tpu.memory_space<semaphore_mem>>) src(%dma_wait3A_170 : memref<80x64xi32, #tpu.memory_space<hbm>>) dst(%dma_wait3A_167 : memref<80x64xi32, #tpu.memory_space<vmem>>)
        %dma_wait3A_171 = arith.constant 2 : i32
        %dma_wait3A_172 = arith.constant 0 : i32
        %dma_wait3A_173 = arith.constant 0 : i32
        %dma_wait3A_174 = tpu.memref_slice %arg12[%dma_wait3A_171, %dma_wait3A_172, %dma_wait3A_173] : memref<4x80x64xi32, #tpu.memory_space<vmem>> -> memref<1x80x64xi32, #tpu.memory_space<vmem>>
        %dma_wait3A_175 = tpu.memref_squeeze %dma_wait3A_174 : memref<1x80x64xi32, #tpu.memory_space<vmem>> -> memref<80x64xi32, #tpu.memory_space<vmem>>
        %dma_wait3A_176 = arith.constant 0 : i32
        %dma_wait3A_177 = arith.constant 0 : i32
        %dma_wait3A_178 = tpu.memref_slice %arg2[%dma_wait3A_176, %dma_wait3A_177] : memref<10000x64xi32, #tpu.memory_space<hbm>> -> memref<80x64xi32, #tpu.memory_space<hbm>>
        %dma_wait3A_179 = arith.constant 0 : i32
        %dma_wait3A_180 = arith.constant 0 : i32
        %dma_wait3A_181 = tpu.memref_slice %arg12[%dma_wait3A_171, %dma_wait3A_179, %dma_wait3A_180] : memref<4x80x64xi32, #tpu.memory_space<vmem>> -> memref<1x80x64xi32, #tpu.memory_space<vmem>>
        %dma_wait3A_182 = tpu.memref_squeeze %dma_wait3A_181 : memref<1x80x64xi32, #tpu.memory_space<vmem>> -> memref<80x64xi32, #tpu.memory_space<vmem>>
        %dma_wait3A_183 = arith.constant 0 : i32
        %dma_wait3A_184 = arith.constant 0 : i32
        %dma_wait3A_185 = tpu.memref_slice %arg2[%dma_wait3A_183, %dma_wait3A_184] : memref<10000x64xi32, #tpu.memory_space<hbm>> -> memref<80x64xi32, #tpu.memory_space<hbm>>
        tpu.wait_dma2 semaphore(%arg17 : memref<!tpu.dma_semaphore, #tpu.memory_space<semaphore_mem>>) src(%dma_wait3A_185 : memref<80x64xi32, #tpu.memory_space<hbm>>) dst(%dma_wait3A_182 : memref<80x64xi32, #tpu.memory_space<vmem>>)
        %dma_wait3A_186 = arith.constant 2 : i32
        %dma_wait3A_187 = arith.constant 0 : i32
        %dma_wait3A_188 = arith.constant 0 : i32
        %dma_wait3A_189 = tpu.memref_slice %arg13[%dma_wait3A_186, %dma_wait3A_187, %dma_wait3A_188] : memref<4x80x64xi32, #tpu.memory_space<vmem>> -> memref<1x80x64xi32, #tpu.memory_space<vmem>>
        %dma_wait3A_190 = tpu.memref_squeeze %dma_wait3A_189 : memref<1x80x64xi32, #tpu.memory_space<vmem>> -> memref<80x64xi32, #tpu.memory_space<vmem>>
        %dma_wait3A_191 = arith.constant 0 : i32
        %dma_wait3A_192 = arith.constant 0 : i32
        %dma_wait3A_193 = tpu.memref_slice %arg3[%dma_wait3A_191, %dma_wait3A_192] : memref<1000x64xi32, #tpu.memory_space<hbm>> -> memref<80x64xi32, #tpu.memory_space<hbm>>
        %dma_wait3A_194 = arith.constant 0 : i32
        %dma_wait3A_195 = arith.constant 0 : i32
        %dma_wait3A_196 = tpu.memref_slice %arg13[%dma_wait3A_186, %dma_wait3A_194, %dma_wait3A_195] : memref<4x80x64xi32, #tpu.memory_space<vmem>> -> memref<1x80x64xi32, #tpu.memory_space<vmem>>
        %dma_wait3A_197 = tpu.memref_squeeze %dma_wait3A_196 : memref<1x80x64xi32, #tpu.memory_space<vmem>> -> memref<80x64xi32, #tpu.memory_space<vmem>>
        %dma_wait3A_198 = arith.constant 0 : i32
        %dma_wait3A_199 = arith.constant 0 : i32
        %dma_wait3A_200 = tpu.memref_slice %arg3[%dma_wait3A_198, %dma_wait3A_199] : memref<1000x64xi32, #tpu.memory_space<hbm>> -> memref<80x64xi32, #tpu.memory_space<hbm>>
        tpu.wait_dma2 semaphore(%arg17 : memref<!tpu.dma_semaphore, #tpu.memory_space<semaphore_mem>>) src(%dma_wait3A_200 : memref<80x64xi32, #tpu.memory_space<hbm>>) dst(%dma_wait3A_197 : memref<80x64xi32, #tpu.memory_space<vmem>>)
        %scan3A_201 = arith.constant 0 : i32
        %scan3A_202 = arith.constant 2 : i32
        %scan3A_203 = arith.constant 2 : i32
        %scan3A_204 = arith.constant 2 : i32
        %scan3A_205 = arith.constant 0 : i32
        %scan3A_206 = arith.constant 5 : i32
        %scan3A_207 = arith.addi %scan3A_205, %scan3A_206 : i32
        %scan3A_208 = arith.constant 1 : i32
        scf.for %scan3A_210 = %scan3A_205 to %scan3A_207 step %scan3A_208  : i32 {
          %mul3A_211 = arith.constant 16 : i32
          %mul3A_212 = arith.muli %scan3A_210, %mul3A_211 : i32
          %add3A_213 = vector.broadcast %mul3A_212 : i32 to vector<16xi32>
          %add3A_214 = arith.addi %add3A_213, %iota3A : vector<16xi32>
          %broadcast_in_dim3A = arith.constant 0.000000e+00 : f32
          %broadcast_in_dim3A_215 = vector.broadcast %broadcast_in_dim3A : f32 to vector<16xf32>
          %scan3A_216 = arith.constant 0 : i32
          %scan3A_217 = arith.constant 64 : i32
          %scan3A_218 = arith.addi %scan3A_216, %scan3A_217 : i32
          %scan3A_219 = arith.constant 4 : i32
          %scan3A_220:3 = scf.for %scan3A_229 = %scan3A_216 to %scan3A_218 step %scan3A_219 iter_args(%scan3A_230 = %broadcast_in_dim3A_215, %scan3A_231 = %broadcast_in_dim3A_215, %scan3A_232 = %iota3A) -> (vector<16xf32>, vector<16xf32>, vector<16xi32>)  : i32 {
            %gather3A = arith.constant 0 : i32
            %gather3A_233 = arith.constant 0 : i32
            %gather3A_234 = tpu.memref_slice %arg11[%scan3A_202, %gather3A, %gather3A_233] : memref<4x80x64xi32, #tpu.memory_space<vmem>> -> memref<1x80x64xi32, #tpu.memory_space<vmem>>
            %gather3A_235 = tpu.memref_squeeze %gather3A_234 : memref<1x80x64xi32, #tpu.memory_space<vmem>> -> memref<80x64xi32, #tpu.memory_space<vmem>>
            %gather3A_236 = tpu.vector_load_idx %gather3A_235[%add3A_214, %scan3A_232] : memref<80x64xi32, #tpu.memory_space<vmem>>[vector<16xi32>, vector<16xi32>], vector<16xi32>,
            %gather3A_237 = arith.constant 0 : i32
            %gather3A_238 = arith.constant 0 : i32
            %gather3A_239 = tpu.memref_slice %arg12[%scan3A_203, %gather3A_237, %gather3A_238] : memref<4x80x64xi32, #tpu.memory_space<vmem>> -> memref<1x80x64xi32, #tpu.memory_space<vmem>>
            %gather3A_240 = tpu.memref_squeeze %gather3A_239 : memref<1x80x64xi32, #tpu.memory_space<vmem>> -> memref<80x64xi32, #tpu.memory_space<vmem>>
            %gather3A_241 = tpu.vector_load_idx %gather3A_240[%add3A_214, %scan3A_232] : memref<80x64xi32, #tpu.memory_space<vmem>>[vector<16xi32>, vector<16xi32>], vector<16xi32>,
            %gather3A_242 = arith.constant 0 : i32
            %gather3A_243 = arith.constant 0 : i32
            %gather3A_244 = tpu.memref_slice %arg13[%scan3A_204, %gather3A_242, %gather3A_243] : memref<4x80x64xi32, #tpu.memory_space<vmem>> -> memref<1x80x64xi32, #tpu.memory_space<vmem>>
            %gather3A_245 = tpu.memref_squeeze %gather3A_244 : memref<1x80x64xi32, #tpu.memory_space<vmem>> -> memref<80x64xi32, #tpu.memory_space<vmem>>
            %gather3A_246 = tpu.vector_load_idx %gather3A_245[%add3A_214, %scan3A_232] : memref<80x64xi32, #tpu.memory_space<vmem>>[vector<16xi32>, vector<16xi32>], vector<16xi32>,
            %bitcast3A = vector.bitcast %gather3A_236 : vector<16xi32> to vector<32xbf16>
            %unpack3A = tpu.unpack_subelements %bitcast3A, 0 {pack_format = #tpu.pack_format<interleaved>} : vector<32xbf16> -> vector<16xf32>
            %unpack3A_247 = tpu.unpack_subelements %bitcast3A, 1 {pack_format = #tpu.pack_format<interleaved>} : vector<32xbf16> -> vector<16xf32>
            %bitcast3A_248 = vector.bitcast %gather3A_241 : vector<16xi32> to vector<32xbf16>
            %unpack3A_249 = tpu.unpack_subelements %bitcast3A_248, 0 {pack_format = #tpu.pack_format<interleaved>} : vector<32xbf16> -> vector<16xf32>
            %unpack3A_250 = tpu.unpack_subelements %bitcast3A_248, 1 {pack_format = #tpu.pack_format<interleaved>} : vector<32xbf16> -> vector<16xf32>
            %bitcast3A_251 = vector.bitcast %gather3A_246 : vector<16xi32> to vector<32xbf16>
            %unpack3A_252 = tpu.unpack_subelements %bitcast3A_251, 0 {pack_format = #tpu.pack_format<interleaved>} : vector<32xbf16> -> vector<16xf32>
            %unpack3A_253 = tpu.unpack_subelements %bitcast3A_251, 1 {pack_format = #tpu.pack_format<interleaved>} : vector<32xbf16> -> vector<16xf32>
            %add3A_254 = arith.constant 1 : i32
            %add3A_255 = vector.broadcast %add3A_254 : i32 to vector<16xi32>
            %add3A_256 = arith.addi %scan3A_232, %add3A_255 : vector<16xi32>
            %and3A = arith.constant 63 : i32
            %and3A_257 = vector.broadcast %and3A : i32 to vector<16xi32>
            %and3A_258 = arith.andi %add3A_256, %and3A_257 : vector<16xi32>
            %mul3A_259 = arith.mulf %unpack3A, %unpack3A_249 : vector<16xf32>
            %mul3A_260 = arith.mulf %mul3A_259, %unpack3A_252 : vector<16xf32>
            %add3A_261 = arith.addf %scan3A_230, %mul3A_260 : vector<16xf32>
            %mul3A_262 = arith.mulf %unpack3A_247, %unpack3A_250 : vector<16xf32>
            %mul3A_263 = arith.mulf %mul3A_262, %unpack3A_253 : vector<16xf32>
            %add3A_264 = arith.addf %scan3A_231, %mul3A_263 : vector<16xf32>
            %scan3A_265 = arith.constant 1 : i32
            %scan3A_266 = arith.addi %scan3A_229, %scan3A_265 : i32
            %gather3A_267 = arith.constant 0 : i32
            %gather3A_268 = arith.constant 0 : i32
            %gather3A_269 = tpu.memref_slice %arg11[%scan3A_202, %gather3A_267, %gather3A_268] : memref<4x80x64xi32, #tpu.memory_space<vmem>> -> memref<1x80x64xi32, #tpu.memory_space<vmem>>
            %gather3A_270 = tpu.memref_squeeze %gather3A_269 : memref<1x80x64xi32, #tpu.memory_space<vmem>> -> memref<80x64xi32, #tpu.memory_space<vmem>>
            %gather3A_271 = tpu.vector_load_idx %gather3A_270[%add3A_214, %and3A_258] : memref<80x64xi32, #tpu.memory_space<vmem>>[vector<16xi32>, vector<16xi32>], vector<16xi32>,
            %gather3A_272 = arith.constant 0 : i32
            %gather3A_273 = arith.constant 0 : i32
            %gather3A_274 = tpu.memref_slice %arg12[%scan3A_203, %gather3A_272, %gather3A_273] : memref<4x80x64xi32, #tpu.memory_space<vmem>> -> memref<1x80x64xi32, #tpu.memory_space<vmem>>
            %gather3A_275 = tpu.memref_squeeze %gather3A_274 : memref<1x80x64xi32, #tpu.memory_space<vmem>> -> memref<80x64xi32, #tpu.memory_space<vmem>>
            %gather3A_276 = tpu.vector_load_idx %gather3A_275[%add3A_214, %and3A_258] : memref<80x64xi32, #tpu.memory_space<vmem>>[vector<16xi32>, vector<16xi32>], vector<16xi32>,
            %gather3A_277 = arith.constant 0 : i32
            %gather3A_278 = arith.constant 0 : i32
            %gather3A_279 = tpu.memref_slice %arg13[%scan3A_204, %gather3A_277, %gather3A_278] : memref<4x80x64xi32, #tpu.memory_space<vmem>> -> memref<1x80x64xi32, #tpu.memory_space<vmem>>
            %gather3A_280 = tpu.memref_squeeze %gather3A_279 : memref<1x80x64xi32, #tpu.memory_space<vmem>> -> memref<80x64xi32, #tpu.memory_space<vmem>>
            %gather3A_281 = tpu.vector_load_idx %gather3A_280[%add3A_214, %and3A_258] : memref<80x64xi32, #tpu.memory_space<vmem>>[vector<16xi32>, vector<16xi32>], vector<16xi32>,
            %bitcast3A_282 = vector.bitcast %gather3A_271 : vector<16xi32> to vector<32xbf16>
            %unpack3A_283 = tpu.unpack_subelements %bitcast3A_282, 0 {pack_format = #tpu.pack_format<interleaved>} : vector<32xbf16> -> vector<16xf32>
            %unpack3A_284 = tpu.unpack_subelements %bitcast3A_282, 1 {pack_format = #tpu.pack_format<interleaved>} : vector<32xbf16> -> vector<16xf32>
            %bitcast3A_285 = vector.bitcast %gather3A_276 : vector<16xi32> to vector<32xbf16>
            %unpack3A_286 = tpu.unpack_subelements %bitcast3A_285, 0 {pack_format = #tpu.pack_format<interleaved>} : vector<32xbf16> -> vector<16xf32>
            %unpack3A_287 = tpu.unpack_subelements %bitcast3A_285, 1 {pack_format = #tpu.pack_format<interleaved>} : vector<32xbf16> -> vector<16xf32>
            %bitcast3A_288 = vector.bitcast %gather3A_281 : vector<16xi32> to vector<32xbf16>
            %unpack3A_289 = tpu.unpack_subelements %bitcast3A_288, 0 {pack_format = #tpu.pack_format<interleaved>} : vector<32xbf16> -> vector<16xf32>
            %unpack3A_290 = tpu.unpack_subelements %bitcast3A_288, 1 {pack_format = #tpu.pack_format<interleaved>} : vector<32xbf16> -> vector<16xf32>
            %add3A_291 = arith.constant 1 : i32
            %add3A_292 = vector.broadcast %add3A_291 : i32 to vector<16xi32>
            %add3A_293 = arith.addi %and3A_258, %add3A_292 : vector<16xi32>
            %and3A_294 = arith.constant 63 : i32
            %and3A_295 = vector.broadcast %and3A_294 : i32 to vector<16xi32>
            %and3A_296 = arith.andi %add3A_293, %and3A_295 : vector<16xi32>
            %mul3A_297 = arith.mulf %unpack3A_283, %unpack3A_286 : vector<16xf32>
            %mul3A_298 = arith.mulf %mul3A_297, %unpack3A_289 : vector<16xf32>
            %add3A_299 = arith.addf %add3A_261, %mul3A_298 : vector<16xf32>
            %mul3A_300 = arith.mulf %unpack3A_284, %unpack3A_287 : vector<16xf32>
            %mul3A_301 = arith.mulf %mul3A_300, %unpack3A_290 : vector<16xf32>
            %add3A_302 = arith.addf %add3A_264, %mul3A_301 : vector<16xf32>
            %scan3A_303 = arith.constant 2 : i32
            %scan3A_304 = arith.addi %scan3A_229, %scan3A_303 : i32
            %gather3A_305 = arith.constant 0 : i32
            %gather3A_306 = arith.constant 0 : i32
            %gather3A_307 = tpu.memref_slice %arg11[%scan3A_202, %gather3A_305, %gather3A_306] : memref<4x80x64xi32, #tpu.memory_space<vmem>> -> memref<1x80x64xi32, #tpu.memory_space<vmem>>
            %gather3A_308 = tpu.memref_squeeze %gather3A_307 : memref<1x80x64xi32, #tpu.memory_space<vmem>> -> memref<80x64xi32, #tpu.memory_space<vmem>>
            %gather3A_309 = tpu.vector_load_idx %gather3A_308[%add3A_214, %and3A_296] : memref<80x64xi32, #tpu.memory_space<vmem>>[vector<16xi32>, vector<16xi32>], vector<16xi32>,
            %gather3A_310 = arith.constant 0 : i32
            %gather3A_311 = arith.constant 0 : i32
            %gather3A_312 = tpu.memref_slice %arg12[%scan3A_203, %gather3A_310, %gather3A_311] : memref<4x80x64xi32, #tpu.memory_space<vmem>> -> memref<1x80x64xi32, #tpu.memory_space<vmem>>
            %gather3A_313 = tpu.memref_squeeze %gather3A_312 : memref<1x80x64xi32, #tpu.memory_space<vmem>> -> memref<80x64xi32, #tpu.memory_space<vmem>>
            %gather3A_314 = tpu.vector_load_idx %gather3A_313[%add3A_214, %and3A_296] : memref<80x64xi32, #tpu.memory_space<vmem>>[vector<16xi32>, vector<16xi32>], vector<16xi32>,
            %gather3A_315 = arith.constant 0 : i32
            %gather3A_316 = arith.constant 0 : i32
            %gather3A_317 = tpu.memref_slice %arg13[%scan3A_204, %gather3A_315, %gather3A_316] : memref<4x80x64xi32, #tpu.memory_space<vmem>> -> memref<1x80x64xi32, #tpu.memory_space<vmem>>
            %gather3A_318 = tpu.memref_squeeze %gather3A_317 : memref<1x80x64xi32, #tpu.memory_space<vmem>> -> memref<80x64xi32, #tpu.memory_space<vmem>>
            %gather3A_319 = tpu.vector_load_idx %gather3A_318[%add3A_214, %and3A_296] : memref<80x64xi32, #tpu.memory_space<vmem>>[vector<16xi32>, vector<16xi32>], vector<16xi32>,
            %bitcast3A_320 = vector.bitcast %gather3A_309 : vector<16xi32> to vector<32xbf16>
            %unpack3A_321 = tpu.unpack_subelements %bitcast3A_320, 0 {pack_format = #tpu.pack_format<interleaved>} : vector<32xbf16> -> vector<16xf32>
            %unpack3A_322 = tpu.unpack_subelements %bitcast3A_320, 1 {pack_format = #tpu.pack_format<interleaved>} : vector<32xbf16> -> vector<16xf32>
            %bitcast3A_323 = vector.bitcast %gather3A_314 : vector<16xi32> to vector<32xbf16>
            %unpack3A_324 = tpu.unpack_subelements %bitcast3A_323, 0 {pack_format = #tpu.pack_format<interleaved>} : vector<32xbf16> -> vector<16xf32>
            %unpack3A_325 = tpu.unpack_subelements %bitcast3A_323, 1 {pack_format = #tpu.pack_format<interleaved>} : vector<32xbf16> -> vector<16xf32>
            %bitcast3A_326 = vector.bitcast %gather3A_319 : vector<16xi32> to vector<32xbf16>
            %unpack3A_327 = tpu.unpack_subelements %bitcast3A_326, 0 {pack_format = #tpu.pack_format<interleaved>} : vector<32xbf16> -> vector<16xf32>
            %unpack3A_328 = tpu.unpack_subelements %bitcast3A_326, 1 {pack_format = #tpu.pack_format<interleaved>} : vector<32xbf16> -> vector<16xf32>
            %add3A_329 = arith.constant 1 : i32
            %add3A_330 = vector.broadcast %add3A_329 : i32 to vector<16xi32>
            %add3A_331 = arith.addi %and3A_296, %add3A_330 : vector<16xi32>
            %and3A_332 = arith.constant 63 : i32
            %and3A_333 = vector.broadcast %and3A_332 : i32 to vector<16xi32>
            %and3A_334 = arith.andi %add3A_331, %and3A_333 : vector<16xi32>
            %mul3A_335 = arith.mulf %unpack3A_321, %unpack3A_324 : vector<16xf32>
            %mul3A_336 = arith.mulf %mul3A_335, %unpack3A_327 : vector<16xf32>
            %add3A_337 = arith.addf %add3A_299, %mul3A_336 : vector<16xf32>
            %mul3A_338 = arith.mulf %unpack3A_322, %unpack3A_325 : vector<16xf32>
            %mul3A_339 = arith.mulf %mul3A_338, %unpack3A_328 : vector<16xf32>
            %add3A_340 = arith.addf %add3A_302, %mul3A_339 : vector<16xf32>
            %scan3A_341 = arith.constant 3 : i32
            %scan3A_342 = arith.addi %scan3A_229, %scan3A_341 : i32
            %gather3A_343 = arith.constant 0 : i32
            %gather3A_344 = arith.constant 0 : i32
            %gather3A_345 = tpu.memref_slice %arg11[%scan3A_202, %gather3A_343, %gather3A_344] : memref<4x80x64xi32, #tpu.memory_space<vmem>> -> memref<1x80x64xi32, #tpu.memory_space<vmem>>
            %gather3A_346 = tpu.memref_squeeze %gather3A_345 : memref<1x80x64xi32, #tpu.memory_space<vmem>> -> memref<80x64xi32, #tpu.memory_space<vmem>>
            %gather3A_347 = tpu.vector_load_idx %gather3A_346[%add3A_214, %and3A_334] : memref<80x64xi32, #tpu.memory_space<vmem>>[vector<16xi32>, vector<16xi32>], vector<16xi32>,
            %gather3A_348 = arith.constant 0 : i32
            %gather3A_349 = arith.constant 0 : i32
            %gather3A_350 = tpu.memref_slice %arg12[%scan3A_203, %gather3A_348, %gather3A_349] : memref<4x80x64xi32, #tpu.memory_space<vmem>> -> memref<1x80x64xi32, #tpu.memory_space<vmem>>
            %gather3A_351 = tpu.memref_squeeze %gather3A_350 : memref<1x80x64xi32, #tpu.memory_space<vmem>> -> memref<80x64xi32, #tpu.memory_space<vmem>>
            %gather3A_352 = tpu.vector_load_idx %gather3A_351[%add3A_214, %and3A_334] : memref<80x64xi32, #tpu.memory_space<vmem>>[vector<16xi32>, vector<16xi32>], vector<16xi32>,
            %gather3A_353 = arith.constant 0 : i32
            %gather3A_354 = arith.constant 0 : i32
            %gather3A_355 = tpu.memref_slice %arg13[%scan3A_204, %gather3A_353, %gather3A_354] : memref<4x80x64xi32, #tpu.memory_space<vmem>> -> memref<1x80x64xi32, #tpu.memory_space<vmem>>
            %gather3A_356 = tpu.memref_squeeze %gather3A_355 : memref<1x80x64xi32, #tpu.memory_space<vmem>> -> memref<80x64xi32, #tpu.memory_space<vmem>>
            %gather3A_357 = tpu.vector_load_idx %gather3A_356[%add3A_214, %and3A_334] : memref<80x64xi32, #tpu.memory_space<vmem>>[vector<16xi32>, vector<16xi32>], vector<16xi32>,
            %bitcast3A_358 = vector.bitcast %gather3A_347 : vector<16xi32> to vector<32xbf16>
            %unpack3A_359 = tpu.unpack_subelements %bitcast3A_358, 0 {pack_format = #tpu.pack_format<interleaved>} : vector<32xbf16> -> vector<16xf32>
            %unpack3A_360 = tpu.unpack_subelements %bitcast3A_358, 1 {pack_format = #tpu.pack_format<interleaved>} : vector<32xbf16> -> vector<16xf32>
            %bitcast3A_361 = vector.bitcast %gather3A_352 : vector<16xi32> to vector<32xbf16>
            %unpack3A_362 = tpu.unpack_subelements %bitcast3A_361, 0 {pack_format = #tpu.pack_format<interleaved>} : vector<32xbf16> -> vector<16xf32>
            %unpack3A_363 = tpu.unpack_subelements %bitcast3A_361, 1 {pack_format = #tpu.pack_format<interleaved>} : vector<32xbf16> -> vector<16xf32>
            %bitcast3A_364 = vector.bitcast %gather3A_357 : vector<16xi32> to vector<32xbf16>
            %unpack3A_365 = tpu.unpack_subelements %bitcast3A_364, 0 {pack_format = #tpu.pack_format<interleaved>} : vector<32xbf16> -> vector<16xf32>
            %unpack3A_366 = tpu.unpack_subelements %bitcast3A_364, 1 {pack_format = #tpu.pack_format<interleaved>} : vector<32xbf16> -> vector<16xf32>
            %add3A_367 = arith.constant 1 : i32
            %add3A_368 = vector.broadcast %add3A_367 : i32 to vector<16xi32>
            %add3A_369 = arith.addi %and3A_334, %add3A_368 : vector<16xi32>
            %and3A_370 = arith.constant 63 : i32
            %and3A_371 = vector.broadcast %and3A_370 : i32 to vector<16xi32>
            %and3A_372 = arith.andi %add3A_369, %and3A_371 : vector<16xi32>
            %mul3A_373 = arith.mulf %unpack3A_359, %unpack3A_362 : vector<16xf32>
            %mul3A_374 = arith.mulf %mul3A_373, %unpack3A_365 : vector<16xf32>
            %add3A_375 = arith.addf %add3A_337, %mul3A_374 : vector<16xf32>
            %mul3A_376 = arith.mulf %unpack3A_360, %unpack3A_363 : vector<16xf32>
            %mul3A_377 = arith.mulf %mul3A_376, %unpack3A_366 : vector<16xf32>
            %add3A_378 = arith.addf %add3A_340, %mul3A_377 : vector<16xf32>
            scf.yield %add3A_375, %add3A_378, %and3A_372 : vector<16xf32>, vector<16xf32>, vector<16xi32>
          }
          %scan3A_221 = arith.constant 64 : i32
          %add3A_222 = arith.addf %scan3A_220#0, %scan3A_220#1 : vector<16xf32>
          %mul3A_223 = arith.constant 80 : i32
          %mul3A_224 = arith.muli %add3A_126, %mul3A_223 : i32
          %mul3A_225 = arith.constant 16 : i32
          %mul3A_226 = arith.muli %scan3A_210, %mul3A_225 : i32
          %add3A_227 = arith.addi %mul3A_224, %mul3A_226 : i32
          %swap3A = arith.index_cast %add3A_227 : i32 to index
          %swap3A_228 = tpu.vector_load %arg14[%swap3A] {strides = array<i32>} : memref<10000xf32, #tpu.memory_space<vmem>>, vector<16xf32>,
          tpu.vector_store %arg14[%swap3A], %add3A_222 {strides = array<i32>} : memref<10000xf32, #tpu.memory_space<vmem>>, vector<16xf32>,
        }
        %scan3A_209 = arith.constant 5 : i32
      } else {
      }
      %add3A_141 = arith.constant 3 : i32
      %add3A_142 = arith.addi %mul3A_96, %add3A_141 : i32
      %add3A_143 = arith.constant 4 : i32
      %add3A_144 = arith.addi %add3A_142, %add3A_143 : i32
      %sub3A_145 = arith.constant 1 : i32
      %sub3A_146 = arith.subi %add3A_144, %sub3A_145 : i32
      %lt3A_147 = arith.constant 125 : i32
      %lt3A_148 = arith.cmpi slt, %sub3A_146, %lt3A_147 : i32
      %convert_element_type3A_149 = arith.extui %lt3A_148 : i1 to i32
      %cond3A_150 = arith.constant 0 : i32
      %cond3A_151 = arith.cmpi ne, %convert_element_type3A_149, %cond3A_150 : i32
      scf.if %cond3A_151 {
        %add3A_157 = arith.constant 4 : i32
        %add3A_158 = arith.addi %add3A_142, %add3A_157 : i32
        %sub3A_159 = arith.constant 1 : i32
        %sub3A_160 = arith.subi %add3A_158, %sub3A_159 : i32
        %mul3A_161 = arith.constant 80 : i32
        %mul3A_162 = arith.muli %sub3A_160, %mul3A_161 : i32
        %multiple_of3A_163 = tpu.assume_multiple %mul3A_162, 80 : i32
        %dma_start3A_164 = arith.constant 2 : i32
        %dma_start3A_165 = arith.constant 0 : i32
        %dma_start3A_166 = arith.constant 0 : i32
        %dma_start3A_167 = tpu.memref_slice %arg11[%dma_start3A_164, %dma_start3A_165, %dma_start3A_166] : memref<4x80x64xi32, #tpu.memory_space<vmem>> -> memref<1x80x64xi32, #tpu.memory_space<vmem>>
        %dma_start3A_168 = tpu.memref_squeeze %dma_start3A_167 : memref<1x80x64xi32, #tpu.memory_space<vmem>> -> memref<80x64xi32, #tpu.memory_space<vmem>>
        %dma_start3A_169 = tpu.memref_slice %arg8[%multiple_of3A_163] : memref<10000xi32, #tpu.memory_space<vmem>> -> memref<80xi32, #tpu.memory_space<vmem>>
        %dma_start3A_170 = arith.constant 0 : i32
        %dma_start3A_171 = arith.constant 0 : i32
        %dma_start3A_172 = tpu.memref_slice %arg2[%dma_start3A_170, %dma_start3A_171] : memref<10000x64xi32, #tpu.memory_space<hbm>> -> memref<10000x64xi32, #tpu.memory_space<hbm>>
        tpu.enqueue_indirect_dma source(%dma_start3A_172 : memref<10000x64xi32, #tpu.memory_space<hbm>>) target(%dma_start3A_168 : memref<80x64xi32, #tpu.memory_space<vmem>>) offsets(%dma_start3A_169 : memref<80xi32, #tpu.memory_space<vmem>>) semaphore(%arg17 : memref<!tpu.dma_semaphore, #tpu.memory_space<semaphore_mem>>)
        %dma_start3A_173 = arith.constant 2 : i32
        %dma_start3A_174 = arith.constant 0 : i32
        %dma_start3A_175 = arith.constant 0 : i32
        %dma_start3A_176 = tpu.memref_slice %arg12[%dma_start3A_173, %dma_start3A_174, %dma_start3A_175] : memref<4x80x64xi32, #tpu.memory_space<vmem>> -> memref<1x80x64xi32, #tpu.memory_space<vmem>>
        %dma_start3A_177 = tpu.memref_squeeze %dma_start3A_176 : memref<1x80x64xi32, #tpu.memory_space<vmem>> -> memref<80x64xi32, #tpu.memory_space<vmem>>
        %dma_start3A_178 = tpu.memref_slice %arg9[%multiple_of3A_163] : memref<10000xi32, #tpu.memory_space<vmem>> -> memref<80xi32, #tpu.memory_space<vmem>>
        %dma_start3A_179 = arith.constant 0 : i32
        %dma_start3A_180 = arith.constant 0 : i32
        %dma_start3A_181 = tpu.memref_slice %arg2[%dma_start3A_179, %dma_start3A_180] : memref<10000x64xi32, #tpu.memory_space<hbm>> -> memref<10000x64xi32, #tpu.memory_space<hbm>>
        tpu.enqueue_indirect_dma source(%dma_start3A_181 : memref<10000x64xi32, #tpu.memory_space<hbm>>) target(%dma_start3A_177 : memref<80x64xi32, #tpu.memory_space<vmem>>) offsets(%dma_start3A_178 : memref<80xi32, #tpu.memory_space<vmem>>) semaphore(%arg17 : memref<!tpu.dma_semaphore, #tpu.memory_space<semaphore_mem>>)
        %dma_start3A_182 = arith.constant 2 : i32
        %dma_start3A_183 = arith.constant 0 : i32
        %dma_start3A_184 = arith.constant 0 : i32
        %dma_start3A_185 = tpu.memref_slice %arg13[%dma_start3A_182, %dma_start3A_183, %dma_start3A_184] : memref<4x80x64xi32, #tpu.memory_space<vmem>> -> memref<1x80x64xi32, #tpu.memory_space<vmem>>
        %dma_start3A_186 = tpu.memref_squeeze %dma_start3A_185 : memref<1x80x64xi32, #tpu.memory_space<vmem>> -> memref<80x64xi32, #tpu.memory_space<vmem>>
        %dma_start3A_187 = tpu.memref_slice %arg10[%multiple_of3A_163] : memref<10000xi32, #tpu.memory_space<vmem>> -> memref<80xi32, #tpu.memory_space<vmem>>
        %dma_start3A_188 = arith.constant 0 : i32
        %dma_start3A_189 = arith.constant 0 : i32
        %dma_start3A_190 = tpu.memref_slice %arg3[%dma_start3A_188, %dma_start3A_189] : memref<1000x64xi32, #tpu.memory_space<hbm>> -> memref<1000x64xi32, #tpu.memory_space<hbm>>
        tpu.enqueue_indirect_dma source(%dma_start3A_190 : memref<1000x64xi32, #tpu.memory_space<hbm>>) target(%dma_start3A_186 : memref<80x64xi32, #tpu.memory_space<vmem>>) offsets(%dma_start3A_187 : memref<80xi32, #tpu.memory_space<vmem>>) semaphore(%arg17 : memref<!tpu.dma_semaphore, #tpu.memory_space<semaphore_mem>>)
      } else {
      }
      %lt3A_152 = arith.constant 125 : i32
      %lt3A_153 = arith.cmpi slt, %add3A_142, %lt3A_152 : i32
      %convert_element_type3A_154 = arith.extui %lt3A_153 : i1 to i32
      %cond3A_155 = arith.constant 0 : i32
      %cond3A_156 = arith.cmpi ne, %convert_element_type3A_154, %cond3A_155 : i32
      scf.if %cond3A_156 {
        %dma_wait3A = arith.constant 3 : i32
        %dma_wait3A_157 = arith.constant 0 : i32
        %dma_wait3A_158 = arith.constant 0 : i32
        %dma_wait3A_159 = tpu.memref_slice %arg11[%dma_wait3A, %dma_wait3A_157, %dma_wait3A_158] : memref<4x80x64xi32, #tpu.memory_space<vmem>> -> memref<1x80x64xi32, #tpu.memory_space<vmem>>
        %dma_wait3A_160 = tpu.memref_squeeze %dma_wait3A_159 : memref<1x80x64xi32, #tpu.memory_space<vmem>> -> memref<80x64xi32, #tpu.memory_space<vmem>>
        %dma_wait3A_161 = arith.constant 0 : i32
        %dma_wait3A_162 = arith.constant 0 : i32
        %dma_wait3A_163 = tpu.memref_slice %arg2[%dma_wait3A_161, %dma_wait3A_162] : memref<10000x64xi32, #tpu.memory_space<hbm>> -> memref<80x64xi32, #tpu.memory_space<hbm>>
        %dma_wait3A_164 = arith.constant 0 : i32
        %dma_wait3A_165 = arith.constant 0 : i32
        %dma_wait3A_166 = tpu.memref_slice %arg11[%dma_wait3A, %dma_wait3A_164, %dma_wait3A_165] : memref<4x80x64xi32, #tpu.memory_space<vmem>> -> memref<1x80x64xi32, #tpu.memory_space<vmem>>
        %dma_wait3A_167 = tpu.memref_squeeze %dma_wait3A_166 : memref<1x80x64xi32, #tpu.memory_space<vmem>> -> memref<80x64xi32, #tpu.memory_space<vmem>>
        %dma_wait3A_168 = arith.constant 0 : i32
        %dma_wait3A_169 = arith.constant 0 : i32
        %dma_wait3A_170 = tpu.memref_slice %arg2[%dma_wait3A_168, %dma_wait3A_169] : memref<10000x64xi32, #tpu.memory_space<hbm>> -> memref<80x64xi32, #tpu.memory_space<hbm>>
        tpu.wait_dma2 semaphore(%arg18 : memref<!tpu.dma_semaphore, #tpu.memory_space<semaphore_mem>>) src(%dma_wait3A_170 : memref<80x64xi32, #tpu.memory_space<hbm>>) dst(%dma_wait3A_167 : memref<80x64xi32, #tpu.memory_space<vmem>>)
        %dma_wait3A_171 = arith.constant 3 : i32
        %dma_wait3A_172 = arith.constant 0 : i32
        %dma_wait3A_173 = arith.constant 0 : i32
        %dma_wait3A_174 = tpu.memref_slice %arg12[%dma_wait3A_171, %dma_wait3A_172, %dma_wait3A_173] : memref<4x80x64xi32, #tpu.memory_space<vmem>> -> memref<1x80x64xi32, #tpu.memory_space<vmem>>
        %dma_wait3A_175 = tpu.memref_squeeze %dma_wait3A_174 : memref<1x80x64xi32, #tpu.memory_space<vmem>> -> memref<80x64xi32, #tpu.memory_space<vmem>>
        %dma_wait3A_176 = arith.constant 0 : i32
        %dma_wait3A_177 = arith.constant 0 : i32
        %dma_wait3A_178 = tpu.memref_slice %arg2[%dma_wait3A_176, %dma_wait3A_177] : memref<10000x64xi32, #tpu.memory_space<hbm>> -> memref<80x64xi32, #tpu.memory_space<hbm>>
        %dma_wait3A_179 = arith.constant 0 : i32
        %dma_wait3A_180 = arith.constant 0 : i32
        %dma_wait3A_181 = tpu.memref_slice %arg12[%dma_wait3A_171, %dma_wait3A_179, %dma_wait3A_180] : memref<4x80x64xi32, #tpu.memory_space<vmem>> -> memref<1x80x64xi32, #tpu.memory_space<vmem>>
        %dma_wait3A_182 = tpu.memref_squeeze %dma_wait3A_181 : memref<1x80x64xi32, #tpu.memory_space<vmem>> -> memref<80x64xi32, #tpu.memory_space<vmem>>
        %dma_wait3A_183 = arith.constant 0 : i32
        %dma_wait3A_184 = arith.constant 0 : i32
        %dma_wait3A_185 = tpu.memref_slice %arg2[%dma_wait3A_183, %dma_wait3A_184] : memref<10000x64xi32, #tpu.memory_space<hbm>> -> memref<80x64xi32, #tpu.memory_space<hbm>>
        tpu.wait_dma2 semaphore(%arg18 : memref<!tpu.dma_semaphore, #tpu.memory_space<semaphore_mem>>) src(%dma_wait3A_185 : memref<80x64xi32, #tpu.memory_space<hbm>>) dst(%dma_wait3A_182 : memref<80x64xi32, #tpu.memory_space<vmem>>)
        %dma_wait3A_186 = arith.constant 3 : i32
        %dma_wait3A_187 = arith.constant 0 : i32
        %dma_wait3A_188 = arith.constant 0 : i32
        %dma_wait3A_189 = tpu.memref_slice %arg13[%dma_wait3A_186, %dma_wait3A_187, %dma_wait3A_188] : memref<4x80x64xi32, #tpu.memory_space<vmem>> -> memref<1x80x64xi32, #tpu.memory_space<vmem>>
        %dma_wait3A_190 = tpu.memref_squeeze %dma_wait3A_189 : memref<1x80x64xi32, #tpu.memory_space<vmem>> -> memref<80x64xi32, #tpu.memory_space<vmem>>
        %dma_wait3A_191 = arith.constant 0 : i32
        %dma_wait3A_192 = arith.constant 0 : i32
        %dma_wait3A_193 = tpu.memref_slice %arg3[%dma_wait3A_191, %dma_wait3A_192] : memref<1000x64xi32, #tpu.memory_space<hbm>> -> memref<80x64xi32, #tpu.memory_space<hbm>>
        %dma_wait3A_194 = arith.constant 0 : i32
        %dma_wait3A_195 = arith.constant 0 : i32
        %dma_wait3A_196 = tpu.memref_slice %arg13[%dma_wait3A_186, %dma_wait3A_194, %dma_wait3A_195] : memref<4x80x64xi32, #tpu.memory_space<vmem>> -> memref<1x80x64xi32, #tpu.memory_space<vmem>>
        %dma_wait3A_197 = tpu.memref_squeeze %dma_wait3A_196 : memref<1x80x64xi32, #tpu.memory_space<vmem>> -> memref<80x64xi32, #tpu.memory_space<vmem>>
        %dma_wait3A_198 = arith.constant 0 : i32
        %dma_wait3A_199 = arith.constant 0 : i32
        %dma_wait3A_200 = tpu.memref_slice %arg3[%dma_wait3A_198, %dma_wait3A_199] : memref<1000x64xi32, #tpu.memory_space<hbm>> -> memref<80x64xi32, #tpu.memory_space<hbm>>
        tpu.wait_dma2 semaphore(%arg18 : memref<!tpu.dma_semaphore, #tpu.memory_space<semaphore_mem>>) src(%dma_wait3A_200 : memref<80x64xi32, #tpu.memory_space<hbm>>) dst(%dma_wait3A_197 : memref<80x64xi32, #tpu.memory_space<vmem>>)
        %scan3A_201 = arith.constant 0 : i32
        %scan3A_202 = arith.constant 3 : i32
        %scan3A_203 = arith.constant 3 : i32
        %scan3A_204 = arith.constant 3 : i32
        %scan3A_205 = arith.constant 0 : i32
        %scan3A_206 = arith.constant 5 : i32
        %scan3A_207 = arith.addi %scan3A_205, %scan3A_206 : i32
        %scan3A_208 = arith.constant 1 : i32
        scf.for %scan3A_210 = %scan3A_205 to %scan3A_207 step %scan3A_208  : i32 {
          %mul3A_211 = arith.constant 16 : i32
          %mul3A_212 = arith.muli %scan3A_210, %mul3A_211 : i32
          %add3A_213 = vector.broadcast %mul3A_212 : i32 to vector<16xi32>
          %add3A_214 = arith.addi %add3A_213, %iota3A : vector<16xi32>
          %broadcast_in_dim3A = arith.constant 0.000000e+00 : f32
          %broadcast_in_dim3A_215 = vector.broadcast %broadcast_in_dim3A : f32 to vector<16xf32>
          %scan3A_216 = arith.constant 0 : i32
          %scan3A_217 = arith.constant 64 : i32
          %scan3A_218 = arith.addi %scan3A_216, %scan3A_217 : i32
          %scan3A_219 = arith.constant 4 : i32
          %scan3A_220:3 = scf.for %scan3A_229 = %scan3A_216 to %scan3A_218 step %scan3A_219 iter_args(%scan3A_230 = %broadcast_in_dim3A_215, %scan3A_231 = %broadcast_in_dim3A_215, %scan3A_232 = %iota3A) -> (vector<16xf32>, vector<16xf32>, vector<16xi32>)  : i32 {
            %gather3A = arith.constant 0 : i32
            %gather3A_233 = arith.constant 0 : i32
            %gather3A_234 = tpu.memref_slice %arg11[%scan3A_202, %gather3A, %gather3A_233] : memref<4x80x64xi32, #tpu.memory_space<vmem>> -> memref<1x80x64xi32, #tpu.memory_space<vmem>>
            %gather3A_235 = tpu.memref_squeeze %gather3A_234 : memref<1x80x64xi32, #tpu.memory_space<vmem>> -> memref<80x64xi32, #tpu.memory_space<vmem>>
            %gather3A_236 = tpu.vector_load_idx %gather3A_235[%add3A_214, %scan3A_232] : memref<80x64xi32, #tpu.memory_space<vmem>>[vector<16xi32>, vector<16xi32>], vector<16xi32>,
            %gather3A_237 = arith.constant 0 : i32
            %gather3A_238 = arith.constant 0 : i32
            %gather3A_239 = tpu.memref_slice %arg12[%scan3A_203, %gather3A_237, %gather3A_238] : memref<4x80x64xi32, #tpu.memory_space<vmem>> -> memref<1x80x64xi32, #tpu.memory_space<vmem>>
            %gather3A_240 = tpu.memref_squeeze %gather3A_239 : memref<1x80x64xi32, #tpu.memory_space<vmem>> -> memref<80x64xi32, #tpu.memory_space<vmem>>
            %gather3A_241 = tpu.vector_load_idx %gather3A_240[%add3A_214, %scan3A_232] : memref<80x64xi32, #tpu.memory_space<vmem>>[vector<16xi32>, vector<16xi32>], vector<16xi32>,
            %gather3A_242 = arith.constant 0 : i32
            %gather3A_243 = arith.constant 0 : i32
            %gather3A_244 = tpu.memref_slice %arg13[%scan3A_204, %gather3A_242, %gather3A_243] : memref<4x80x64xi32, #tpu.memory_space<vmem>> -> memref<1x80x64xi32, #tpu.memory_space<vmem>>
            %gather3A_245 = tpu.memref_squeeze %gather3A_244 : memref<1x80x64xi32, #tpu.memory_space<vmem>> -> memref<80x64xi32, #tpu.memory_space<vmem>>
            %gather3A_246 = tpu.vector_load_idx %gather3A_245[%add3A_214, %scan3A_232] : memref<80x64xi32, #tpu.memory_space<vmem>>[vector<16xi32>, vector<16xi32>], vector<16xi32>,
            %bitcast3A = vector.bitcast %gather3A_236 : vector<16xi32> to vector<32xbf16>
            %unpack3A = tpu.unpack_subelements %bitcast3A, 0 {pack_format = #tpu.pack_format<interleaved>} : vector<32xbf16> -> vector<16xf32>
            %unpack3A_247 = tpu.unpack_subelements %bitcast3A, 1 {pack_format = #tpu.pack_format<interleaved>} : vector<32xbf16> -> vector<16xf32>
            %bitcast3A_248 = vector.bitcast %gather3A_241 : vector<16xi32> to vector<32xbf16>
            %unpack3A_249 = tpu.unpack_subelements %bitcast3A_248, 0 {pack_format = #tpu.pack_format<interleaved>} : vector<32xbf16> -> vector<16xf32>
            %unpack3A_250 = tpu.unpack_subelements %bitcast3A_248, 1 {pack_format = #tpu.pack_format<interleaved>} : vector<32xbf16> -> vector<16xf32>
            %bitcast3A_251 = vector.bitcast %gather3A_246 : vector<16xi32> to vector<32xbf16>
            %unpack3A_252 = tpu.unpack_subelements %bitcast3A_251, 0 {pack_format = #tpu.pack_format<interleaved>} : vector<32xbf16> -> vector<16xf32>
            %unpack3A_253 = tpu.unpack_subelements %bitcast3A_251, 1 {pack_format = #tpu.pack_format<interleaved>} : vector<32xbf16> -> vector<16xf32>
            %add3A_254 = arith.constant 1 : i32
            %add3A_255 = vector.broadcast %add3A_254 : i32 to vector<16xi32>
            %add3A_256 = arith.addi %scan3A_232, %add3A_255 : vector<16xi32>
            %and3A = arith.constant 63 : i32
            %and3A_257 = vector.broadcast %and3A : i32 to vector<16xi32>
            %and3A_258 = arith.andi %add3A_256, %and3A_257 : vector<16xi32>
            %mul3A_259 = arith.mulf %unpack3A, %unpack3A_249 : vector<16xf32>
            %mul3A_260 = arith.mulf %mul3A_259, %unpack3A_252 : vector<16xf32>
            %add3A_261 = arith.addf %scan3A_230, %mul3A_260 : vector<16xf32>
            %mul3A_262 = arith.mulf %unpack3A_247, %unpack3A_250 : vector<16xf32>
            %mul3A_263 = arith.mulf %mul3A_262, %unpack3A_253 : vector<16xf32>
            %add3A_264 = arith.addf %scan3A_231, %mul3A_263 : vector<16xf32>
            %scan3A_265 = arith.constant 1 : i32
            %scan3A_266 = arith.addi %scan3A_229, %scan3A_265 : i32
            %gather3A_267 = arith.constant 0 : i32
            %gather3A_268 = arith.constant 0 : i32
            %gather3A_269 = tpu.memref_slice %arg11[%scan3A_202, %gather3A_267, %gather3A_268] : memref<4x80x64xi32, #tpu.memory_space<vmem>> -> memref<1x80x64xi32, #tpu.memory_space<vmem>>
            %gather3A_270 = tpu.memref_squeeze %gather3A_269 : memref<1x80x64xi32, #tpu.memory_space<vmem>> -> memref<80x64xi32, #tpu.memory_space<vmem>>
            %gather3A_271 = tpu.vector_load_idx %gather3A_270[%add3A_214, %and3A_258] : memref<80x64xi32, #tpu.memory_space<vmem>>[vector<16xi32>, vector<16xi32>], vector<16xi32>,
            %gather3A_272 = arith.constant 0 : i32
            %gather3A_273 = arith.constant 0 : i32
            %gather3A_274 = tpu.memref_slice %arg12[%scan3A_203, %gather3A_272, %gather3A_273] : memref<4x80x64xi32, #tpu.memory_space<vmem>> -> memref<1x80x64xi32, #tpu.memory_space<vmem>>
            %gather3A_275 = tpu.memref_squeeze %gather3A_274 : memref<1x80x64xi32, #tpu.memory_space<vmem>> -> memref<80x64xi32, #tpu.memory_space<vmem>>
            %gather3A_276 = tpu.vector_load_idx %gather3A_275[%add3A_214, %and3A_258] : memref<80x64xi32, #tpu.memory_space<vmem>>[vector<16xi32>, vector<16xi32>], vector<16xi32>,
            %gather3A_277 = arith.constant 0 : i32
            %gather3A_278 = arith.constant 0 : i32
            %gather3A_279 = tpu.memref_slice %arg13[%scan3A_204, %gather3A_277, %gather3A_278] : memref<4x80x64xi32, #tpu.memory_space<vmem>> -> memref<1x80x64xi32, #tpu.memory_space<vmem>>
            %gather3A_280 = tpu.memref_squeeze %gather3A_279 : memref<1x80x64xi32, #tpu.memory_space<vmem>> -> memref<80x64xi32, #tpu.memory_space<vmem>>
            %gather3A_281 = tpu.vector_load_idx %gather3A_280[%add3A_214, %and3A_258] : memref<80x64xi32, #tpu.memory_space<vmem>>[vector<16xi32>, vector<16xi32>], vector<16xi32>,
            %bitcast3A_282 = vector.bitcast %gather3A_271 : vector<16xi32> to vector<32xbf16>
            %unpack3A_283 = tpu.unpack_subelements %bitcast3A_282, 0 {pack_format = #tpu.pack_format<interleaved>} : vector<32xbf16> -> vector<16xf32>
            %unpack3A_284 = tpu.unpack_subelements %bitcast3A_282, 1 {pack_format = #tpu.pack_format<interleaved>} : vector<32xbf16> -> vector<16xf32>
            %bitcast3A_285 = vector.bitcast %gather3A_276 : vector<16xi32> to vector<32xbf16>
            %unpack3A_286 = tpu.unpack_subelements %bitcast3A_285, 0 {pack_format = #tpu.pack_format<interleaved>} : vector<32xbf16> -> vector<16xf32>
            %unpack3A_287 = tpu.unpack_subelements %bitcast3A_285, 1 {pack_format = #tpu.pack_format<interleaved>} : vector<32xbf16> -> vector<16xf32>
            %bitcast3A_288 = vector.bitcast %gather3A_281 : vector<16xi32> to vector<32xbf16>
            %unpack3A_289 = tpu.unpack_subelements %bitcast3A_288, 0 {pack_format = #tpu.pack_format<interleaved>} : vector<32xbf16> -> vector<16xf32>
            %unpack3A_290 = tpu.unpack_subelements %bitcast3A_288, 1 {pack_format = #tpu.pack_format<interleaved>} : vector<32xbf16> -> vector<16xf32>
            %add3A_291 = arith.constant 1 : i32
            %add3A_292 = vector.broadcast %add3A_291 : i32 to vector<16xi32>
            %add3A_293 = arith.addi %and3A_258, %add3A_292 : vector<16xi32>
            %and3A_294 = arith.constant 63 : i32
            %and3A_295 = vector.broadcast %and3A_294 : i32 to vector<16xi32>
            %and3A_296 = arith.andi %add3A_293, %and3A_295 : vector<16xi32>
            %mul3A_297 = arith.mulf %unpack3A_283, %unpack3A_286 : vector<16xf32>
            %mul3A_298 = arith.mulf %mul3A_297, %unpack3A_289 : vector<16xf32>
            %add3A_299 = arith.addf %add3A_261, %mul3A_298 : vector<16xf32>
            %mul3A_300 = arith.mulf %unpack3A_284, %unpack3A_287 : vector<16xf32>
            %mul3A_301 = arith.mulf %mul3A_300, %unpack3A_290 : vector<16xf32>
            %add3A_302 = arith.addf %add3A_264, %mul3A_301 : vector<16xf32>
            %scan3A_303 = arith.constant 2 : i32
            %scan3A_304 = arith.addi %scan3A_229, %scan3A_303 : i32
            %gather3A_305 = arith.constant 0 : i32
            %gather3A_306 = arith.constant 0 : i32
            %gather3A_307 = tpu.memref_slice %arg11[%scan3A_202, %gather3A_305, %gather3A_306] : memref<4x80x64xi32, #tpu.memory_space<vmem>> -> memref<1x80x64xi32, #tpu.memory_space<vmem>>
            %gather3A_308 = tpu.memref_squeeze %gather3A_307 : memref<1x80x64xi32, #tpu.memory_space<vmem>> -> memref<80x64xi32, #tpu.memory_space<vmem>>
            %gather3A_309 = tpu.vector_load_idx %gather3A_308[%add3A_214, %and3A_296] : memref<80x64xi32, #tpu.memory_space<vmem>>[vector<16xi32>, vector<16xi32>], vector<16xi32>,
            %gather3A_310 = arith.constant 0 : i32
            %gather3A_311 = arith.constant 0 : i32
            %gather3A_312 = tpu.memref_slice %arg12[%scan3A_203, %gather3A_310, %gather3A_311] : memref<4x80x64xi32, #tpu.memory_space<vmem>> -> memref<1x80x64xi32, #tpu.memory_space<vmem>>
            %gather3A_313 = tpu.memref_squeeze %gather3A_312 : memref<1x80x64xi32, #tpu.memory_space<vmem>> -> memref<80x64xi32, #tpu.memory_space<vmem>>
            %gather3A_314 = tpu.vector_load_idx %gather3A_313[%add3A_214, %and3A_296] : memref<80x64xi32, #tpu.memory_space<vmem>>[vector<16xi32>, vector<16xi32>], vector<16xi32>,
            %gather3A_315 = arith.constant 0 : i32
            %gather3A_316 = arith.constant 0 : i32
            %gather3A_317 = tpu.memref_slice %arg13[%scan3A_204, %gather3A_315, %gather3A_316] : memref<4x80x64xi32, #tpu.memory_space<vmem>> -> memref<1x80x64xi32, #tpu.memory_space<vmem>>
            %gather3A_318 = tpu.memref_squeeze %gather3A_317 : memref<1x80x64xi32, #tpu.memory_space<vmem>> -> memref<80x64xi32, #tpu.memory_space<vmem>>
            %gather3A_319 = tpu.vector_load_idx %gather3A_318[%add3A_214, %and3A_296] : memref<80x64xi32, #tpu.memory_space<vmem>>[vector<16xi32>, vector<16xi32>], vector<16xi32>,
            %bitcast3A_320 = vector.bitcast %gather3A_309 : vector<16xi32> to vector<32xbf16>
            %unpack3A_321 = tpu.unpack_subelements %bitcast3A_320, 0 {pack_format = #tpu.pack_format<interleaved>} : vector<32xbf16> -> vector<16xf32>
            %unpack3A_322 = tpu.unpack_subelements %bitcast3A_320, 1 {pack_format = #tpu.pack_format<interleaved>} : vector<32xbf16> -> vector<16xf32>
            %bitcast3A_323 = vector.bitcast %gather3A_314 : vector<16xi32> to vector<32xbf16>
            %unpack3A_324 = tpu.unpack_subelements %bitcast3A_323, 0 {pack_format = #tpu.pack_format<interleaved>} : vector<32xbf16> -> vector<16xf32>
            %unpack3A_325 = tpu.unpack_subelements %bitcast3A_323, 1 {pack_format = #tpu.pack_format<interleaved>} : vector<32xbf16> -> vector<16xf32>
            %bitcast3A_326 = vector.bitcast %gather3A_319 : vector<16xi32> to vector<32xbf16>
            %unpack3A_327 = tpu.unpack_subelements %bitcast3A_326, 0 {pack_format = #tpu.pack_format<interleaved>} : vector<32xbf16> -> vector<16xf32>
            %unpack3A_328 = tpu.unpack_subelements %bitcast3A_326, 1 {pack_format = #tpu.pack_format<interleaved>} : vector<32xbf16> -> vector<16xf32>
            %add3A_329 = arith.constant 1 : i32
            %add3A_330 = vector.broadcast %add3A_329 : i32 to vector<16xi32>
            %add3A_331 = arith.addi %and3A_296, %add3A_330 : vector<16xi32>
            %and3A_332 = arith.constant 63 : i32
            %and3A_333 = vector.broadcast %and3A_332 : i32 to vector<16xi32>
            %and3A_334 = arith.andi %add3A_331, %and3A_333 : vector<16xi32>
            %mul3A_335 = arith.mulf %unpack3A_321, %unpack3A_324 : vector<16xf32>
            %mul3A_336 = arith.mulf %mul3A_335, %unpack3A_327 : vector<16xf32>
            %add3A_337 = arith.addf %add3A_299, %mul3A_336 : vector<16xf32>
            %mul3A_338 = arith.mulf %unpack3A_322, %unpack3A_325 : vector<16xf32>
            %mul3A_339 = arith.mulf %mul3A_338, %unpack3A_328 : vector<16xf32>
            %add3A_340 = arith.addf %add3A_302, %mul3A_339 : vector<16xf32>
            %scan3A_341 = arith.constant 3 : i32
            %scan3A_342 = arith.addi %scan3A_229, %scan3A_341 : i32
            %gather3A_343 = arith.constant 0 : i32
            %gather3A_344 = arith.constant 0 : i32
            %gather3A_345 = tpu.memref_slice %arg11[%scan3A_202, %gather3A_343, %gather3A_344] : memref<4x80x64xi32, #tpu.memory_space<vmem>> -> memref<1x80x64xi32, #tpu.memory_space<vmem>>
            %gather3A_346 = tpu.memref_squeeze %gather3A_345 : memref<1x80x64xi32, #tpu.memory_space<vmem>> -> memref<80x64xi32, #tpu.memory_space<vmem>>
            %gather3A_347 = tpu.vector_load_idx %gather3A_346[%add3A_214, %and3A_334] : memref<80x64xi32, #tpu.memory_space<vmem>>[vector<16xi32>, vector<16xi32>], vector<16xi32>,
            %gather3A_348 = arith.constant 0 : i32
            %gather3A_349 = arith.constant 0 : i32
            %gather3A_350 = tpu.memref_slice %arg12[%scan3A_203, %gather3A_348, %gather3A_349] : memref<4x80x64xi32, #tpu.memory_space<vmem>> -> memref<1x80x64xi32, #tpu.memory_space<vmem>>
            %gather3A_351 = tpu.memref_squeeze %gather3A_350 : memref<1x80x64xi32, #tpu.memory_space<vmem>> -> memref<80x64xi32, #tpu.memory_space<vmem>>
            %gather3A_352 = tpu.vector_load_idx %gather3A_351[%add3A_214, %and3A_334] : memref<80x64xi32, #tpu.memory_space<vmem>>[vector<16xi32>, vector<16xi32>], vector<16xi32>,
            %gather3A_353 = arith.constant 0 : i32
            %gather3A_354 = arith.constant 0 : i32
            %gather3A_355 = tpu.memref_slice %arg13[%scan3A_204, %gather3A_353, %gather3A_354] : memref<4x80x64xi32, #tpu.memory_space<vmem>> -> memref<1x80x64xi32, #tpu.memory_space<vmem>>
            %gather3A_356 = tpu.memref_squeeze %gather3A_355 : memref<1x80x64xi32, #tpu.memory_space<vmem>> -> memref<80x64xi32, #tpu.memory_space<vmem>>
            %gather3A_357 = tpu.vector_load_idx %gather3A_356[%add3A_214, %and3A_334] : memref<80x64xi32, #tpu.memory_space<vmem>>[vector<16xi32>, vector<16xi32>], vector<16xi32>,
            %bitcast3A_358 = vector.bitcast %gather3A_347 : vector<16xi32> to vector<32xbf16>
            %unpack3A_359 = tpu.unpack_subelements %bitcast3A_358, 0 {pack_format = #tpu.pack_format<interleaved>} : vector<32xbf16> -> vector<16xf32>
            %unpack3A_360 = tpu.unpack_subelements %bitcast3A_358, 1 {pack_format = #tpu.pack_format<interleaved>} : vector<32xbf16> -> vector<16xf32>
            %bitcast3A_361 = vector.bitcast %gather3A_352 : vector<16xi32> to vector<32xbf16>
            %unpack3A_362 = tpu.unpack_subelements %bitcast3A_361, 0 {pack_format = #tpu.pack_format<interleaved>} : vector<32xbf16> -> vector<16xf32>
            %unpack3A_363 = tpu.unpack_subelements %bitcast3A_361, 1 {pack_format = #tpu.pack_format<interleaved>} : vector<32xbf16> -> vector<16xf32>
            %bitcast3A_364 = vector.bitcast %gather3A_357 : vector<16xi32> to vector<32xbf16>
            %unpack3A_365 = tpu.unpack_subelements %bitcast3A_364, 0 {pack_format = #tpu.pack_format<interleaved>} : vector<32xbf16> -> vector<16xf32>
            %unpack3A_366 = tpu.unpack_subelements %bitcast3A_364, 1 {pack_format = #tpu.pack_format<interleaved>} : vector<32xbf16> -> vector<16xf32>
            %add3A_367 = arith.constant 1 : i32
            %add3A_368 = vector.broadcast %add3A_367 : i32 to vector<16xi32>
            %add3A_369 = arith.addi %and3A_334, %add3A_368 : vector<16xi32>
            %and3A_370 = arith.constant 63 : i32
            %and3A_371 = vector.broadcast %and3A_370 : i32 to vector<16xi32>
            %and3A_372 = arith.andi %add3A_369, %and3A_371 : vector<16xi32>
            %mul3A_373 = arith.mulf %unpack3A_359, %unpack3A_362 : vector<16xf32>
            %mul3A_374 = arith.mulf %mul3A_373, %unpack3A_365 : vector<16xf32>
            %add3A_375 = arith.addf %add3A_337, %mul3A_374 : vector<16xf32>
            %mul3A_376 = arith.mulf %unpack3A_360, %unpack3A_363 : vector<16xf32>
            %mul3A_377 = arith.mulf %mul3A_376, %unpack3A_366 : vector<16xf32>
            %add3A_378 = arith.addf %add3A_340, %mul3A_377 : vector<16xf32>
            scf.yield %add3A_375, %add3A_378, %and3A_372 : vector<16xf32>, vector<16xf32>, vector<16xi32>
          }
          %scan3A_221 = arith.constant 64 : i32
          %add3A_222 = arith.addf %scan3A_220#0, %scan3A_220#1 : vector<16xf32>
          %mul3A_223 = arith.constant 80 : i32
          %mul3A_224 = arith.muli %add3A_142, %mul3A_223 : i32
          %mul3A_225 = arith.constant 16 : i32
          %mul3A_226 = arith.muli %scan3A_210, %mul3A_225 : i32
          %add3A_227 = arith.addi %mul3A_224, %mul3A_226 : i32
          %swap3A = arith.index_cast %add3A_227 : i32 to index
          %swap3A_228 = tpu.vector_load %arg14[%swap3A] {strides = array<i32>} : memref<10000xf32, #tpu.memory_space<vmem>>, vector<16xf32>,
          tpu.vector_store %arg14[%swap3A], %add3A_222 {strides = array<i32>} : memref<10000xf32, #tpu.memory_space<vmem>>, vector<16xf32>,
        }
        %scan3A_209 = arith.constant 5 : i32
      } else {
      }
    }
    %scan3A_93 = arith.constant 32 : i32
    "tpu.region"() ({
      %run_scoped3A = tpu.sem_alloc : memref<!tpu.dma_semaphore, #tpu.memory_space<semaphore_mem>>
      %dma_start3A_94 = tpu.memref_slice %arg7[%multiple_of3A] : memref<320000xf32, #tpu.memory_space<hbm>> -> memref<10000xf32, #tpu.memory_space<hbm>>
      %dma_start3A_95 = tpu.memref_slice %arg7[%multiple_of3A] : memref<320000xf32, #tpu.memory_space<hbm>> -> memref<10000xf32, #tpu.memory_space<hbm>>
      tpu.enqueue_dma source(%arg14 : memref<10000xf32, #tpu.memory_space<vmem>>) target(%dma_start3A_95 : memref<10000xf32, #tpu.memory_space<hbm>>) target_semaphore(%run_scoped3A : memref<!tpu.dma_semaphore, #tpu.memory_space<semaphore_mem>>)
      %dma_wait3A = tpu.memref_slice %arg7[%multiple_of3A] : memref<320000xf32, #tpu.memory_space<hbm>> -> memref<10000xf32, #tpu.memory_space<hbm>>
      %dma_wait3A_96 = tpu.memref_slice %arg7[%multiple_of3A] : memref<320000xf32, #tpu.memory_space<hbm>> -> memref<10000xf32, #tpu.memory_space<hbm>>
      tpu.wait_dma2 semaphore(%run_scoped3A : memref<!tpu.dma_semaphore, #tpu.memory_space<semaphore_mem>>) src(%arg14 : memref<10000xf32, #tpu.memory_space<vmem>>) dst(%dma_wait3A_96 : memref<10000xf32, #tpu.memory_space<hbm>>)
      tpu.yield
    }) : () -> ()
    return
  }
}

module attributes {stable_mosaic.version = 14 : i64} {
  func.func @zn_body(%arg0: i32, %arg1: memref<1000x128xf32, #tpu.memory_space<vmem>>, %arg2: memref<1000x128xf32, #tpu.memory_space<vmem>>) attributes {dimension_semantics = [#tpu.dimension_semantics<arbitrary>], iteration_bounds = array<i64: 10>, scalar_prefetch = 0 : i64, scratch_operands = 0 : i64, tpu.core_type = #tpu.core_type<tc>, window_params = [{transform_indices = @transform_0, window_bounds = array<i64: 1000, 128>}, {transform_indices = @transform_1, window_bounds = array<i64: 1000, 128>}]} {
    %get3A = arith.constant 0 : index
    %get3A_0 = arith.constant 0 : index
    %get3A_1 = vector.load %arg1[%get3A, %get3A_0] : memref<1000x128xf32, #tpu.memory_space<vmem>>, vector<1000x128xf32>
    %mul3A = arith.mulf %get3A_1, %get3A_1 : vector<1000x128xf32>
    %reduce_sum3A = arith.constant dense<0.000000e+00> : vector<1000xf32>
    %reduce_sum3A_2 = vector.multi_reduction <add>, %mul3A, %reduce_sum3A [1] : vector<1000x128xf32> to vector<1000xf32>
    %broadcast_in_dim3A = vector.shape_cast %reduce_sum3A_2 : vector<1000xf32> to vector<1000x1xf32>
    %sqrt3A = math.sqrt %broadcast_in_dim3A : vector<1000x1xf32>
    %max3A = arith.constant 9.99999996E-13 : f32
    %max3A_3 = vector.broadcast %max3A : f32 to vector<1000x1xf32>
    %max3A_4 = arith.maximumf %sqrt3A, %max3A_3 : vector<1000x1xf32>
    %div3A = vector.broadcast %max3A_4 : vector<1000x1xf32> to vector<1000x128xf32>
    %div3A_5 = arith.divf %get3A_1, %div3A : vector<1000x128xf32>
    %swap3A = arith.constant 0 : index
    %swap3A_6 = arith.constant 0 : index
    %swap3A_7 = vector.load %arg2[%swap3A, %swap3A_6] : memref<1000x128xf32, #tpu.memory_space<vmem>>, vector<1000x128xf32>
    tpu.vector_store %arg2[%swap3A, %swap3A_6], %div3A_5 {strides = array<i32>} : memref<1000x128xf32, #tpu.memory_space<vmem>>, vector<1000x128xf32>,
    return
  }
  func.func @transform_0(%arg0: i32) -> (i32, i32) {
    %c0_i32 = arith.constant 0 : i32
    %c0_i32_0 = arith.constant 0 : i32
    return %arg0, %c0_i32 : i32, i32
  }
  func.func @transform_1(%arg0: i32) -> (i32, i32) {
    %c0_i32 = arith.constant 0 : i32
    %c0_i32_0 = arith.constant 0 : i32
    return %arg0, %c0_i32 : i32, i32
  }
}

module attributes {stable_mosaic.version = 14 : i64} {
  func.func @cos_body(%arg0: memref<1000x128xf32, #tpu.memory_space<vmem>>, %arg1: memref<1000x128xf32, #tpu.memory_space<vmem>>) attributes {dimension_semantics = [], scalar_prefetch = 0 : i64, scratch_operands = 0 : i64, tpu.core_type = #tpu.core_type<tc>} {
    %get3A = arith.constant 0 : index
    %get3A_0 = arith.constant 0 : index
    %get3A_1 = vector.load %arg0[%get3A, %get3A_0] : memref<1000x128xf32, #tpu.memory_space<vmem>>, vector<1000x128xf32>
    %cos3A = math.cos %get3A_1 : vector<1000x128xf32>
    %swap3A = arith.constant 0 : index
    %swap3A_2 = arith.constant 0 : index
    %swap3A_3 = vector.load %arg1[%swap3A, %swap3A_2] : memref<1000x128xf32, #tpu.memory_space<vmem>>, vector<1000x128xf32>
    tpu.vector_store %arg1[%swap3A, %swap3A_2], %cos3A {strides = array<i32>} : memref<1000x128xf32, #tpu.memory_space<vmem>>, vector<1000x128xf32>,
    return
  }
}

</mosaic_0001>

<sc_bundles>
// kernel: kernel.5.cloned.1.call-start
scs
__scs_entry_jumppad:
0x0: {  	(pc) =	sbr.rel $0x88, $3  }
0x1: {  	(tag) =	ssettag $0x0;
	lr =	simm.s32 $0x1  }
0x2: {  	[smem:$0x3F9D] =	sst lr;
	_ =	strace $0xD0000000  }
0x3: {  	_ = 	snop  }
0x4: {  	_ = 	snop  }
0x5: {  	_ = 	snop  }
0x6: {  	_ = 	snop  }
0x7: {  	_ = 	snop  }
__scs_overlays_trampoline_lowered:
0x8: {  	[smem:$0x3FAC] =	sst s0  }
0x9: {  	[smem:$0x3FAD] =	sst s1  }
0xa: {  	[smem:$0x3FAE] =	sst s2  }
0xb: {  	[smem:$0x3FAF] =	sst s3  }
0xc: {  	[smem:$0x3FB0] =	sst s4  }
0xd: {  	[smem:$0x3FB1] =	sst s5  }
0xe: {  	[smem:$0x3FB2] =	sst s6  }
0xf: {  	[smem:$0x3FB3] =	sst s7  }
0x10: {  	[smem:$0x3FB4] =	sst s8  }
0x11: {  	[smem:$0x3FB5] =	sst s9;
	s0 =	simm.s32 @!p0 $0x0  }
0x12: {  	s1 =	sld [smem:$0x3F9B];
	s0 =	simm.s32 @p0 $0x1  }
0x13: {  	[smem:$0x3FB6] =	sst s0;
	s0 =	simm.s32 @!p1 $0x0  }
0x14: {  	s2 =	sld [smem:$0x3F9A];
	s0 =	simm.s32 @p1 $0x1  }
0x15: {  	[smem:$0x3FB7] =	sst s0;
	s0 =	simm.s32 @!p2 $0x0  }
0x16: {  	s3 =	sld [smem:$0x3FDB];
	s0 =	simm.s32 @p2 $0x1  }
0x17: {  	s4 =	simm.s32 $0x1BF5;
	[smem:$0x3FB9] =	sst s0  }
0x18: {  	s0 =	sld [smem:$0x3F9C];
	_ =	swait.ge [sflag:s4], $0x0  }
0x19: {  	s7 =	sld [smem:$0x3F9D]  }
0x1a: {  	s8 =	sadd.s32 $0xFFFFE003, lr  }
0x1b: {  	s9 =	sadd.s32 $0xFFFFFEF7, lr;
	s5 =	simm.s32 $0xFFFFFFFF;
	p2 =	slt.u32 s8, $0xFFFFF086  }
0x1c: {  	p1 =	slt.u32 s9, $0xF7A;
	s5 =	simm.s32 @!p2 $0x0  }
0x1d: {  	s5 =	simm.s32 @p1 $0x1;
	p0 =	seq.s32 s7, s2  }
0x1e: {  	s7 =	smul.u32 @!p0 $0xF7A, s2;
	p2 =	seq.s32 @!p0 s5, $0x0  }
0x1f: {  	s9 =	smul.u32 $0xF7A, s1;
	s8 =	simm.s32 @!p0 $0x1BF5;
	p2 =	por !p2, p0  }
0x20: {  	[sflag:s8] =	ssyncset.s32 @!p0 $0xFFFFF086;
	s6 =	sadd.s32 @!p0 s3, s7;
	s7 =	simm.s32 @!p0 $0x108  }
0x21: {  	s3 =	sadd.s32 s3, s9;
	s6 =	sadd.s32 @!p0 $0x88, s6;
	s7 =	simm.s32 @p2 $0x1082  }
0x22: {  	[simem:s7], [sflag:s8] =	dma.local @!p0 [hbm:s6], $0xF7A  }
0x23: {  	s9 =	sor.u32 $0xD0000000, s2;
	s6 =	simm.s32 $0x108;
	_ =	swait.ge @!p0 [sflag:s8], $0x0  }
0x24: {  	s3 =	sadd.s32 $0x88, s3;
	s6 =	simm.s32 @!p1 $0x1082;
	[sflag:s4] =	ssyncset.s32 $0xFFFFF086  }
0x25: {  	[simem:s6], [sflag:s4] =	dma.local [hbm:s3], $0xF7A  }
0x26: {  	[smem:$0x3F9D] =	sst s1;
	(tag) =	ssettag s2;
	_ =	strace s9  }
0x27: {  	s1 =	sld [smem:$0x3FAD]  }
0x28: {  	s2 =	sld [smem:$0x3FAE]  }
0x29: {  	s4 =	sld [smem:$0x3FB0]  }
0x2a: {  	p0 =	seq.s32 s5, $0x0;
	s5 =	sld [smem:$0x3FB1]  }
0x2b: {  	s6 =	sld [smem:$0x3FB2]  }
0x2c: {  	s7 =	sld [smem:$0x3FB3]  }
0x2d: {  	s3 =	simm.s32 $0x108;
	s8 =	sld [smem:$0x3FB4]  }
0x2e: {  	s3 =	simm.s32 @!p0 $0x1082;
	s9 =	sld [smem:$0x3FB5]  }
0x2f: {  	lr =	sadd.s32 s0, s3;
	s0 =	sld [smem:$0x3FAC]  }
0x30: {  	s3 =	sld [smem:$0x3FAF]  }
0x31: {  	[smem:$0x3FB8] =	sst s10  }
0x32: {  	s10 =	sld [smem:$0x3FB6];
	_ =	sdelay $0x3  }
0x33: {  	p0 =	seq.s32 s10, $0x1;
	s10 =	sld [smem:$0x3FB8];
	_ =	sdelay $0x3  }
0x34: {  	[smem:$0x3FB8] =	sst s10  }
0x35: {  	s10 =	sld [smem:$0x3FB7];
	_ =	sdelay $0x3  }
0x36: {  	p1 =	seq.s32 s10, $0x1;
	s10 =	sld [smem:$0x3FB8];
	_ =	sdelay $0x3  }
0x37: {  	[smem:$0x3FB8] =	sst s10  }
0x38: {  	s10 =	sld [smem:$0x3FB9]  }
0x39: {  	_ = 	snop;
	(pc) =	sbr.ind lr, $3  }
0x3a: {  	_ = 	snop  }
0x3b: {  	_ = 	snop  }
0x3c: {  	p2 =	seq.s32 s10, $0x1;
	s10 =	sld [smem:$0x3FB8]  }
0x3d: {  	_ =	shalt  }
0x3e: {  	_ =	shalt  }
0x3f: {  	_ =	shalt  }
0x40: {  	_ =	shalt  }
0x41: {  	_ =	shalt  }
0x42: {  	_ =	shalt  }
0x43: {  	_ =	shalt  }
0x44: {  	_ =	shalt  }
0x45: {  	_ =	shalt  }
0x46: {  	_ =	shalt  }
0x47: {  	_ =	shalt  }
0x48: {  	_ =	shalt  }
0x49: {  	_ =	shalt  }
0x4a: {  	_ =	shalt  }
0x4b: {  	_ =	shalt  }
0x4c: {  	_ =	shalt  }
0x4d: {  	_ =	shalt  }
0x4e: {  	_ =	shalt  }
0x4f: {  	_ =	shalt  }
0x50: {  	_ =	shalt  }
0x51: {  	_ =	shalt  }
0x52: {  	_ =	shalt  }
0x53: {  	_ =	shalt  }
0x54: {  	_ =	shalt  }
0x55: {  	_ =	shalt  }
0x56: {  	_ =	shalt  }
0x57: {  	_ =	shalt  }
0x58: {  	_ =	shalt  }
0x59: {  	_ =	shalt  }
0x5a: {  	_ =	shalt  }
0x5b: {  	_ =	shalt  }
0x5c: {  	_ =	shalt  }
0x5d: {  	_ =	shalt  }
0x5e: {  	_ =	shalt  }
0x5f: {  	_ =	shalt  }
0x60: {  	_ =	shalt  }
0x61: {  	_ =	shalt  }
0x62: {  	_ =	shalt  }
0x63: {  	_ =	shalt  }
0x64: {  	_ =	shalt  }
0x65: {  	_ =	shalt  }
0x66: {  	_ =	shalt  }
0x67: {  	_ =	shalt  }
0x68: {  	_ =	shalt  }
0x69: {  	_ =	shalt  }
0x6a: {  	_ =	shalt  }
0x6b: {  	_ =	shalt  }
0x6c: {  	_ =	shalt  }
0x6d: {  	_ =	shalt  }
0x6e: {  	_ =	shalt  }
0x6f: {  	_ =	shalt  }
0x70: {  	_ =	shalt  }
0x71: {  	_ =	shalt  }
0x72: {  	_ =	shalt  }
0x73: {  	_ =	shalt  }
0x74: {  	_ =	shalt  }
0x75: {  	_ =	shalt  }
0x76: {  	_ =	shalt  }
0x77: {  	_ =	shalt  }
0x78: {  	_ =	shalt  }
0x79: {  	_ =	shalt  }
0x7a: {  	_ =	shalt  }
0x7b: {  	_ =	shalt  }
0x7c: {  	_ =	shalt  }
0x7d: {  	_ =	shalt  }
0x7e: {  	_ =	shalt  }
0x7f: {  	_ =	shalt  }
0x80: {  	_ =	shalt  }
0x81: {  	_ =	shalt  }
0x82: {  	_ =	shalt  }
0x83: {  	_ =	shalt  }
0x84: {  	_ =	shalt  }
0x85: {  	_ =	shalt  }
0x86: {  	_ =	shalt  }
0x87: {  	_ =	shalt  }
.Lfunc_end0:
.L_simem_size_0:
called_computation_lowered:
.L_overlay_start_0:
0x88: {  	s2 =	sld [smem:$0x3FD9]  }
0x89: {  	s3 =	sld [smem:$0x3FFE];
	_ =	sdelay $0x1  }
0x8a: {  	s1 =	srdreg.scid  }
0x8b: {  	s0 =	sand.u32 $0x1, s1  }
0x8c: {  	s17 =	sshll.u32 s0, $0xA;
	s2 =	sadd.s32 s3, s2  }
0x8d: {  	s2 =	sadd.s32 s2, s17  }
0x8e: {  	[smem:$0x3FC4] =	sst s2  }
0x8f: {  	_ = 	snop  }
0x90: {  	s2 =	sld [smem:$0x3FC6]  }
0x91: {  	s18 =	sld [smem:$0x3FD0];
	(tm) =	ssettm $0x1  }
0x92: {  	s4 =	sld [smem:$0x3FFB];
	_ =	sdelay $0x3  }
0x93: {  	_ =	strace s4  }
0x94: {  	s4 =	sld [smem:$0x3FFC];
	_ =	sdelay $0x3  }
0x95: {  	_ =	strace s4  }
0x96: {  	s4 =	sld [smem:$0x3FFD];
	_ =	sdelay $0x3  }
0x97: {  	_ =	strace s4  }
0x98: {  	_ =	strace $0x8FFFFFFF  }
0x99: {  	s19 =	sld [smem:$0x3FDB];
	_ =	sdelay $0x1  }
0x9a: {  	s5 =	simm.s32 $_scs_section_size  }
0x9b: {  	s6 =	simm.s32 $_size__tile_overlayer_lowered;
	s7 =	simm.s32 $_tile_overlayer_lowered  }
0x9c: {  	s22 =	simm.s32 $0x1BFF;
	s21 =	sshll.u32 s7, $0x1;
	s4 =	sadd.s32 s5, s19  }
0x9d: {  	s8 =	simm.s32 $0x0;
	s20 =	sshll.u32 s6, $0x1;
	s6 =	sadd.s32 s21, s4  }
0x9e: {  	[timem:s8], [sflag:s22] =	dma.local [hbm:s6], s20  }
0x9f: {  	_ =	swait.ge [sflag:s22], s20  }
0xa0: {  	s5 =	ssub.s32 $0x0, s20;
	[sflag:s22] =	ssyncset.done $0x0  }
0xa1: {  	[sflag:s22] =	ssyncadd.s32 s5;
	_ =	sdelay $0x1  }
0xa2: {  	s23 =	simm.s32 $0x1B8B  }
0xa3: {  	_ =	swait.ge [sflag:s23], $0x1  }
0xa4: {  	[sflag:s23] =	ssyncset.done $0x0  }
0xa5: {  	s25 =	simm.s32 $0x1B8E;
	s24 =	sld [smem:$0x3FFE];
	[sflag:s23] =	ssyncadd.s32 $0xFFFFFFFF  }
0xa6: {  	s26 =	simm.s32 $execute0_lowered;
	[smem:$0x3FD2] =	sst s25  }
0xa7: {  	s6 =	sshll.u32 s26, $0x1;
	_ =	strace $0x80000046;
	[dreg:$0x1] =	wrdreg $0xFFFFFFFF  }
0xa8: {  	s28 =	simm.s32 $_size_execute0_lowered;
	s4 =	sadd.s32 s4, s6;
	[dreg:$0x0] =	wrdreg $0x0  }
0xa9: {  	s6 =	sshll.u32 s28, $0x1;
	[dreg:$0x2] =	wrdreg s4  }
0xaa: {  	[dreg:$0x3] =	wrdreg s6  }
0xab: {  	[dreg:$0x4] =	wrdreg $0xC0  }
0xac: {  	_ =	task [dreg:s8], $0x5FFFF  }
0xad: {  	[dreg:$0x1] =	wrdreg $0xFFFFFFFF  }
0xae: {  	[dreg:$0x0] =	wrdreg $0x60  }
0xaf: {  	[dreg:$0x2] =	wrdreg s24  }
0xb0: {  	[dreg:$0x3] =	wrdreg s2  }
0xb1: {  	[dreg:$0x4] =	wrdreg s18  }
0xb2: {  	[dreg:$0x5] =	wrdreg $0x9  }
0xb3: {  	_ =	task.clear_ibuf [dreg:s8], $0x6FFFF;
	_ =	strace $0x90000046  }
0xb4: {  	s29 =	simm.s32 $0x9;
	_ =	strace $0x80000048  }
0xb5: {  	_ =	swait.ge [sflag:s29], $0x1  }
0xb6: {  	[sflag:s29] =	ssyncadd.s32 $0xFFFFFFFF  }
0xb7: {  	_ =	strace $0x90000048  }
0xb8: {  	_ =	sfence  }
0xb9: {  	s30 =	sld [smem:$0x0];
	_ =	sdelay $0x2  }
0xba: {  	s31 =	sshll.u32 s1, $0xD;
	s1 =	sshrl.u32 s1, $0x2  }
0xbb: {  	s3 =	sand.u32 $0x4000, s31;
	s1 =	sadd.s32 s1, s30  }
0xbc: {  	s0 =	sor.u32 s3, s0;
	s1 =	sshll.u32 s1, $0x11  }
0xbd: {  	s0 =	sor.u32 s1, s0  }
0xbe: {  	s0 =	sadd.s32 $0x8F2B, s0  }
0xbf: {  	[sflag:s0] =	ssyncadd.remote.s32 $0x1  }
0xc0: {  	_ =	sfence.sel $0xFFFF  }
0xc1: {  	[dreg:$0x0] =	wrdreg $0xFFFFFFFF;
	(pc) =	sbr.abs _section_cstart, $3  }
0xc2: {  	[dreg:$0x1] =	wrdreg $0xFFFFFFFF  }
0xc3: {  	_ =	task.clear_ibuf [dreg:s8], $0x2FFFF;
	_ =	strace $0x9FFFFFFF  }
0xc4: {  	(tm) =	ssettm $0x7FFFFFFF  }
0xc5: {  	_ =	shalt  }
tec
execute0_lowered:
.L_overlay_start_1:
0x0: {  	(tag) =	ssettag $0x1  }
0x1: {  	s1 =	rddreg [dreg:$0x0]  }
0x2: {  	s0 =	rddreg [dreg:$0x1];
	s2 =	srdreg.scid  }
0x3: {  	s3 =	stileid.u32;
	s5 =	rddreg [dreg:$0x2];
	s10 =	simm.s32 $0x5  }
0x4: {  	s13 =	simm.s32 $0x50;
	s14 =	simm.s32 $0x7530;
	s15 =	simm.s32 $0xC530  }
0x5: {  	s16 =	simm.s32 $0x11530;
	s17 =	simm.s32 $0x8930;
	s19 =	simm.s32 $0xD930  }
0x6: {  	s21 =	simm.s32 $0x12930;
	s23 =	simm.s32 $0x9D30;
	s25 =	simm.s32 $0xED30  }
0x7: {  	s28 =	simm.s32 $0x13D30;
	s29 =	simm.s32 $0x1;
	s30 =	simm.s32 $0x2  }
0x8: {  	s31 =	simm.s32 $0x3;
	s18 =	simm.s32 $0x10130;
	s20 =	simm.s32 $0x15130  }
0x9: {  	s2 =	sand.u32 $0x1, s2;
	s4 =	sshll.u32 s3, $0x1;
	s3 =	simm.s32 $0x0  }
0xa: {  	s24 =	simm.s32 $0x0;
	s4 =	sor.u32 s2, s4;
	[smem:$0x7FF] =	sst s3  }
0xb: {  	s2 =	ssub.s32 $0x2, s2;
	s6 =	smul.u32 $0x4E2, s4;
	_ =	strace $0x80000047  }
.Ltmp0:
0xc: {  	s4 =	sadd.s32 $0x13A00, s1;
	s8 =	sshrl.u32 s2, $0x1;
	(pc) =	sbr.rel .LBB2_1-.Ltmp0, $4  }
0xd: {  	s2 =	ssub.s32 s2, s8;
	s7 =	sadd.s32 s6, s1;
	s0 =	sadd.s32 s0, s6  }
0xe: {  	s8 =	sadd.s32 s5, s6;
	s26 =	sadd.s32 $0x1F800, s7;
	[dreg:$0x6] =	wrdreg s0  }
0xf: {  	s9 =	smax.u32 s2, $0x1;
	s7 =	sadd.s32 $0x15A00, s7;
	[dreg:$0x4] =	wrdreg s26  }
0x10: {  	s2 =	simm.s32 $0x4;
	s0 =	simm.s32 $0xB130;
	[dreg:$0x5] =	wrdreg s7  }
.LBB2_22:
0x11: {  	s24 =	sadd.s32 $0x1, s24  }
0x12: {  	p0 =	sne.s32 s24, s9  }
.Ltmp1:
0x13: {  	s5 =	simm.s32 $0x16530;
	(pc) =	sbr.rel @!p0 .LBB2_23-.Ltmp1, $4  }
0x14: {  	[hbm4b:s8+s3] =	stream.linear.scatter [tilespmem:s5], [sflag:$0x5], $0x2710, $0x38;
	[tilespmem:$0x18C40] =	vst v63  }
0x15: {  	_ =	swait.ge [sflag:s10], $0x2710  }
0x16: {  	[sflag:s10] =	ssyncset.done $0x0  }
0x17: {  	[sflag:s10] =	ssyncadd.s32 $0xFFFFD8F0  }
.LBB2_1:
0x18: {  	s5 =	rddreg [dreg:$0x4]  }
0x19: {  	[tilespmem:s3], [sflag:$0x5] =	stream.linear.gather [hbm4b:s5+s3], $0x2710, $0x38;
	[tilespmem:$0x18C40] =	vst v63  }
0x1a: {  	_ =	swait.ge [sflag:s10], $0x2710  }
0x1b: {  	[sflag:s10] =	ssyncset.done $0x0  }
0x1c: {  	s6 =	simm.s32 $0x2710;
	s22 =	rddreg [dreg:$0x5];
	[sflag:s10] =	ssyncadd.s32 $0xFFFFD8F0  }
0x1d: {  	[tilespmem:s6], [sflag:$0x5] =	stream.linear.gather [hbm4b:s22+s3], $0x2710, $0x38;
	[tilespmem:$0x18C40] =	vst v63  }
0x1e: {  	_ =	swait.ge [sflag:s10], $0x2710  }
0x1f: {  	[sflag:s10] =	ssyncset.done $0x0  }
0x20: {  	s7 =	simm.s32 $0x4E20;
	s26 =	rddreg [dreg:$0x6];
	[sflag:s10] =	ssyncadd.s32 $0xFFFFD8F0  }
0x21: {  	[tilespmem:s7], [sflag:$0x5] =	stream.linear.gather [hbm4b:s26+s3], $0x2710, $0x38;
	[tilespmem:$0x18C40] =	vst v63  }
0x22: {  	_ =	swait.ge [sflag:s10], $0x2710  }
0x23: {  	[sflag:s10] =	ssyncset.done $0x0  }
0x24: {  	[sflag:s10] =	ssyncadd.s32 $0xFFFFD8F0  }
0x25: {  	[tilespmem:s14], [sflag:$0x1] =	stream.indirect.gather [hbm4b:s1+s13], $0x40, s3, s13, $0xb8;
	[tilespmem:$0x18C40] =	vst v63  }
0x26: {  	_ = 	snop  }
0x27: {  	[tilespmem:s15], [sflag:$0x1] =	stream.indirect.gather [hbm4b:s1+s13], $0x40, s6, s13, $0xb8;
	[tilespmem:$0x18C40] =	vst v63  }
0x28: {  	_ = 	snop  }
0x29: {  	[tilespmem:s16], [sflag:$0x1] =	stream.indirect.gather [hbm4b:s4+s13], $0x40, s7, s13, $0xb8;
	[tilespmem:$0x18C40] =	vst v63  }
0x2a: {  	_ = 	snop  }
0x2b: {  	[tilespmem:s17], [sflag:$0x2] =	stream.indirect.gather [hbm4b:s1+s13], $0x40, s13, s13, $0xb8;
	[tilespmem:$0x18C40] =	vst v63  }
0x2c: {  	s7 =	simm.s32 $0x2760  }
0x2d: {  	[tilespmem:s19], [sflag:$0x2] =	stream.indirect.gather [hbm4b:s1+s13], $0x40, s7, s13, $0xb8;
	[tilespmem:$0x18C40] =	vst v63  }
0x2e: {  	s11 =	simm.s32 $0x4E70  }
0x2f: {  	[tilespmem:s21], [sflag:$0x2] =	stream.indirect.gather [hbm4b:s4+s13], $0x40, s11, s13, $0xb8;
	[tilespmem:$0x18C40] =	vst v63  }
0x30: {  	s12 =	simm.s32 $0xA0  }
0x31: {  	[tilespmem:s23], [sflag:$0x3] =	stream.indirect.gather [hbm4b:s1+s13], $0x40, s12, s13, $0xb8;
	[tilespmem:$0x18C40] =	vst v63  }
.Ltmp2:
0x32: {  	s22 =	simm.s32 $0x27B0;
	(pc) =	sbr.rel .LBB2_2-.Ltmp2, $4  }
0x33: {  	[tilespmem:s25], [sflag:$0x3] =	stream.indirect.gather [hbm4b:s1+s13], $0x40, s22, s13, $0xb8;
	[tilespmem:$0x18C40] =	vst v63  }
0x34: {  	s26 =	simm.s32 $0x4EC0  }
0x35: {  	[tilespmem:s28], [sflag:$0x3] =	stream.indirect.gather [hbm4b:s4+s13], $0x40, s26, s13, $0xb8;
	[tilespmem:$0x18C40] =	vst v63  }
0x36: {  	s26 =	simm.s32 $0x0  }
.LBB2_21:
0x37: {  	s26 =	sadd.s32 $0x1, s26  }
0x38: {  	p0 =	sne.s32 s26, $0x20  }
.Ltmp3:
0x39: {  	_ = 	snop;
	(pc) =	sbr.rel @!p0 .LBB2_22-.Ltmp3, $1  }
0x3a: {  	_ =	sdelay $0x3  }
.LBB2_2:
0x3b: {  	s22 =	sshllo.u32 s26, $0x2  }
0x3c: {  	p0 =	sgt.u32 s22, $0x7C  }
0x3d: {  	s5 =	smul.u32 @!p0 $0x50, s22  }
0x3e: {  	s6 =	simm.s32 @!p0 $0x50;
	s7 =	simm.s32 @!p0 $0xB130  }
0x3f: {  	[tilespmem:s7], [sflag:$0x4] =	stream.indirect.gather @!p0 [hbm4b:s1+s6], $0x40, s5, s6, $0xb8;
	[tilespmem:$0x18C40] =	vst v63  }
0x40: {  	s11 =	simm.s32 @!p0 $0x10130;
	s7 =	sadd.s32 @!p0 $0x2710, s5  }
0x41: {  	[tilespmem:s11], [sflag:$0x4] =	stream.indirect.gather @!p0 [hbm4b:s1+s6], $0x40, s7, s6, $0xb8;
	[tilespmem:$0x18C40] =	vst v63  }
0x42: {  	s5 =	sadd.s32 @!p0 $0x4E20, s5;
	s7 =	simm.s32 @!p0 $0x15130  }
0x43: {  	[tilespmem:s7], [sflag:$0x4] =	stream.indirect.gather @!p0 [hbm4b:s4+s6], $0x40, s5, s6, $0xb8;
	[tilespmem:$0x18C40] =	vst v63  }
0x44: {  	_ =	swait.ge [sflag:s29], $0x1400  }
0x45: {  	[sflag:s29] =	ssyncset.done $0x0  }
0x46: {  	[sflag:s29] =	ssyncadd.s32 $0xFFFFEC00  }
0x47: {  	_ =	swait.ge [sflag:s29], $0x1400  }
0x48: {  	s11 =	smul.u32 $0x500, s26;
	[sflag:s29] =	ssyncset.done $0x0  }
0x49: {  	[sflag:s29] =	ssyncadd.s32 $0xFFFFEC00  }
0x4a: {  	s5 =	sshra.s32 s11, $0x2;
	_ =	swait.ge [sflag:s29], $0x1400  }
0x4b: {  	s12 =	sadd.s32 $0x16530, s5;
	[sflag:s29] =	ssyncset.done $0x0  }
0x4c: {  	s11 =	sshll.u32 s26, $0x2;
	s5 =	simm.s32 $0x0;
	v0 =	vmov s12;
	[sflag:s29] =	ssyncadd.s32 $0xFFFFEC00  }
.LBB2_3:
0x4d: {  	s12 =	sshll.u32 s5, $0x4;
	v2 =	vlaneseq.u32  }
0x4e: {  	v1 =	vmov s12;
	v3 =	vmul.u32 $0x40, v2  }
0x4f: {  	v1 =	vshll.u32 v1, $0x6  }
0x50: {  	v1 =	vor.u32 v3, v1  }
0x51: {  	v4 =	vadd.s32 $0x1, v2;
	v3 =	vor.u32 v1, v2  }
0x52: {  	v4 =	vand.u32 $0x3F, v4  }
0x53: {  	v4 =	vor.u32 v1, v4;
	_ =	sdelay $0x2  }
0x54: {  	v11 =	vadd.s32 $0x4, v2;
	v5 =	vld.idx.msk [tilespmem:v3+s16+$0x0], $0xffff  }
0x55: {  	v7 =	vadd.s32 $0x2, v2;
	v11 =	vand.u32 $0x3F, v11;
	v6 =	vld.idx.msk [tilespmem:v3+s14+$0x0], $0xffff  }
0x56: {  	v7 =	vand.u32 $0x3F, v7;
	v19 =	vor.u32 v1, v11;
	v8 =	vld.idx.msk [tilespmem:v4+s16+$0x0], $0xffff  }
0x57: {  	v7 =	vor.u32 v1, v7;
	v3 =	vld.idx.msk [tilespmem:v3+s15+$0x0], $0xffff  }
0x58: {  	v9 =	vld.idx.msk [tilespmem:v4+s14+$0x0], $0xffff  }
0x59: {  	v4 =	vld.idx.msk [tilespmem:v4+s15+$0x0], $0xffff  }
0x5a: {  	v2 =	vadd.s32 $0x3, v2  }
0x5b: {  	v2 =	vand.u32 $0x3F, v2;
	v22 =	vld.idx.msk [tilespmem:v19+s14+$0x0], $0xffff  }
0x5c: {  	v10 =	vimm.f32 $0.0e+00;
	v2 =	vor.u32 v1, v2;
	v16 =	vld.idx.msk [tilespmem:v7+s14+$0x0], $0xffff;
	v12 =	vunpack.i.u.bf16.f32 v5  }
0x5d: {  	v5 =	vunpack.i.l.bf16.f32 v5;
	v13 =	vunpack.i.u.bf16.f32 v6;
	v6 =	vunpack.i.l.bf16.f32 v6  }
0x5e: {  	v17 =	vld.idx.msk [tilespmem:v7+s15+$0x0], $0xffff;
	v14 =	vunpack.i.l.bf16.f32 v3;
	v15 =	vunpack.i.u.bf16.f32 v8;
	v18 =	vunpack.i.u.bf16.f32 v4  }
0x5f: {  	v4 =	vunpack.i.l.bf16.f32 v4;
	v3 =	vunpack.i.u.bf16.f32 v3;
	v8 =	vunpack.i.l.bf16.f32 v8  }
0x60: {  	v7 =	vld.idx.msk [tilespmem:v7+s16+$0x0], $0xffff;
	v26 =	vunpack.i.u.bf16.f32 v22;
	v6 =	vmul.f32 v14, v6;
	v14 =	vunpack.i.u.bf16.f32 v9  }
0x61: {  	v9 =	vunpack.i.l.bf16.f32 v9;
	v3 =	vmul.f32 v3, v13;
	v13 =	vunpack.i.l.bf16.f32 v16  }
0x62: {  	v20 =	vld.idx.msk [tilespmem:v19+s16+$0x0], $0xffff;
	v14 =	vmul.f32 v18, v14;
	v18 =	vadd.s32 $0x1, v11;
	v4 =	vmul.f32 v4, v9  }
0x63: {  	v25 =	vld.idx.msk [tilespmem:v19+s15+$0x0], $0xffff;
	v9 =	vand.u32 $0x3F, v18;
	v5 =	vmul.f32 v5, v6;
	v6 =	vunpack.i.u.bf16.f32 v17  }
0x64: {  	v21 =	vld.idx.msk [tilespmem:v2+s16+$0x0], $0xffff;
	v17 =	vunpack.i.l.bf16.f32 v17;
	v12 =	vmul.f32 v12, v3;
	v9 =	vor.u32 v1, v9  }
0x65: {  	v3 =	vunpack.i.u.bf16.f32 v16;
	v16 =	vld.idx.msk [tilespmem:v2+s14+$0x0], $0xffff;
	v18 =	vunpack.i.l.bf16.f32 v7;
	v14 =	vmul.f32 v15, v14  }
0x66: {  	v15 =	vld.idx.msk [tilespmem:v2+s15+$0x0], $0xffff;
	v3 =	vmul.f32 v6, v3;
	v4 =	vmul.f32 v8, v4;
	v2 =	vunpack.i.u.bf16.f32 v7  }
0x67: {  	v6 =	vadd.s32 $0x2, v11;
	v8 =	vunpack.i.l.bf16.f32 v20;
	v7 =	vadd.f32 v5, v10  }
0x68: {  	v10 =	vadd.f32 v12, v10;
	v23 =	vmul.f32 v2, v3;
	v2 =	vand.u32 $0x3F, v6  }
0x69: {  	v6 =	vmul.f32 v17, v13;
	v17 =	vunpack.i.l.bf16.f32 v25;
	v24 =	vor.u32 v1, v2;
	v3 =	vld.idx.msk [tilespmem:v9+s16+$0x0], $0xffff  }
0x6a: {  	v2 =	vadd.s32 $0x4, v11;
	v7 =	vadd.f32 v4, v7;
	v11 =	vadd.s32 $0x3, v11;
	v13 =	vld.idx.msk [tilespmem:v9+s14+$0x0], $0xffff  }
0x6b: {  	v10 =	vadd.f32 v14, v10;
	v14 =	vunpack.i.l.bf16.f32 v22;
	v2 =	vand.u32 $0x3F, v2;
	v9 =	vld.idx.msk [tilespmem:v9+s15+$0x0], $0xffff  }
0x6c: {  	v5 =	vmul.f32 v18, v6;
	v4 =	vunpack.i.u.bf16.f32 v16;
	v12 =	vunpack.i.l.bf16.f32 v16  }
0x6d: {  	v6 =	vunpack.i.u.bf16.f32 v20;
	v11 =	vand.u32 $0x3F, v11;
	v20 =	vmul.f32 v17, v14  }
0x6e: {  	v14 =	vunpack.i.l.bf16.f32 v21;
	v16 =	vunpack.i.u.bf16.f32 v15;
	v15 =	vunpack.i.l.bf16.f32 v15  }
0x6f: {  	v17 =	vor.u32 v1, v11;
	v10 =	vadd.f32 v23, v10;
	v12 =	vmul.f32 v15, v12  }
0x70: {  	v15 =	vld.idx.msk [tilespmem:v24+s14+$0x0], $0xffff;
	v18 =	vunpack.i.u.bf16.f32 v13;
	v22 =	vunpack.i.l.bf16.f32 v13;
	v27 =	vunpack.i.u.bf16.f32 v9  }
0x71: {  	v13 =	vunpack.i.u.bf16.f32 v21;
	v21 =	vunpack.i.l.bf16.f32 v9;
	v23 =	vmul.f32 v27, v18  }
0x72: {  	v18 =	vmul.f32 v16, v4;
	v4 =	vadd.s32 $0x1, v2;
	v21 =	vmul.f32 v21, v22;
	v22 =	vld.idx.msk [tilespmem:v24+s15+$0x0], $0xffff  }
0x73: {  	v9 =	vld.idx.msk [tilespmem:v24+s16+$0x0], $0xffff  }
0x74: {  	v28 =	vunpack.i.u.bf16.f32 v25;
	v11 =	vor.u32 v1, v2;
	v19 =	vunpack.i.u.bf16.f32 v3  }
0x75: {  	s6 =	simm.s32 $0x8;
	v24 =	vmul.f32 v28, v26;
	v25 =	vand.u32 $0x3F, v4;
	v16 =	vunpack.i.l.bf16.f32 v15;
	v4 =	vmovc v2  }
.LBB2_4:
0x76: {  	s6 =	sadd.s32 $0x4, s6;
	v25 =	vor.u32 v1, v25;
	v19 =	vmul.f32 v19, v23;
	v5 =	vadd.f32 v5, v7  }
0x77: {  	v7 =	vmul.f32 v8, v20;
	v8 =	vunpack.i.u.bf16.f32 v22;
	v20 =	vunpack.i.l.bf16.f32 v22;
	p1 =	slt.u32 s6, $0x3C;
	v22 =	vld.idx.msk [tilespmem:v17+s15+$0x0], $0xffff  }
0x78: {  	v15 =	vunpack.i.u.bf16.f32 v15;
	v23 =	vunpack.i.l.bf16.f32 v9;
	v6 =	vmul.f32 v6, v24;
	v24 =	vld.idx.msk [tilespmem:v17+s14+$0x0], $0xffff  }
0x79: {  	v3 =	vunpack.i.l.bf16.f32 v3;
	v12 =	vmul.f32 v14, v12;
	v8 =	vmul.f32 v8, v15;
	v17 =	vld.idx.msk [tilespmem:v17+s16+$0x0], $0xffff  }
0x7a: {  	v15 =	vmul.f32 v3, v21;
	v3 =	vunpack.i.u.bf16.f32 v9;
	v9 =	vmul.f32 v13, v18;
	v14 =	vld.idx.msk [tilespmem:v11+s16+$0x0], $0xffff  }
0x7b: {  	v18 =	vadd.s32 $0x2, v2;
	v5 =	vadd.f32 v12, v5;
	v21 =	vmul.f32 v3, v8;
	v13 =	vld.idx.msk [tilespmem:v11+s14+$0x0], $0xffff  }
0x7c: {  	v12 =	vmul.f32 v20, v16;
	v8 =	vand.u32 $0x3F, v18;
	v9 =	vadd.f32 v9, v10;
	v3 =	vld.idx.msk [tilespmem:v25+s16+$0x0], $0xffff  }
0x7d: {  	v2 =	vadd.s32 $0x4, v2;
	v10 =	vor.u32 v1, v8;
	v7 =	vadd.f32 v7, v5;
	v11 =	vld.idx.msk [tilespmem:v11+s15+$0x0], $0xffff  }
0x7e: {  	v2 =	vand.u32 $0x3F, v2;
	v5 =	vmul.f32 v23, v12;
	v9 =	vadd.f32 v6, v9;
	v16 =	vld.idx.msk [tilespmem:v25+s14+$0x0], $0xffff  }
0x7f: {  	v7 =	vadd.f32 v15, v7;
	v12 =	vunpack.i.l.bf16.f32 v24;
	v18 =	vld.idx.msk [tilespmem:v25+s15+$0x0], $0xffff;
	v25 =	vunpack.i.u.bf16.f32 v24  }
0x80: {  	v6 =	vunpack.i.u.bf16.f32 v14;
	v8 =	vunpack.i.l.bf16.f32 v14;
	v24 =	vunpack.i.u.bf16.f32 v22  }
0x81: {  	v23 =	vadd.f32 v19, v9;
	v14 =	vadd.s32 $0x3, v4;
	v4 =	vmovc v2;
	v26 =	vunpack.i.u.bf16.f32 v13  }
0x82: {  	v13 =	vunpack.i.l.bf16.f32 v13;
	v27 =	vand.u32 $0x3F, v14;
	v14 =	vunpack.i.l.bf16.f32 v22;
	v9 =	vld.idx.msk [tilespmem:v10+s16+$0x0], $0xffff  }
0x83: {  	v19 =	vunpack.i.u.bf16.f32 v3;
	v12 =	vmul.f32 v14, v12;
	v20 =	vunpack.i.l.bf16.f32 v11;
	v15 =	vld.idx.msk [tilespmem:v10+s14+$0x0], $0xffff  }
0x84: {  	v14 =	vunpack.i.l.bf16.f32 v17;
	v20 =	vmul.f32 v20, v13;
	v28 =	vunpack.i.u.bf16.f32 v16  }
.Ltmp4:
0x85: {  	v16 =	vunpack.i.l.bf16.f32 v16;
	v13 =	vunpack.i.u.bf16.f32 v17;
	v29 =	vunpack.i.u.bf16.f32 v18;
	v22 =	vld.idx.msk [tilespmem:v10+s15+$0x0], $0xffff;
	(pc) =	sbr.rel @p1 .LBB2_4-.Ltmp4, $4  }
0x86: {  	v17 =	vor.u32 v1, v27;
	v30 =	vunpack.i.l.bf16.f32 v18;
	v10 =	vadd.f32 v21, v23  }
0x87: {  	v27 =	vunpack.i.u.bf16.f32 v11;
	v18 =	vmul.f32 v24, v25;
	v23 =	vmul.f32 v29, v28  }
0x88: {  	v11 =	vor.u32 v1, v2;
	v24 =	vadd.s32 $0x1, v2;
	v21 =	vmul.f32 v30, v16  }
0x89: {  	v25 =	vand.u32 $0x3F, v24;
	v24 =	vmul.f32 v27, v26;
	v16 =	vunpack.i.l.bf16.f32 v15  }
0x8a: {  	_ = 	snop  }
0x8b: {  	v25 =	vor.u32 v1, v25  }
0x8c: {  	v19 =	vmul.f32 v19, v23;
	v5 =	vadd.f32 v5, v7;
	v51 =	vmul.f32 v8, v20  }
0x8d: {  	v52 =	vunpack.i.u.bf16.f32 v22;
	v53 =	vunpack.i.l.bf16.f32 v22;
	v15 =	vunpack.i.u.bf16.f32 v15  }
0x8e: {  	v54 =	vld.idx.msk [tilespmem:v17+s15+$0x0], $0xffff;
	v12 =	vmul.f32 v14, v12;
	v56 =	vunpack.i.l.bf16.f32 v9;
	v3 =	vunpack.i.l.bf16.f32 v3  }
0x8f: {  	v55 =	vld.idx.msk [tilespmem:v17+s14+$0x0], $0xffff;
	v13 =	vmul.f32 v13, v18;
	v59 =	vunpack.i.u.bf16.f32 v9;
	v2 =	vadd.s32 $0x2, v2  }
0x90: {  	v58 =	vld.idx.msk [tilespmem:v11+s16+$0x0], $0xffff;
	v4 =	vadd.s32 $0x3, v4;
	v6 =	vmul.f32 v6, v24;
	v8 =	vmul.f32 v52, v15  }
0x91: {  	v60 =	vld.idx.msk [tilespmem:v11+s14+$0x0], $0xffff;
	v3 =	vmul.f32 v3, v21;
	v2 =	vand.u32 $0x3F, v2;
	v16 =	vmul.f32 v53, v16  }
0x92: {  	v63 =	vld.idx.msk [tilespmem:v11+s15+$0x0], $0xffff;
	v4 =	vand.u32 $0x3F, v4;
	v5 =	vadd.f32 v12, v5;
	v10 =	vadd.f32 v13, v10  }
0x93: {  	v57 =	vld.idx.msk [tilespmem:v17+s16+$0x0], $0xffff;
	v2 =	vor.u32 v1, v2;
	v1 =	vor.u32 v1, v4;
	v62 =	vmul.f32 v59, v8  }
0x94: {  	v28 =	vmul.f32 v56, v16;
	v5 =	vadd.f32 v51, v5;
	v6 =	vadd.f32 v6, v10  }
0x95: {  	v29 =	vunpack.i.u.bf16.f32 v55;
	v31 =	vunpack.i.l.bf16.f32 v55;
	v32 =	vunpack.i.u.bf16.f32 v58  }
0x96: {  	v15 =	vunpack.i.l.bf16.f32 v58;
	v33 =	vunpack.i.u.bf16.f32 v54;
	v34 =	vunpack.i.u.bf16.f32 v60  }
0x97: {  	v61 =	vld.idx.msk [tilespmem:v25+s16+$0x0], $0xffff;
	v12 =	vunpack.i.l.bf16.f32 v60;
	v35 =	vunpack.i.l.bf16.f32 v54;
	v36 =	vunpack.i.l.bf16.f32 v63  }
0x98: {  	v27 =	vld.idx.msk [tilespmem:v25+s14+$0x0], $0xffff;
	v40 =	vunpack.i.l.bf16.f32 v57;
	v17 =	vunpack.i.u.bf16.f32 v57;
	v43 =	vunpack.i.u.bf16.f32 v63  }
0x99: {  	v30 =	vld.idx.msk [tilespmem:v25+s15+$0x0], $0xffff;
	v6 =	vadd.f32 v19, v6;
	v12 =	vmul.f32 v36, v12;
	v4 =	vmul.f32 v43, v34  }
0x9a: {  	v3 =	vadd.f32 v3, v5;
	v14 =	vmul.f32 v35, v31;
	v5 =	vmul.f32 v33, v29;
	v38 =	vld.idx.msk [tilespmem:v2+s14+$0x0], $0xffff  }
0x9b: {  	v42 =	vld.idx.msk [tilespmem:v2+s15+$0x0], $0xffff;
	v6 =	vadd.f32 v62, v6;
	v47 =	vmul.f32 v15, v12;
	v4 =	vmul.f32 v32, v4  }
0x9c: {  	v2 =	vld.idx.msk [tilespmem:v2+s16+$0x0], $0xffff;
	v3 =	vadd.f32 v28, v3;
	v14 =	vmul.f32 v40, v14;
	v5 =	vmul.f32 v17, v5  }
0x9d: {  	v37 =	vunpack.i.u.bf16.f32 v61;
	v39 =	vunpack.i.u.bf16.f32 v27;
	v9 =	vunpack.i.l.bf16.f32 v27  }
0x9e: {  	v50 =	vld.idx.msk [tilespmem:v1+s14+$0x0], $0xffff;
	v41 =	vunpack.i.u.bf16.f32 v30;
	v11 =	vunpack.i.l.bf16.f32 v30;
	v13 =	vunpack.i.l.bf16.f32 v61  }
0x9f: {  	v51 =	vld.idx.msk [tilespmem:v1+s15+$0x0], $0xffff;
	v3 =	vadd.f32 v14, v3;
	v5 =	vadd.f32 v5, v6;
	v44 =	vmul.f32 v41, v39  }
0xa0: {  	v45 =	vmul.f32 v11, v9;
	v46 =	vunpack.i.l.bf16.f32 v38;
	v48 =	vunpack.i.u.bf16.f32 v42  }
0xa1: {  	v1 =	vld.idx.msk [tilespmem:v1+s16+$0x0], $0xffff;
	v49 =	vunpack.i.l.bf16.f32 v42;
	v52 =	vunpack.i.u.bf16.f32 v38;
	v53 =	vunpack.i.l.bf16.f32 v2  }
0xa2: {  	v2 =	vunpack.i.u.bf16.f32 v2;
	v3 =	vadd.f32 v47, v3;
	v4 =	vadd.f32 v4, v5  }
0xa3: {  	v57 =	vunpack.i.u.bf16.f32 v50;
	v58 =	vunpack.i.l.bf16.f32 v50;
	v8 =	vmul.f32 v37, v44  }
0xa4: {  	v60 =	vunpack.i.l.bf16.f32 v51;
	v11 =	vmul.f32 v48, v52;
	v54 =	vmul.f32 v13, v45  }
0xa5: {  	v59 =	vunpack.i.u.bf16.f32 v51;
	v55 =	vmul.f32 v49, v46;
	v61 =	vmul.f32 v60, v58  }
0xa6: {  	v62 =	vunpack.i.l.bf16.f32 v1;
	v7 =	vmul.f32 v59, v57;
	v2 =	vmul.f32 v2, v11  }
0xa7: {  	v56 =	vmul.f32 v53, v55;
	v4 =	vadd.f32 v8, v4;
	v3 =	vadd.f32 v54, v3  }
0xa8: {  	v1 =	vunpack.i.u.bf16.f32 v1;
	v63 =	vmul.f32 v62, v61  }
0xa9: {  	s5 =	sadd.s32 $0x1, s5;
	v1 =	vmul.f32 v1, v7;
	v2 =	vadd.f32 v2, v4;
	v3 =	vadd.f32 v56, v3  }
0xaa: {  	p1 =	sne.s32 s5, $0x5  }
.Ltmp5:
0xab: {  	v3 =	vadd.f32 v63, v3;
	v1 =	vadd.f32 v1, v2;
	(pc) =	sbr.rel @p1 .LBB2_3-.Ltmp5, $3  }
0xac: {  	_ = 	snop  }
0xad: {  	v1 =	vadd.f32 v1, v3;
	_ =	sdelay $0x1  }
0xae: {  	[tilespmem:v0+s12+$0x0 ss:$0x1] =	vst.idx.msk $0xffff, v1  }
0xaf: {  	p1 =	seq.s32 s26, $0x1F  }
0xb0: {  	s6 =	smul.u32 @!p1 $0x140, s26;
	_ =	sdelay $0x1  }
0xb1: {  	s7 =	simm.s32 @!p1 $0x50;
	s12 =	simm.s32 @!p1 $0x7530;
	s5 =	sadd.s32 @!p1 $0x140, s6  }
0xb2: {  	[tilespmem:s12], [sflag:$0x1] =	stream.indirect.gather @!p1 [hbm4b:s1+s7], $0x40, s5, s7, $0xb8;
	[tilespmem:$0x18C40] =	vst v63  }
0xb3: {  	s5 =	sadd.s32 @!p1 $0x2850, s6;
	s12 =	simm.s32 @!p1 $0xC530  }
0xb4: {  	[tilespmem:s12], [sflag:$0x1] =	stream.indirect.gather @!p1 [hbm4b:s1+s7], $0x40, s5, s7, $0xb8;
	[tilespmem:$0x18C40] =	vst v63  }
0xb5: {  	s6 =	sadd.s32 @!p1 $0x4F60, s6;
	s5 =	sor.u32 $0x1, s11;
	s12 =	simm.s32 @!p1 $0x11530  }
0xb6: {  	[tilespmem:s12], [sflag:$0x1] =	stream.indirect.gather @!p1 [hbm4b:s4+s7], $0x40, s6, s7, $0xb8;
	[tilespmem:$0x18C40] =	vst v63  }
0xb7: {  	p1 =	sgt.u32 s5, $0x7C  }
.Ltmp6:
0xb8: {  	_ = 	snop;
	(pc) =	sbr.rel @p1 .LBB2_11-.Ltmp6, $1  }
0xb9: {  	_ =	sdelay $0x3  }
0xba: {  	_ =	swait.ge [sflag:s30], $0x1400  }
0xbb: {  	[sflag:s30] =	ssyncset.done $0x0  }
0xbc: {  	[sflag:s30] =	ssyncadd.s32 $0xFFFFEC00  }
0xbd: {  	_ =	swait.ge [sflag:s30], $0x1400  }
0xbe: {  	s5 =	smul.u32 $0x140, s5;
	[sflag:s30] =	ssyncset.done $0x0  }
0xbf: {  	[sflag:s30] =	ssyncadd.s32 $0xFFFFEC00  }
0xc0: {  	s5 =	sshra.s32 s5, $0x2;
	_ =	swait.ge [sflag:s30], $0x1400  }
0xc1: {  	s6 =	sadd.s32 $0x16530, s5;
	[sflag:s30] =	ssyncset.done $0x0  }
0xc2: {  	s5 =	simm.s32 $0x0;
	v0 =	vmov s6;
	[sflag:s30] =	ssyncadd.s32 $0xFFFFEC00  }
.LBB2_8:
0xc3: {  	s12 =	sshll.u32 s5, $0x4;
	v2 =	vlaneseq.u32  }
0xc4: {  	v1 =	vmov s12;
	v3 =	vmul.u32 $0x40, v2  }
0xc5: {  	v1 =	vshll.u32 v1, $0x6  }
0xc6: {  	v1 =	vor.u32 v3, v1  }
0xc7: {  	v4 =	vadd.s32 $0x1, v2;
	v3 =	vor.u32 v1, v2  }
0xc8: {  	v4 =	vand.u32 $0x3F, v4  }
0xc9: {  	v4 =	vor.u32 v1, v4;
	_ =	sdelay $0x2  }
0xca: {  	v11 =	vadd.s32 $0x4, v2;
	v5 =	vld.idx.msk [tilespmem:v3+s21+$0x0], $0xffff  }
0xcb: {  	v7 =	vadd.s32 $0x2, v2;
	v11 =	vand.u32 $0x3F, v11;
	v6 =	vld.idx.msk [tilespmem:v3+s17+$0x0], $0xffff  }
0xcc: {  	v7 =	vand.u32 $0x3F, v7;
	v19 =	vor.u32 v1, v11;
	v8 =	vld.idx.msk [tilespmem:v4+s21+$0x0], $0xffff  }
0xcd: {  	v7 =	vor.u32 v1, v7;
	v3 =	vld.idx.msk [tilespmem:v3+s19+$0x0], $0xffff  }
0xce: {  	v9 =	vld.idx.msk [tilespmem:v4+s17+$0x0], $0xffff  }
0xcf: {  	v4 =	vld.idx.msk [tilespmem:v4+s19+$0x0], $0xffff  }
0xd0: {  	v2 =	vadd.s32 $0x3, v2  }
0xd1: {  	v2 =	vand.u32 $0x3F, v2;
	v22 =	vld.idx.msk [tilespmem:v19+s17+$0x0], $0xffff  }
0xd2: {  	v10 =	vimm.f32 $0.0e+00;
	v2 =	vor.u32 v1, v2;
	v16 =	vld.idx.msk [tilespmem:v7+s17+$0x0], $0xffff;
	v12 =	vunpack.i.u.bf16.f32 v5  }
0xd3: {  	v5 =	vunpack.i.l.bf16.f32 v5;
	v13 =	vunpack.i.u.bf16.f32 v6;
	v6 =	vunpack.i.l.bf16.f32 v6  }
0xd4: {  	v17 =	vld.idx.msk [tilespmem:v7+s19+$0x0], $0xffff;
	v14 =	vunpack.i.l.bf16.f32 v3;
	v15 =	vunpack.i.u.bf16.f32 v8;
	v18 =	vunpack.i.u.bf16.f32 v4  }
0xd5: {  	v4 =	vunpack.i.l.bf16.f32 v4;
	v3 =	vunpack.i.u.bf16.f32 v3;
	v8 =	vunpack.i.l.bf16.f32 v8  }
0xd6: {  	v7 =	vld.idx.msk [tilespmem:v7+s21+$0x0], $0xffff;
	v26 =	vunpack.i.u.bf16.f32 v22;
	v6 =	vmul.f32 v14, v6;
	v14 =	vunpack.i.u.bf16.f32 v9  }
0xd7: {  	v9 =	vunpack.i.l.bf16.f32 v9;
	v3 =	vmul.f32 v3, v13;
	v13 =	vunpack.i.l.bf16.f32 v16  }
0xd8: {  	v20 =	vld.idx.msk [tilespmem:v19+s21+$0x0], $0xffff;
	v14 =	vmul.f32 v18, v14;
	v18 =	vadd.s32 $0x1, v11;
	v4 =	vmul.f32 v4, v9  }
0xd9: {  	v25 =	vld.idx.msk [tilespmem:v19+s19+$0x0], $0xffff;
	v9 =	vand.u32 $0x3F, v18;
	v5 =	vmul.f32 v5, v6;
	v6 =	vunpack.i.u.bf16.f32 v17  }
0xda: {  	v21 =	vld.idx.msk [tilespmem:v2+s21+$0x0], $0xffff;
	v17 =	vunpack.i.l.bf16.f32 v17;
	v12 =	vmul.f32 v12, v3;
	v9 =	vor.u32 v1, v9  }
0xdb: {  	v3 =	vunpack.i.u.bf16.f32 v16;
	v16 =	vld.idx.msk [tilespmem:v2+s17+$0x0], $0xffff;
	v18 =	vunpack.i.l.bf16.f32 v7;
	v14 =	vmul.f32 v15, v14  }
0xdc: {  	v15 =	vld.idx.msk [tilespmem:v2+s19+$0x0], $0xffff;
	v3 =	vmul.f32 v6, v3;
	v4 =	vmul.f32 v8, v4;
	v2 =	vunpack.i.u.bf16.f32 v7  }
0xdd: {  	v6 =	vadd.s32 $0x2, v11;
	v8 =	vunpack.i.l.bf16.f32 v20;
	v7 =	vadd.f32 v5, v10  }
0xde: {  	v10 =	vadd.f32 v12, v10;
	v23 =	vmul.f32 v2, v3;
	v2 =	vand.u32 $0x3F, v6  }
0xdf: {  	v6 =	vmul.f32 v17, v13;
	v17 =	vunpack.i.l.bf16.f32 v25;
	v24 =	vor.u32 v1, v2;
	v3 =	vld.idx.msk [tilespmem:v9+s21+$0x0], $0xffff  }
0xe0: {  	v2 =	vadd.s32 $0x4, v11;
	v7 =	vadd.f32 v4, v7;
	v11 =	vadd.s32 $0x3, v11;
	v13 =	vld.idx.msk [tilespmem:v9+s17+$0x0], $0xffff  }
0xe1: {  	v10 =	vadd.f32 v14, v10;
	v14 =	vunpack.i.l.bf16.f32 v22;
	v2 =	vand.u32 $0x3F, v2;
	v9 =	vld.idx.msk [tilespmem:v9+s19+$0x0], $0xffff  }
0xe2: {  	v5 =	vmul.f32 v18, v6;
	v4 =	vunpack.i.u.bf16.f32 v16;
	v12 =	vunpack.i.l.bf16.f32 v16  }
0xe3: {  	v6 =	vunpack.i.u.bf16.f32 v20;
	v11 =	vand.u32 $0x3F, v11;
	v20 =	vmul.f32 v17, v14  }
0xe4: {  	v14 =	vunpack.i.l.bf16.f32 v21;
	v16 =	vunpack.i.u.bf16.f32 v15;
	v15 =	vunpack.i.l.bf16.f32 v15  }
0xe5: {  	v17 =	vor.u32 v1, v11;
	v10 =	vadd.f32 v23, v10;
	v12 =	vmul.f32 v15, v12  }
0xe6: {  	v15 =	vld.idx.msk [tilespmem:v24+s17+$0x0], $0xffff;
	v18 =	vunpack.i.u.bf16.f32 v13;
	v22 =	vunpack.i.l.bf16.f32 v13;
	v27 =	vunpack.i.u.bf16.f32 v9  }
0xe7: {  	v13 =	vunpack.i.u.bf16.f32 v21;
	v21 =	vunpack.i.l.bf16.f32 v9;
	v23 =	vmul.f32 v27, v18  }
0xe8: {  	v18 =	vmul.f32 v16, v4;
	v4 =	vadd.s32 $0x1, v2;
	v21 =	vmul.f32 v21, v22;
	v22 =	vld.idx.msk [tilespmem:v24+s19+$0x0], $0xffff  }
0xe9: {  	v9 =	vld.idx.msk [tilespmem:v24+s21+$0x0], $0xffff  }
0xea: {  	v28 =	vunpack.i.u.bf16.f32 v25;
	v11 =	vor.u32 v1, v2;
	v19 =	vunpack.i.u.bf16.f32 v3  }
0xeb: {  	s6 =	simm.s32 $0x8;
	v24 =	vmul.f32 v28, v26;
	v25 =	vand.u32 $0x3F, v4;
	v16 =	vunpack.i.l.bf16.f32 v15;
	v4 =	vmovc v2  }
.LBB2_9:
0xec: {  	s6 =	sadd.s32 $0x4, s6;
	v25 =	vor.u32 v1, v25;
	v19 =	vmul.f32 v19, v23;
	v5 =	vadd.f32 v5, v7  }
0xed: {  	v7 =	vmul.f32 v8, v20;
	v8 =	vunpack.i.u.bf16.f32 v22;
	v20 =	vunpack.i.l.bf16.f32 v22;
	p1 =	slt.u32 s6, $0x3C;
	v22 =	vld.idx.msk [tilespmem:v17+s19+$0x0], $0xffff  }
0xee: {  	v15 =	vunpack.i.u.bf16.f32 v15;
	v23 =	vunpack.i.l.bf16.f32 v9;
	v6 =	vmul.f32 v6, v24;
	v24 =	vld.idx.msk [tilespmem:v17+s17+$0x0], $0xffff  }
0xef: {  	v3 =	vunpack.i.l.bf16.f32 v3;
	v12 =	vmul.f32 v14, v12;
	v8 =	vmul.f32 v8, v15;
	v17 =	vld.idx.msk [tilespmem:v17+s21+$0x0], $0xffff  }
0xf0: {  	v15 =	vmul.f32 v3, v21;
	v3 =	vunpack.i.u.bf16.f32 v9;
	v9 =	vmul.f32 v13, v18;
	v14 =	vld.idx.msk [tilespmem:v11+s21+$0x0], $0xffff  }
0xf1: {  	v18 =	vadd.s32 $0x2, v2;
	v5 =	vadd.f32 v12, v5;
	v21 =	vmul.f32 v3, v8;
	v13 =	vld.idx.msk [tilespmem:v11+s17+$0x0], $0xffff  }
0xf2: {  	v12 =	vmul.f32 v20, v16;
	v8 =	vand.u32 $0x3F, v18;
	v9 =	vadd.f32 v9, v10;
	v3 =	vld.idx.msk [tilespmem:v25+s21+$0x0], $0xffff  }
0xf3: {  	v2 =	vadd.s32 $0x4, v2;
	v10 =	vor.u32 v1, v8;
	v7 =	vadd.f32 v7, v5;
	v11 =	vld.idx.msk [tilespmem:v11+s19+$0x0], $0xffff  }
0xf4: {  	v2 =	vand.u32 $0x3F, v2;
	v5 =	vmul.f32 v23, v12;
	v9 =	vadd.f32 v6, v9;
	v16 =	vld.idx.msk [tilespmem:v25+s17+$0x0], $0xffff  }
0xf5: {  	v7 =	vadd.f32 v15, v7;
	v12 =	vunpack.i.l.bf16.f32 v24;
	v18 =	vld.idx.msk [tilespmem:v25+s19+$0x0], $0xffff;
	v25 =	vunpack.i.u.bf16.f32 v24  }
0xf6: {  	v6 =	vunpack.i.u.bf16.f32 v14;
	v8 =	vunpack.i.l.bf16.f32 v14;
	v24 =	vunpack.i.u.bf16.f32 v22  }
0xf7: {  	v23 =	vadd.f32 v19, v9;
	v14 =	vadd.s32 $0x3, v4;
	v4 =	vmovc v2;
	v26 =	vunpack.i.u.bf16.f32 v13  }
0xf8: {  	v13 =	vunpack.i.l.bf16.f32 v13;
	v27 =	vand.u32 $0x3F, v14;
	v14 =	vunpack.i.l.bf16.f32 v22;
	v9 =	vld.idx.msk [tilespmem:v10+s21+$0x0], $0xffff  }
0xf9: {  	v19 =	vunpack.i.u.bf16.f32 v3;
	v12 =	vmul.f32 v14, v12;
	v20 =	vunpack.i.l.bf16.f32 v11;
	v15 =	vld.idx.msk [tilespmem:v10+s17+$0x0], $0xffff  }
0xfa: {  	v14 =	vunpack.i.l.bf16.f32 v17;
	v20 =	vmul.f32 v20, v13;
	v28 =	vunpack.i.u.bf16.f32 v16  }
.Ltmp7:
0xfb: {  	v16 =	vunpack.i.l.bf16.f32 v16;
	v13 =	vunpack.i.u.bf16.f32 v17;
	v29 =	vunpack.i.u.bf16.f32 v18;
	v22 =	vld.idx.msk [tilespmem:v10+s19+$0x0], $0xffff;
	(pc) =	sbr.rel @p1 .LBB2_9-.Ltmp7, $4  }
0xfc: {  	v17 =	vor.u32 v1, v27;
	v30 =	vunpack.i.l.bf16.f32 v18;
	v10 =	vadd.f32 v21, v23  }
0xfd: {  	v27 =	vunpack.i.u.bf16.f32 v11;
	v18 =	vmul.f32 v24, v25;
	v23 =	vmul.f32 v29, v28  }
0xfe: {  	v11 =	vor.u32 v1, v2;
	v24 =	vadd.s32 $0x1, v2;
	v21 =	vmul.f32 v30, v16  }
0xff: {  	v25 =	vand.u32 $0x3F, v24;
	v24 =	vmul.f32 v27, v26;
	v16 =	vunpack.i.l.bf16.f32 v15  }
0x100: {  	_ = 	snop  }
0x101: {  	v25 =	vor.u32 v1, v25  }
0x102: {  	v19 =	vmul.f32 v19, v23;
	v5 =	vadd.f32 v5, v7;
	v51 =	vmul.f32 v8, v20  }
0x103: {  	v52 =	vunpack.i.u.bf16.f32 v22;
	v53 =	vunpack.i.l.bf16.f32 v22;
	v15 =	vunpack.i.u.bf16.f32 v15  }
0x104: {  	v54 =	vld.idx.msk [tilespmem:v17+s19+$0x0], $0xffff;
	v12 =	vmul.f32 v14, v12;
	v56 =	vunpack.i.l.bf16.f32 v9;
	v3 =	vunpack.i.l.bf16.f32 v3  }
0x105: {  	v55 =	vld.idx.msk [tilespmem:v17+s17+$0x0], $0xffff;
	v13 =	vmul.f32 v13, v18;
	v59 =	vunpack.i.u.bf16.f32 v9;
	v2 =	vadd.s32 $0x2, v2  }
0x106: {  	v58 =	vld.idx.msk [tilespmem:v11+s21+$0x0], $0xffff;
	v4 =	vadd.s32 $0x3, v4;
	v6 =	vmul.f32 v6, v24;
	v8 =	vmul.f32 v52, v15  }
0x107: {  	v60 =	vld.idx.msk [tilespmem:v11+s17+$0x0], $0xffff;
	v3 =	vmul.f32 v3, v21;
	v2 =	vand.u32 $0x3F, v2;
	v16 =	vmul.f32 v53, v16  }
0x108: {  	v63 =	vld.idx.msk [tilespmem:v11+s19+$0x0], $0xffff;
	v4 =	vand.u32 $0x3F, v4;
	v5 =	vadd.f32 v12, v5;
	v10 =	vadd.f32 v13, v10  }
0x109: {  	v57 =	vld.idx.msk [tilespmem:v17+s21+$0x0], $0xffff;
	v2 =	vor.u32 v1, v2;
	v1 =	vor.u32 v1, v4;
	v62 =	vmul.f32 v59, v8  }
0x10a: {  	v28 =	vmul.f32 v56, v16;
	v5 =	vadd.f32 v51, v5;
	v6 =	vadd.f32 v6, v10  }
0x10b: {  	v29 =	vunpack.i.u.bf16.f32 v55;
	v31 =	vunpack.i.l.bf16.f32 v55;
	v32 =	vunpack.i.u.bf16.f32 v58  }
0x10c: {  	v15 =	vunpack.i.l.bf16.f32 v58;
	v33 =	vunpack.i.u.bf16.f32 v54;
	v34 =	vunpack.i.u.bf16.f32 v60  }
0x10d: {  	v61 =	vld.idx.msk [tilespmem:v25+s21+$0x0], $0xffff;
	v12 =	vunpack.i.l.bf16.f32 v60;
	v35 =	vunpack.i.l.bf16.f32 v54;
	v36 =	vunpack.i.l.bf16.f32 v63  }
0x10e: {  	v27 =	vld.idx.msk [tilespmem:v25+s17+$0x0], $0xffff;
	v40 =	vunpack.i.l.bf16.f32 v57;
	v17 =	vunpack.i.u.bf16.f32 v57;
	v43 =	vunpack.i.u.bf16.f32 v63  }
0x10f: {  	v30 =	vld.idx.msk [tilespmem:v25+s19+$0x0], $0xffff;
	v6 =	vadd.f32 v19, v6;
	v12 =	vmul.f32 v36, v12;
	v4 =	vmul.f32 v43, v34  }
0x110: {  	v3 =	vadd.f32 v3, v5;
	v14 =	vmul.f32 v35, v31;
	v5 =	vmul.f32 v33, v29;
	v38 =	vld.idx.msk [tilespmem:v2+s17+$0x0], $0xffff  }
0x111: {  	v42 =	vld.idx.msk [tilespmem:v2+s19+$0x0], $0xffff;
	v6 =	vadd.f32 v62, v6;
	v47 =	vmul.f32 v15, v12;
	v4 =	vmul.f32 v32, v4  }
0x112: {  	v2 =	vld.idx.msk [tilespmem:v2+s21+$0x0], $0xffff;
	v3 =	vadd.f32 v28, v3;
	v14 =	vmul.f32 v40, v14;
	v5 =	vmul.f32 v17, v5  }
0x113: {  	v37 =	vunpack.i.u.bf16.f32 v61;
	v39 =	vunpack.i.u.bf16.f32 v27;
	v9 =	vunpack.i.l.bf16.f32 v27  }
0x114: {  	v50 =	vld.idx.msk [tilespmem:v1+s17+$0x0], $0xffff;
	v41 =	vunpack.i.u.bf16.f32 v30;
	v11 =	vunpack.i.l.bf16.f32 v30;
	v13 =	vunpack.i.l.bf16.f32 v61  }
0x115: {  	v51 =	vld.idx.msk [tilespmem:v1+s19+$0x0], $0xffff;
	v3 =	vadd.f32 v14, v3;
	v5 =	vadd.f32 v5, v6;
	v44 =	vmul.f32 v41, v39  }
0x116: {  	v45 =	vmul.f32 v11, v9;
	v46 =	vunpack.i.l.bf16.f32 v38;
	v48 =	vunpack.i.u.bf16.f32 v42  }
0x117: {  	v1 =	vld.idx.msk [tilespmem:v1+s21+$0x0], $0xffff;
	v49 =	vunpack.i.l.bf16.f32 v42;
	v52 =	vunpack.i.u.bf16.f32 v38;
	v53 =	vunpack.i.l.bf16.f32 v2  }
0x118: {  	v2 =	vunpack.i.u.bf16.f32 v2;
	v3 =	vadd.f32 v47, v3;
	v4 =	vadd.f32 v4, v5  }
0x119: {  	v57 =	vunpack.i.u.bf16.f32 v50;
	v58 =	vunpack.i.l.bf16.f32 v50;
	v8 =	vmul.f32 v37, v44  }
0x11a: {  	v60 =	vunpack.i.l.bf16.f32 v51;
	v11 =	vmul.f32 v48, v52;
	v54 =	vmul.f32 v13, v45  }
0x11b: {  	v59 =	vunpack.i.u.bf16.f32 v51;
	v55 =	vmul.f32 v49, v46;
	v61 =	vmul.f32 v60, v58  }
0x11c: {  	v62 =	vunpack.i.l.bf16.f32 v1;
	v7 =	vmul.f32 v59, v57;
	v2 =	vmul.f32 v2, v11  }
0x11d: {  	v56 =	vmul.f32 v53, v55;
	v4 =	vadd.f32 v8, v4;
	v3 =	vadd.f32 v54, v3  }
0x11e: {  	v1 =	vunpack.i.u.bf16.f32 v1;
	v63 =	vmul.f32 v62, v61  }
0x11f: {  	s5 =	sadd.s32 $0x1, s5;
	v1 =	vmul.f32 v1, v7;
	v2 =	vadd.f32 v2, v4;
	v3 =	vadd.f32 v56, v3  }
0x120: {  	p1 =	sne.s32 s5, $0x5  }
.Ltmp8:
0x121: {  	v3 =	vadd.f32 v63, v3;
	v1 =	vadd.f32 v1, v2;
	(pc) =	sbr.rel @p1 .LBB2_8-.Ltmp8, $3  }
0x122: {  	_ = 	snop  }
0x123: {  	v1 =	vadd.f32 v1, v3;
	_ =	sdelay $0x1  }
0x124: {  	[tilespmem:v0+s12+$0x0 ss:$0x1] =	vst.idx.msk $0xffff, v1  }
.LBB2_11:
0x125: {  	p1 =	sgt.u32 s26, $0x1D  }
0x126: {  	s12 =	smul.u32 @!p1 $0x140, s26;
	_ =	sdelay $0x1  }
0x127: {  	s5 =	simm.s32 @!p1 $0x50;
	s7 =	simm.s32 @!p1 $0x8930;
	s6 =	sadd.s32 @!p1 $0x190, s12  }
0x128: {  	[tilespmem:s7], [sflag:$0x2] =	stream.indirect.gather @!p1 [hbm4b:s1+s5], $0x40, s6, s5, $0xb8;
	[tilespmem:$0x18C40] =	vst v63  }
0x129: {  	s6 =	sadd.s32 @!p1 $0x28A0, s12;
	s7 =	simm.s32 @!p1 $0xD930  }
0x12a: {  	[tilespmem:s7], [sflag:$0x2] =	stream.indirect.gather @!p1 [hbm4b:s1+s5], $0x40, s6, s5, $0xb8;
	[tilespmem:$0x18C40] =	vst v63  }
0x12b: {  	s6 =	sor.u32 $0x2, s11  }
0x12c: {  	p2 =	sgt.u32 s6, $0x7C  }
.Ltmp9:
0x12d: {  	_ = 	snop;
	(pc) =	sbr.rel @p2 .LBB2_16-.Ltmp9, $3  }
0x12e: {  	_ =	sdelay $0x1  }
0x12f: {  	s7 =	sadd.s32 @!p1 $0x4FB0, s12;
	s11 =	simm.s32 @!p1 $0x12930  }
0x130: {  	[tilespmem:s11], [sflag:$0x2] =	stream.indirect.gather @!p1 [hbm4b:s4+s5], $0x40, s7, s5, $0xb8;
	[tilespmem:$0x18C40] =	vst v63  }
0x131: {  	_ =	swait.ge [sflag:s31], $0x1400  }
0x132: {  	[sflag:s31] =	ssyncset.done $0x0  }
0x133: {  	[sflag:s31] =	ssyncadd.s32 $0xFFFFEC00  }
0x134: {  	_ =	swait.ge [sflag:s31], $0x1400  }
0x135: {  	s6 =	smul.u32 $0x140, s6;
	[sflag:s31] =	ssyncset.done $0x0  }
0x136: {  	[sflag:s31] =	ssyncadd.s32 $0xFFFFEC00  }
0x137: {  	s6 =	sshra.s32 s6, $0x2;
	_ =	swait.ge [sflag:s31], $0x1400  }
0x138: {  	s6 =	sadd.s32 $0x16530, s6;
	[sflag:s31] =	ssyncset.done $0x0  }
0x139: {  	s11 =	simm.s32 $0x0;
	v0 =	vmov s6;
	[sflag:s31] =	ssyncadd.s32 $0xFFFFEC00  }
.LBB2_13:
0x13a: {  	s6 =	sshll.u32 s11, $0x4;
	v2 =	vlaneseq.u32  }
0x13b: {  	v1 =	vmov s6;
	v3 =	vmul.u32 $0x40, v2  }
0x13c: {  	v1 =	vshll.u32 v1, $0x6  }
0x13d: {  	v1 =	vor.u32 v3, v1  }
0x13e: {  	v4 =	vadd.s32 $0x1, v2;
	v3 =	vor.u32 v1, v2  }
0x13f: {  	v4 =	vand.u32 $0x3F, v4  }
0x140: {  	v4 =	vor.u32 v1, v4;
	_ =	sdelay $0x2  }
0x141: {  	v11 =	vadd.s32 $0x4, v2;
	v5 =	vld.idx.msk [tilespmem:v3+s28+$0x0], $0xffff  }
0x142: {  	v7 =	vadd.s32 $0x2, v2;
	v11 =	vand.u32 $0x3F, v11;
	v6 =	vld.idx.msk [tilespmem:v3+s23+$0x0], $0xffff  }
0x143: {  	v7 =	vand.u32 $0x3F, v7;
	v19 =	vor.u32 v1, v11;
	v8 =	vld.idx.msk [tilespmem:v4+s28+$0x0], $0xffff  }
0x144: {  	v7 =	vor.u32 v1, v7;
	v3 =	vld.idx.msk [tilespmem:v3+s25+$0x0], $0xffff  }
0x145: {  	v9 =	vld.idx.msk [tilespmem:v4+s23+$0x0], $0xffff  }
0x146: {  	v4 =	vld.idx.msk [tilespmem:v4+s25+$0x0], $0xffff  }
0x147: {  	v2 =	vadd.s32 $0x3, v2  }
0x148: {  	v2 =	vand.u32 $0x3F, v2;
	v22 =	vld.idx.msk [tilespmem:v19+s23+$0x0], $0xffff  }
0x149: {  	v10 =	vimm.f32 $0.0e+00;
	v2 =	vor.u32 v1, v2;
	v16 =	vld.idx.msk [tilespmem:v7+s23+$0x0], $0xffff;
	v12 =	vunpack.i.u.bf16.f32 v5  }
0x14a: {  	v5 =	vunpack.i.l.bf16.f32 v5;
	v13 =	vunpack.i.u.bf16.f32 v6;
	v6 =	vunpack.i.l.bf16.f32 v6  }
0x14b: {  	v17 =	vld.idx.msk [tilespmem:v7+s25+$0x0], $0xffff;
	v14 =	vunpack.i.l.bf16.f32 v3;
	v15 =	vunpack.i.u.bf16.f32 v8;
	v18 =	vunpack.i.u.bf16.f32 v4  }
0x14c: {  	v4 =	vunpack.i.l.bf16.f32 v4;
	v3 =	vunpack.i.u.bf16.f32 v3;
	v8 =	vunpack.i.l.bf16.f32 v8  }
0x14d: {  	v7 =	vld.idx.msk [tilespmem:v7+s28+$0x0], $0xffff;
	v26 =	vunpack.i.u.bf16.f32 v22;
	v6 =	vmul.f32 v14, v6;
	v14 =	vunpack.i.u.bf16.f32 v9  }
0x14e: {  	v9 =	vunpack.i.l.bf16.f32 v9;
	v3 =	vmul.f32 v3, v13;
	v13 =	vunpack.i.l.bf16.f32 v16  }
0x14f: {  	v20 =	vld.idx.msk [tilespmem:v19+s28+$0x0], $0xffff;
	v14 =	vmul.f32 v18, v14;
	v18 =	vadd.s32 $0x1, v11;
	v4 =	vmul.f32 v4, v9  }
0x150: {  	v25 =	vld.idx.msk [tilespmem:v19+s25+$0x0], $0xffff;
	v9 =	vand.u32 $0x3F, v18;
	v5 =	vmul.f32 v5, v6;
	v6 =	vunpack.i.u.bf16.f32 v17  }
0x151: {  	v21 =	vld.idx.msk [tilespmem:v2+s28+$0x0], $0xffff;
	v17 =	vunpack.i.l.bf16.f32 v17;
	v12 =	vmul.f32 v12, v3;
	v9 =	vor.u32 v1, v9  }
0x152: {  	v3 =	vunpack.i.u.bf16.f32 v16;
	v16 =	vld.idx.msk [tilespmem:v2+s23+$0x0], $0xffff;
	v18 =	vunpack.i.l.bf16.f32 v7;
	v14 =	vmul.f32 v15, v14  }
0x153: {  	v15 =	vld.idx.msk [tilespmem:v2+s25+$0x0], $0xffff;
	v3 =	vmul.f32 v6, v3;
	v4 =	vmul.f32 v8, v4;
	v2 =	vunpack.i.u.bf16.f32 v7  }
0x154: {  	v6 =	vadd.s32 $0x2, v11;
	v8 =	vunpack.i.l.bf16.f32 v20;
	v7 =	vadd.f32 v5, v10  }
0x155: {  	v10 =	vadd.f32 v12, v10;
	v23 =	vmul.f32 v2, v3;
	v2 =	vand.u32 $0x3F, v6  }
0x156: {  	v6 =	vmul.f32 v17, v13;
	v17 =	vunpack.i.l.bf16.f32 v25;
	v24 =	vor.u32 v1, v2;
	v3 =	vld.idx.msk [tilespmem:v9+s28+$0x0], $0xffff  }
0x157: {  	v2 =	vadd.s32 $0x4, v11;
	v7 =	vadd.f32 v4, v7;
	v11 =	vadd.s32 $0x3, v11;
	v13 =	vld.idx.msk [tilespmem:v9+s23+$0x0], $0xffff  }
0x158: {  	v10 =	vadd.f32 v14, v10;
	v14 =	vunpack.i.l.bf16.f32 v22;
	v2 =	vand.u32 $0x3F, v2;
	v9 =	vld.idx.msk [tilespmem:v9+s25+$0x0], $0xffff  }
0x159: {  	v5 =	vmul.f32 v18, v6;
	v4 =	vunpack.i.u.bf16.f32 v16;
	v12 =	vunpack.i.l.bf16.f32 v16  }
0x15a: {  	v6 =	vunpack.i.u.bf16.f32 v20;
	v11 =	vand.u32 $0x3F, v11;
	v20 =	vmul.f32 v17, v14  }
0x15b: {  	v14 =	vunpack.i.l.bf16.f32 v21;
	v16 =	vunpack.i.u.bf16.f32 v15;
	v15 =	vunpack.i.l.bf16.f32 v15  }
0x15c: {  	v17 =	vor.u32 v1, v11;
	v10 =	vadd.f32 v23, v10;
	v12 =	vmul.f32 v15, v12  }
0x15d: {  	v15 =	vld.idx.msk [tilespmem:v24+s23+$0x0], $0xffff;
	v18 =	vunpack.i.u.bf16.f32 v13;
	v22 =	vunpack.i.l.bf16.f32 v13;
	v27 =	vunpack.i.u.bf16.f32 v9  }
0x15e: {  	v13 =	vunpack.i.u.bf16.f32 v21;
	v21 =	vunpack.i.l.bf16.f32 v9;
	v23 =	vmul.f32 v27, v18  }
0x15f: {  	v18 =	vmul.f32 v16, v4;
	v4 =	vadd.s32 $0x1, v2;
	v21 =	vmul.f32 v21, v22;
	v22 =	vld.idx.msk [tilespmem:v24+s25+$0x0], $0xffff  }
0x160: {  	v9 =	vld.idx.msk [tilespmem:v24+s28+$0x0], $0xffff  }
0x161: {  	v28 =	vunpack.i.u.bf16.f32 v25;
	v11 =	vor.u32 v1, v2;
	v19 =	vunpack.i.u.bf16.f32 v3  }
0x162: {  	s7 =	simm.s32 $0x8;
	v24 =	vmul.f32 v28, v26;
	v25 =	vand.u32 $0x3F, v4;
	v16 =	vunpack.i.l.bf16.f32 v15;
	v4 =	vmovc v2  }
.LBB2_14:
0x163: {  	s7 =	sadd.s32 $0x4, s7;
	v25 =	vor.u32 v1, v25;
	v19 =	vmul.f32 v19, v23;
	v5 =	vadd.f32 v5, v7  }
0x164: {  	v7 =	vmul.f32 v8, v20;
	v8 =	vunpack.i.u.bf16.f32 v22;
	v20 =	vunpack.i.l.bf16.f32 v22;
	p2 =	slt.u32 s7, $0x3C;
	v22 =	vld.idx.msk [tilespmem:v17+s25+$0x0], $0xffff  }
0x165: {  	v15 =	vunpack.i.u.bf16.f32 v15;
	v23 =	vunpack.i.l.bf16.f32 v9;
	v6 =	vmul.f32 v6, v24;
	v24 =	vld.idx.msk [tilespmem:v17+s23+$0x0], $0xffff  }
0x166: {  	v3 =	vunpack.i.l.bf16.f32 v3;
	v12 =	vmul.f32 v14, v12;
	v8 =	vmul.f32 v8, v15;
	v17 =	vld.idx.msk [tilespmem:v17+s28+$0x0], $0xffff  }
0x167: {  	v15 =	vmul.f32 v3, v21;
	v3 =	vunpack.i.u.bf16.f32 v9;
	v9 =	vmul.f32 v13, v18;
	v14 =	vld.idx.msk [tilespmem:v11+s28+$0x0], $0xffff  }
0x168: {  	v18 =	vadd.s32 $0x2, v2;
	v5 =	vadd.f32 v12, v5;
	v21 =	vmul.f32 v3, v8;
	v13 =	vld.idx.msk [tilespmem:v11+s23+$0x0], $0xffff  }
0x169: {  	v12 =	vmul.f32 v20, v16;
	v8 =	vand.u32 $0x3F, v18;
	v9 =	vadd.f32 v9, v10;
	v3 =	vld.idx.msk [tilespmem:v25+s28+$0x0], $0xffff  }
0x16a: {  	v2 =	vadd.s32 $0x4, v2;
	v10 =	vor.u32 v1, v8;
	v7 =	vadd.f32 v7, v5;
	v11 =	vld.idx.msk [tilespmem:v11+s25+$0x0], $0xffff  }
0x16b: {  	v2 =	vand.u32 $0x3F, v2;
	v5 =	vmul.f32 v23, v12;
	v9 =	vadd.f32 v6, v9;
	v16 =	vld.idx.msk [tilespmem:v25+s23+$0x0], $0xffff  }
0x16c: {  	v7 =	vadd.f32 v15, v7;
	v12 =	vunpack.i.l.bf16.f32 v24;
	v18 =	vld.idx.msk [tilespmem:v25+s25+$0x0], $0xffff;
	v25 =	vunpack.i.u.bf16.f32 v24  }
0x16d: {  	v6 =	vunpack.i.u.bf16.f32 v14;
	v8 =	vunpack.i.l.bf16.f32 v14;
	v24 =	vunpack.i.u.bf16.f32 v22  }
0x16e: {  	v23 =	vadd.f32 v19, v9;
	v14 =	vadd.s32 $0x3, v4;
	v4 =	vmovc v2;
	v26 =	vunpack.i.u.bf16.f32 v13  }
0x16f: {  	v13 =	vunpack.i.l.bf16.f32 v13;
	v27 =	vand.u32 $0x3F, v14;
	v14 =	vunpack.i.l.bf16.f32 v22;
	v9 =	vld.idx.msk [tilespmem:v10+s28+$0x0], $0xffff  }
0x170: {  	v19 =	vunpack.i.u.bf16.f32 v3;
	v12 =	vmul.f32 v14, v12;
	v20 =	vunpack.i.l.bf16.f32 v11;
	v15 =	vld.idx.msk [tilespmem:v10+s23+$0x0], $0xffff  }
0x171: {  	v14 =	vunpack.i.l.bf16.f32 v17;
	v20 =	vmul.f32 v20, v13;
	v28 =	vunpack.i.u.bf16.f32 v16  }
.Ltmp10:
0x172: {  	v16 =	vunpack.i.l.bf16.f32 v16;
	v13 =	vunpack.i.u.bf16.f32 v17;
	v29 =	vunpack.i.u.bf16.f32 v18;
	v22 =	vld.idx.msk [tilespmem:v10+s25+$0x0], $0xffff;
	(pc) =	sbr.rel @p2 .LBB2_14-.Ltmp10, $4  }
0x173: {  	v17 =	vor.u32 v1, v27;
	v30 =	vunpack.i.l.bf16.f32 v18;
	v10 =	vadd.f32 v21, v23  }
0x174: {  	v27 =	vunpack.i.u.bf16.f32 v11;
	v18 =	vmul.f32 v24, v25;
	v23 =	vmul.f32 v29, v28  }
0x175: {  	v11 =	vor.u32 v1, v2;
	v24 =	vadd.s32 $0x1, v2;
	v21 =	vmul.f32 v30, v16  }
0x176: {  	v25 =	vand.u32 $0x3F, v24;
	v24 =	vmul.f32 v27, v26;
	v16 =	vunpack.i.l.bf16.f32 v15  }
0x177: {  	_ = 	snop  }
0x178: {  	v25 =	vor.u32 v1, v25  }
0x179: {  	v19 =	vmul.f32 v19, v23;
	v5 =	vadd.f32 v5, v7;
	v51 =	vmul.f32 v8, v20  }
0x17a: {  	v52 =	vunpack.i.u.bf16.f32 v22;
	v53 =	vunpack.i.l.bf16.f32 v22;
	v15 =	vunpack.i.u.bf16.f32 v15  }
0x17b: {  	v54 =	vld.idx.msk [tilespmem:v17+s25+$0x0], $0xffff;
	v12 =	vmul.f32 v14, v12;
	v56 =	vunpack.i.l.bf16.f32 v9;
	v3 =	vunpack.i.l.bf16.f32 v3  }
0x17c: {  	v55 =	vld.idx.msk [tilespmem:v17+s23+$0x0], $0xffff;
	v13 =	vmul.f32 v13, v18;
	v59 =	vunpack.i.u.bf16.f32 v9;
	v2 =	vadd.s32 $0x2, v2  }
0x17d: {  	v58 =	vld.idx.msk [tilespmem:v11+s28+$0x0], $0xffff;
	v4 =	vadd.s32 $0x3, v4;
	v6 =	vmul.f32 v6, v24;
	v8 =	vmul.f32 v52, v15  }
0x17e: {  	v60 =	vld.idx.msk [tilespmem:v11+s23+$0x0], $0xffff;
	v3 =	vmul.f32 v3, v21;
	v2 =	vand.u32 $0x3F, v2;
	v16 =	vmul.f32 v53, v16  }
0x17f: {  	v63 =	vld.idx.msk [tilespmem:v11+s25+$0x0], $0xffff;
	v4 =	vand.u32 $0x3F, v4;
	v5 =	vadd.f32 v12, v5;
	v10 =	vadd.f32 v13, v10  }
0x180: {  	v57 =	vld.idx.msk [tilespmem:v17+s28+$0x0], $0xffff;
	v2 =	vor.u32 v1, v2;
	v1 =	vor.u32 v1, v4;
	v62 =	vmul.f32 v59, v8  }
0x181: {  	v28 =	vmul.f32 v56, v16;
	v5 =	vadd.f32 v51, v5;
	v6 =	vadd.f32 v6, v10  }
0x182: {  	v29 =	vunpack.i.u.bf16.f32 v55;
	v31 =	vunpack.i.l.bf16.f32 v55;
	v32 =	vunpack.i.u.bf16.f32 v58  }
0x183: {  	v15 =	vunpack.i.l.bf16.f32 v58;
	v33 =	vunpack.i.u.bf16.f32 v54;
	v34 =	vunpack.i.u.bf16.f32 v60  }
0x184: {  	v61 =	vld.idx.msk [tilespmem:v25+s28+$0x0], $0xffff;
	v12 =	vunpack.i.l.bf16.f32 v60;
	v35 =	vunpack.i.l.bf16.f32 v54;
	v36 =	vunpack.i.l.bf16.f32 v63  }
0x185: {  	v27 =	vld.idx.msk [tilespmem:v25+s23+$0x0], $0xffff;
	v40 =	vunpack.i.l.bf16.f32 v57;
	v17 =	vunpack.i.u.bf16.f32 v57;
	v43 =	vunpack.i.u.bf16.f32 v63  }
0x186: {  	v30 =	vld.idx.msk [tilespmem:v25+s25+$0x0], $0xffff;
	v6 =	vadd.f32 v19, v6;
	v12 =	vmul.f32 v36, v12;
	v4 =	vmul.f32 v43, v34  }
0x187: {  	v3 =	vadd.f32 v3, v5;
	v14 =	vmul.f32 v35, v31;
	v5 =	vmul.f32 v33, v29;
	v38 =	vld.idx.msk [tilespmem:v2+s23+$0x0], $0xffff  }
0x188: {  	v42 =	vld.idx.msk [tilespmem:v2+s25+$0x0], $0xffff;
	v6 =	vadd.f32 v62, v6;
	v47 =	vmul.f32 v15, v12;
	v4 =	vmul.f32 v32, v4  }
0x189: {  	v2 =	vld.idx.msk [tilespmem:v2+s28+$0x0], $0xffff;
	v3 =	vadd.f32 v28, v3;
	v14 =	vmul.f32 v40, v14;
	v5 =	vmul.f32 v17, v5  }
0x18a: {  	v37 =	vunpack.i.u.bf16.f32 v61;
	v39 =	vunpack.i.u.bf16.f32 v27;
	v9 =	vunpack.i.l.bf16.f32 v27  }
0x18b: {  	v50 =	vld.idx.msk [tilespmem:v1+s23+$0x0], $0xffff;
	v41 =	vunpack.i.u.bf16.f32 v30;
	v11 =	vunpack.i.l.bf16.f32 v30;
	v13 =	vunpack.i.l.bf16.f32 v61  }
0x18c: {  	v51 =	vld.idx.msk [tilespmem:v1+s25+$0x0], $0xffff;
	v3 =	vadd.f32 v14, v3;
	v5 =	vadd.f32 v5, v6;
	v44 =	vmul.f32 v41, v39  }
0x18d: {  	v45 =	vmul.f32 v11, v9;
	v46 =	vunpack.i.l.bf16.f32 v38;
	v48 =	vunpack.i.u.bf16.f32 v42  }
0x18e: {  	v1 =	vld.idx.msk [tilespmem:v1+s28+$0x0], $0xffff;
	v49 =	vunpack.i.l.bf16.f32 v42;
	v52 =	vunpack.i.u.bf16.f32 v38;
	v53 =	vunpack.i.l.bf16.f32 v2  }
0x18f: {  	v2 =	vunpack.i.u.bf16.f32 v2;
	v3 =	vadd.f32 v47, v3;
	v4 =	vadd.f32 v4, v5  }
0x190: {  	v57 =	vunpack.i.u.bf16.f32 v50;
	v58 =	vunpack.i.l.bf16.f32 v50;
	v8 =	vmul.f32 v37, v44  }
0x191: {  	v60 =	vunpack.i.l.bf16.f32 v51;
	v11 =	vmul.f32 v48, v52;
	v54 =	vmul.f32 v13, v45  }
0x192: {  	v59 =	vunpack.i.u.bf16.f32 v51;
	v55 =	vmul.f32 v49, v46;
	v61 =	vmul.f32 v60, v58  }
0x193: {  	v62 =	vunpack.i.l.bf16.f32 v1;
	v7 =	vmul.f32 v59, v57;
	v2 =	vmul.f32 v2, v11  }
0x194: {  	v56 =	vmul.f32 v53, v55;
	v4 =	vadd.f32 v8, v4;
	v3 =	vadd.f32 v54, v3  }
0x195: {  	v1 =	vunpack.i.u.bf16.f32 v1;
	v63 =	vmul.f32 v62, v61  }
0x196: {  	s11 =	sadd.s32 $0x1, s11;
	v1 =	vmul.f32 v1, v7;
	v2 =	vadd.f32 v2, v4;
	v3 =	vadd.f32 v56, v3  }
0x197: {  	p2 =	sne.s32 s11, $0x5  }
.Ltmp11:
0x198: {  	v3 =	vadd.f32 v63, v3;
	v1 =	vadd.f32 v1, v2;
	(pc) =	sbr.rel @p2 .LBB2_13-.Ltmp11, $3  }
0x199: {  	_ = 	snop  }
0x19a: {  	v1 =	vadd.f32 v1, v3;
	_ =	sdelay $0x1  }
0x19b: {  	[tilespmem:v0+s6+$0x0 ss:$0x1] =	vst.idx.msk $0xffff, v1  }
.LBB2_16:
0x19c: {  	s6 =	sadd.s32 @!p1 $0x1E0, s12;
	s7 =	simm.s32 @!p1 $0x9D30  }
0x19d: {  	[tilespmem:s7], [sflag:$0x3] =	stream.indirect.gather @!p1 [hbm4b:s1+s5], $0x40, s6, s5, $0xb8;
	[tilespmem:$0x18C40] =	vst v63  }
.Ltmp12:
0x19e: {  	_ = 	snop;
	(pc) =	sbr.rel @p0 .LBB2_21-.Ltmp12, $4  }
0x19f: {  	s6 =	sadd.s32 @!p1 $0x28F0, s12;
	s7 =	simm.s32 @!p1 $0xED30  }
0x1a0: {  	[tilespmem:s7], [sflag:$0x3] =	stream.indirect.gather @!p1 [hbm4b:s1+s5], $0x40, s6, s5, $0xb8;
	[tilespmem:$0x18C40] =	vst v63  }
0x1a1: {  	s6 =	sadd.s32 @!p1 $0x5000, s12;
	s7 =	simm.s32 @!p1 $0x13D30  }
0x1a2: {  	[tilespmem:s7], [sflag:$0x3] =	stream.indirect.gather @!p1 [hbm4b:s4+s5], $0x40, s6, s5, $0xb8;
	[tilespmem:$0x18C40] =	vst v63  }
0x1a3: {  	_ =	swait.ge [sflag:s2], $0x1400  }
0x1a4: {  	[sflag:s2] =	ssyncset.done $0x0  }
0x1a5: {  	[sflag:s2] =	ssyncadd.s32 $0xFFFFEC00  }
0x1a6: {  	_ =	swait.ge [sflag:s2], $0x1400  }
0x1a7: {  	s5 =	smul.u32 $0x140, s22;
	[sflag:s2] =	ssyncset.done $0x0  }
0x1a8: {  	[sflag:s2] =	ssyncadd.s32 $0xFFFFEC00  }
0x1a9: {  	s5 =	sshra.s32 s5, $0x2;
	_ =	swait.ge [sflag:s2], $0x1400  }
0x1aa: {  	s6 =	sadd.s32 $0x16530, s5;
	[sflag:s2] =	ssyncset.done $0x0  }
0x1ab: {  	s5 =	simm.s32 $0x0;
	v0 =	vmov s6;
	[sflag:s2] =	ssyncadd.s32 $0xFFFFEC00  }
.LBB2_18:
0x1ac: {  	s6 =	sshll.u32 s5, $0x4;
	v2 =	vlaneseq.u32  }
0x1ad: {  	v1 =	vmov s6;
	v3 =	vmul.u32 $0x40, v2  }
0x1ae: {  	v1 =	vshll.u32 v1, $0x6  }
0x1af: {  	v1 =	vor.u32 v3, v1  }
0x1b0: {  	v4 =	vadd.s32 $0x1, v2;
	v3 =	vor.u32 v1, v2  }
0x1b1: {  	v4 =	vand.u32 $0x3F, v4  }
0x1b2: {  	v4 =	vor.u32 v1, v4;
	_ =	sdelay $0x2  }
0x1b3: {  	v11 =	vadd.s32 $0x4, v2;
	v5 =	vld.idx.msk [tilespmem:v3+s20+$0x0], $0xffff  }
0x1b4: {  	v7 =	vadd.s32 $0x2, v2;
	v11 =	vand.u32 $0x3F, v11;
	v6 =	vld.idx.msk [tilespmem:v3+s0+$0x0], $0xffff  }
0x1b5: {  	v7 =	vand.u32 $0x3F, v7;
	v19 =	vor.u32 v1, v11;
	v8 =	vld.idx.msk [tilespmem:v4+s20+$0x0], $0xffff  }
0x1b6: {  	v7 =	vor.u32 v1, v7;
	v3 =	vld.idx.msk [tilespmem:v3+s18+$0x0], $0xffff  }
0x1b7: {  	v9 =	vld.idx.msk [tilespmem:v4+s0+$0x0], $0xffff  }
0x1b8: {  	v4 =	vld.idx.msk [tilespmem:v4+s18+$0x0], $0xffff  }
0x1b9: {  	v2 =	vadd.s32 $0x3, v2  }
0x1ba: {  	v2 =	vand.u32 $0x3F, v2;
	v22 =	vld.idx.msk [tilespmem:v19+s0+$0x0], $0xffff  }
0x1bb: {  	v10 =	vimm.f32 $0.0e+00;
	v2 =	vor.u32 v1, v2;
	v16 =	vld.idx.msk [tilespmem:v7+s0+$0x0], $0xffff;
	v12 =	vunpack.i.u.bf16.f32 v5  }
0x1bc: {  	v5 =	vunpack.i.l.bf16.f32 v5;
	v13 =	vunpack.i.u.bf16.f32 v6;
	v6 =	vunpack.i.l.bf16.f32 v6  }
0x1bd: {  	v17 =	vld.idx.msk [tilespmem:v7+s18+$0x0], $0xffff;
	v14 =	vunpack.i.l.bf16.f32 v3;
	v15 =	vunpack.i.u.bf16.f32 v8;
	v18 =	vunpack.i.u.bf16.f32 v4  }
0x1be: {  	v4 =	vunpack.i.l.bf16.f32 v4;
	v3 =	vunpack.i.u.bf16.f32 v3;
	v8 =	vunpack.i.l.bf16.f32 v8  }
0x1bf: {  	v7 =	vld.idx.msk [tilespmem:v7+s20+$0x0], $0xffff;
	v26 =	vunpack.i.u.bf16.f32 v22;
	v6 =	vmul.f32 v14, v6;
	v14 =	vunpack.i.u.bf16.f32 v9  }
0x1c0: {  	v9 =	vunpack.i.l.bf16.f32 v9;
	v3 =	vmul.f32 v3, v13;
	v13 =	vunpack.i.l.bf16.f32 v16  }
0x1c1: {  	v20 =	vld.idx.msk [tilespmem:v19+s20+$0x0], $0xffff;
	v14 =	vmul.f32 v18, v14;
	v18 =	vadd.s32 $0x1, v11;
	v4 =	vmul.f32 v4, v9  }
0x1c2: {  	v25 =	vld.idx.msk [tilespmem:v19+s18+$0x0], $0xffff;
	v9 =	vand.u32 $0x3F, v18;
	v5 =	vmul.f32 v5, v6;
	v6 =	vunpack.i.u.bf16.f32 v17  }
0x1c3: {  	v21 =	vld.idx.msk [tilespmem:v2+s20+$0x0], $0xffff;
	v17 =	vunpack.i.l.bf16.f32 v17;
	v12 =	vmul.f32 v12, v3;
	v9 =	vor.u32 v1, v9  }
0x1c4: {  	v3 =	vunpack.i.u.bf16.f32 v16;
	v16 =	vld.idx.msk [tilespmem:v2+s0+$0x0], $0xffff;
	v18 =	vunpack.i.l.bf16.f32 v7;
	v14 =	vmul.f32 v15, v14  }
0x1c5: {  	v15 =	vld.idx.msk [tilespmem:v2+s18+$0x0], $0xffff;
	v3 =	vmul.f32 v6, v3;
	v4 =	vmul.f32 v8, v4;
	v2 =	vunpack.i.u.bf16.f32 v7  }
0x1c6: {  	v6 =	vadd.s32 $0x2, v11;
	v8 =	vunpack.i.l.bf16.f32 v20;
	v7 =	vadd.f32 v5, v10  }
0x1c7: {  	v10 =	vadd.f32 v12, v10;
	v23 =	vmul.f32 v2, v3;
	v2 =	vand.u32 $0x3F, v6  }
0x1c8: {  	v6 =	vmul.f32 v17, v13;
	v17 =	vunpack.i.l.bf16.f32 v25;
	v24 =	vor.u32 v1, v2;
	v3 =	vld.idx.msk [tilespmem:v9+s20+$0x0], $0xffff  }
0x1c9: {  	v2 =	vadd.s32 $0x4, v11;
	v7 =	vadd.f32 v4, v7;
	v11 =	vadd.s32 $0x3, v11;
	v13 =	vld.idx.msk [tilespmem:v9+s0+$0x0], $0xffff  }
0x1ca: {  	v10 =	vadd.f32 v14, v10;
	v14 =	vunpack.i.l.bf16.f32 v22;
	v2 =	vand.u32 $0x3F, v2;
	v9 =	vld.idx.msk [tilespmem:v9+s18+$0x0], $0xffff  }
0x1cb: {  	v5 =	vmul.f32 v18, v6;
	v4 =	vunpack.i.u.bf16.f32 v16;
	v12 =	vunpack.i.l.bf16.f32 v16  }
0x1cc: {  	v6 =	vunpack.i.u.bf16.f32 v20;
	v11 =	vand.u32 $0x3F, v11;
	v20 =	vmul.f32 v17, v14  }
0x1cd: {  	v14 =	vunpack.i.l.bf16.f32 v21;
	v16 =	vunpack.i.u.bf16.f32 v15;
	v15 =	vunpack.i.l.bf16.f32 v15  }
0x1ce: {  	v17 =	vor.u32 v1, v11;
	v10 =	vadd.f32 v23, v10;
	v12 =	vmul.f32 v15, v12  }
0x1cf: {  	v15 =	vld.idx.msk [tilespmem:v24+s0+$0x0], $0xffff;
	v18 =	vunpack.i.u.bf16.f32 v13;
	v22 =	vunpack.i.l.bf16.f32 v13;
	v27 =	vunpack.i.u.bf16.f32 v9  }
0x1d0: {  	v13 =	vunpack.i.u.bf16.f32 v21;
	v21 =	vunpack.i.l.bf16.f32 v9;
	v23 =	vmul.f32 v27, v18  }
0x1d1: {  	v18 =	vmul.f32 v16, v4;
	v4 =	vadd.s32 $0x1, v2;
	v21 =	vmul.f32 v21, v22;
	v22 =	vld.idx.msk [tilespmem:v24+s18+$0x0], $0xffff  }
0x1d2: {  	v9 =	vld.idx.msk [tilespmem:v24+s20+$0x0], $0xffff  }
0x1d3: {  	v28 =	vunpack.i.u.bf16.f32 v25;
	v11 =	vor.u32 v1, v2;
	v19 =	vunpack.i.u.bf16.f32 v3  }
0x1d4: {  	s7 =	simm.s32 $0x8;
	v24 =	vmul.f32 v28, v26;
	v25 =	vand.u32 $0x3F, v4;
	v16 =	vunpack.i.l.bf16.f32 v15;
	v4 =	vmovc v2  }
.LBB2_19:
0x1d5: {  	s7 =	sadd.s32 $0x4, s7;
	v25 =	vor.u32 v1, v25;
	v19 =	vmul.f32 v19, v23;
	v5 =	vadd.f32 v5, v7  }
0x1d6: {  	v7 =	vmul.f32 v8, v20;
	v8 =	vunpack.i.u.bf16.f32 v22;
	v20 =	vunpack.i.l.bf16.f32 v22;
	p0 =	slt.u32 s7, $0x3C;
	v22 =	vld.idx.msk [tilespmem:v17+s18+$0x0], $0xffff  }
0x1d7: {  	v15 =	vunpack.i.u.bf16.f32 v15;
	v23 =	vunpack.i.l.bf16.f32 v9;
	v6 =	vmul.f32 v6, v24;
	v24 =	vld.idx.msk [tilespmem:v17+s0+$0x0], $0xffff  }
0x1d8: {  	v3 =	vunpack.i.l.bf16.f32 v3;
	v12 =	vmul.f32 v14, v12;
	v8 =	vmul.f32 v8, v15;
	v17 =	vld.idx.msk [tilespmem:v17+s20+$0x0], $0xffff  }
0x1d9: {  	v15 =	vmul.f32 v3, v21;
	v3 =	vunpack.i.u.bf16.f32 v9;
	v9 =	vmul.f32 v13, v18;
	v14 =	vld.idx.msk [tilespmem:v11+s20+$0x0], $0xffff  }
0x1da: {  	v18 =	vadd.s32 $0x2, v2;
	v5 =	vadd.f32 v12, v5;
	v21 =	vmul.f32 v3, v8;
	v13 =	vld.idx.msk [tilespmem:v11+s0+$0x0], $0xffff  }
0x1db: {  	v12 =	vmul.f32 v20, v16;
	v8 =	vand.u32 $0x3F, v18;
	v9 =	vadd.f32 v9, v10;
	v3 =	vld.idx.msk [tilespmem:v25+s20+$0x0], $0xffff  }
0x1dc: {  	v2 =	vadd.s32 $0x4, v2;
	v10 =	vor.u32 v1, v8;
	v7 =	vadd.f32 v7, v5;
	v11 =	vld.idx.msk [tilespmem:v11+s18+$0x0], $0xffff  }
0x1dd: {  	v2 =	vand.u32 $0x3F, v2;
	v5 =	vmul.f32 v23, v12;
	v9 =	vadd.f32 v6, v9;
	v16 =	vld.idx.msk [tilespmem:v25+s0+$0x0], $0xffff  }
0x1de: {  	v7 =	vadd.f32 v15, v7;
	v12 =	vunpack.i.l.bf16.f32 v24;
	v18 =	vld.idx.msk [tilespmem:v25+s18+$0x0], $0xffff;
	v25 =	vunpack.i.u.bf16.f32 v24  }
0x1df: {  	v6 =	vunpack.i.u.bf16.f32 v14;
	v8 =	vunpack.i.l.bf16.f32 v14;
	v24 =	vunpack.i.u.bf16.f32 v22  }
0x1e0: {  	v23 =	vadd.f32 v19, v9;
	v14 =	vadd.s32 $0x3, v4;
	v4 =	vmovc v2;
	v26 =	vunpack.i.u.bf16.f32 v13  }
0x1e1: {  	v13 =	vunpack.i.l.bf16.f32 v13;
	v27 =	vand.u32 $0x3F, v14;
	v14 =	vunpack.i.l.bf16.f32 v22;
	v9 =	vld.idx.msk [tilespmem:v10+s20+$0x0], $0xffff  }
0x1e2: {  	v19 =	vunpack.i.u.bf16.f32 v3;
	v12 =	vmul.f32 v14, v12;
	v20 =	vunpack.i.l.bf16.f32 v11;
	v15 =	vld.idx.msk [tilespmem:v10+s0+$0x0], $0xffff  }
0x1e3: {  	v14 =	vunpack.i.l.bf16.f32 v17;
	v20 =	vmul.f32 v20, v13;
	v28 =	vunpack.i.u.bf16.f32 v16  }
.Ltmp13:
0x1e4: {  	v16 =	vunpack.i.l.bf16.f32 v16;
	v13 =	vunpack.i.u.bf16.f32 v17;
	v29 =	vunpack.i.u.bf16.f32 v18;
	v22 =	vld.idx.msk [tilespmem:v10+s18+$0x0], $0xffff;
	(pc) =	sbr.rel @p0 .LBB2_19-.Ltmp13, $4  }
0x1e5: {  	v17 =	vor.u32 v1, v27;
	v30 =	vunpack.i.l.bf16.f32 v18;
	v10 =	vadd.f32 v21, v23  }
0x1e6: {  	v27 =	vunpack.i.u.bf16.f32 v11;
	v18 =	vmul.f32 v24, v25;
	v23 =	vmul.f32 v29, v28  }
0x1e7: {  	v11 =	vor.u32 v1, v2;
	v24 =	vadd.s32 $0x1, v2;
	v21 =	vmul.f32 v30, v16  }
0x1e8: {  	v25 =	vand.u32 $0x3F, v24;
	v24 =	vmul.f32 v27, v26;
	v16 =	vunpack.i.l.bf16.f32 v15  }
0x1e9: {  	_ = 	snop  }
0x1ea: {  	v25 =	vor.u32 v1, v25  }
0x1eb: {  	v19 =	vmul.f32 v19, v23;
	v5 =	vadd.f32 v5, v7;
	v51 =	vmul.f32 v8, v20  }
0x1ec: {  	v52 =	vunpack.i.u.bf16.f32 v22;
	v53 =	vunpack.i.l.bf16.f32 v22;
	v15 =	vunpack.i.u.bf16.f32 v15  }
0x1ed: {  	v54 =	vld.idx.msk [tilespmem:v17+s18+$0x0], $0xffff;
	v12 =	vmul.f32 v14, v12;
	v56 =	vunpack.i.l.bf16.f32 v9;
	v3 =	vunpack.i.l.bf16.f32 v3  }
0x1ee: {  	v55 =	vld.idx.msk [tilespmem:v17+s0+$0x0], $0xffff;
	v13 =	vmul.f32 v13, v18;
	v59 =	vunpack.i.u.bf16.f32 v9;
	v2 =	vadd.s32 $0x2, v2  }
0x1ef: {  	v58 =	vld.idx.msk [tilespmem:v11+s20+$0x0], $0xffff;
	v4 =	vadd.s32 $0x3, v4;
	v6 =	vmul.f32 v6, v24;
	v8 =	vmul.f32 v52, v15  }
0x1f0: {  	v60 =	vld.idx.msk [tilespmem:v11+s0+$0x0], $0xffff;
	v3 =	vmul.f32 v3, v21;
	v2 =	vand.u32 $0x3F, v2;
	v16 =	vmul.f32 v53, v16  }
0x1f1: {  	v63 =	vld.idx.msk [tilespmem:v11+s18+$0x0], $0xffff;
	v4 =	vand.u32 $0x3F, v4;
	v5 =	vadd.f32 v12, v5;
	v10 =	vadd.f32 v13, v10  }
0x1f2: {  	v57 =	vld.idx.msk [tilespmem:v17+s20+$0x0], $0xffff;
	v2 =	vor.u32 v1, v2;
	v1 =	vor.u32 v1, v4;
	v62 =	vmul.f32 v59, v8  }
0x1f3: {  	v28 =	vmul.f32 v56, v16;
	v5 =	vadd.f32 v51, v5;
	v6 =	vadd.f32 v6, v10  }
0x1f4: {  	v29 =	vunpack.i.u.bf16.f32 v55;
	v31 =	vunpack.i.l.bf16.f32 v55;
	v32 =	vunpack.i.u.bf16.f32 v58  }
0x1f5: {  	v15 =	vunpack.i.l.bf16.f32 v58;
	v33 =	vunpack.i.u.bf16.f32 v54;
	v34 =	vunpack.i.u.bf16.f32 v60  }
0x1f6: {  	v61 =	vld.idx.msk [tilespmem:v25+s20+$0x0], $0xffff;
	v12 =	vunpack.i.l.bf16.f32 v60;
	v35 =	vunpack.i.l.bf16.f32 v54;
	v36 =	vunpack.i.l.bf16.f32 v63  }
0x1f7: {  	v27 =	vld.idx.msk [tilespmem:v25+s0+$0x0], $0xffff;
	v40 =	vunpack.i.l.bf16.f32 v57;
	v17 =	vunpack.i.u.bf16.f32 v57;
	v43 =	vunpack.i.u.bf16.f32 v63  }
0x1f8: {  	v30 =	vld.idx.msk [tilespmem:v25+s18+$0x0], $0xffff;
	v6 =	vadd.f32 v19, v6;
	v12 =	vmul.f32 v36, v12;
	v4 =	vmul.f32 v43, v34  }
0x1f9: {  	v3 =	vadd.f32 v3, v5;
	v14 =	vmul.f32 v35, v31;
	v5 =	vmul.f32 v33, v29;
	v38 =	vld.idx.msk [tilespmem:v2+s0+$0x0], $0xffff  }
0x1fa: {  	v42 =	vld.idx.msk [tilespmem:v2+s18+$0x0], $0xffff;
	v6 =	vadd.f32 v62, v6;
	v47 =	vmul.f32 v15, v12;
	v4 =	vmul.f32 v32, v4  }
0x1fb: {  	v2 =	vld.idx.msk [tilespmem:v2+s20+$0x0], $0xffff;
	v3 =	vadd.f32 v28, v3;
	v14 =	vmul.f32 v40, v14;
	v5 =	vmul.f32 v17, v5  }
0x1fc: {  	v37 =	vunpack.i.u.bf16.f32 v61;
	v39 =	vunpack.i.u.bf16.f32 v27;
	v9 =	vunpack.i.l.bf16.f32 v27  }
0x1fd: {  	v50 =	vld.idx.msk [tilespmem:v1+s0+$0x0], $0xffff;
	v41 =	vunpack.i.u.bf16.f32 v30;
	v11 =	vunpack.i.l.bf16.f32 v30;
	v13 =	vunpack.i.l.bf16.f32 v61  }
0x1fe: {  	v51 =	vld.idx.msk [tilespmem:v1+s18+$0x0], $0xffff;
	v3 =	vadd.f32 v14, v3;
	v5 =	vadd.f32 v5, v6;
	v44 =	vmul.f32 v41, v39  }
0x1ff: {  	v45 =	vmul.f32 v11, v9;
	v46 =	vunpack.i.l.bf16.f32 v38;
	v48 =	vunpack.i.u.bf16.f32 v42  }
0x200: {  	v1 =	vld.idx.msk [tilespmem:v1+s20+$0x0], $0xffff;
	v49 =	vunpack.i.l.bf16.f32 v42;
	v52 =	vunpack.i.u.bf16.f32 v38;
	v53 =	vunpack.i.l.bf16.f32 v2  }
0x201: {  	v2 =	vunpack.i.u.bf16.f32 v2;
	v3 =	vadd.f32 v47, v3;
	v4 =	vadd.f32 v4, v5  }
0x202: {  	v57 =	vunpack.i.u.bf16.f32 v50;
	v58 =	vunpack.i.l.bf16.f32 v50;
	v8 =	vmul.f32 v37, v44  }
0x203: {  	v60 =	vunpack.i.l.bf16.f32 v51;
	v11 =	vmul.f32 v48, v52;
	v54 =	vmul.f32 v13, v45  }
0x204: {  	v59 =	vunpack.i.u.bf16.f32 v51;
	v55 =	vmul.f32 v49, v46;
	v61 =	vmul.f32 v60, v58  }
0x205: {  	v62 =	vunpack.i.l.bf16.f32 v1;
	v7 =	vmul.f32 v59, v57;
	v2 =	vmul.f32 v2, v11  }
0x206: {  	v56 =	vmul.f32 v53, v55;
	v4 =	vadd.f32 v8, v4;
	v3 =	vadd.f32 v54, v3  }
0x207: {  	v1 =	vunpack.i.u.bf16.f32 v1;
	v63 =	vmul.f32 v62, v61  }
0x208: {  	s5 =	sadd.s32 $0x1, s5;
	v1 =	vmul.f32 v1, v7;
	v2 =	vadd.f32 v2, v4;
	v3 =	vadd.f32 v56, v3  }
0x209: {  	p0 =	sne.s32 s5, $0x5  }
.Ltmp14:
0x20a: {  	v3 =	vadd.f32 v63, v3;
	v1 =	vadd.f32 v1, v2;
	(pc) =	sbr.rel @p0 .LBB2_18-.Ltmp14, $4  }
.Ltmp15:
0x20b: {  	_ = 	snop;
	(pc) =	sbr.rel @!p0 .LBB2_21-.Ltmp15, $4  }
0x20c: {  	v1 =	vadd.f32 v1, v3  }
0x20d: {  	_ = 	snop  }
0x20e: {  	[tilespmem:v0+s6+$0x0 ss:$0x1] =	vst.idx.msk $0xffff, v1  }
0x20f: {  	_ = 	snop  }
.LBB2_23:
0x210: {  	_ =	sfence.sel $0x180000  }
0x211: {  	[bflag:$0x0] =	sbarrier.arrive $0xFFFF  }
0x212: {  	_ =	strace $0x90000047  }
0x213: {  	s0 =	stileid.u32;
	[bflag:$0x2] =	sbarrier.arrive $0xFFFF  }
0x214: {  	p0 =	sne.s32 s0, $0x0;
	s0 =	rddreg [dreg:$0x3]  }
0x215: {  	s0 =	sadd.s32 @!p0 $0x100000, s0  }
0x216: {  	[sflag:s0] =	ssyncadd.tile.s32 @!p0 $0x1;
	_ =	shalt  }
.Lfunc_end2:
_tile_overlayer_lowered:
.L_overlay_start_2:
0x217: {  	(tag) =	ssettag $0x2  }
0x218: {  	s0 =	rddreg [dreg:$0x0];
	s2 =	stileid.u32  }
0x219: {  	s1 =	rddreg [dreg:$0x1];
	p0 =	sne.s32 s2, $0x0  }
0x21a: {  	s3 =	rddreg [dreg:$0x2];
	[bflag:$0x3] =	sbarrier.arrive $0xFFFF;
	s2 =	simm.s32 @!p0 $0x1C05  }
0x21b: {  	[timem:s3], [sflag:s2] =	dma.local @!p0 [hbm:s0], s1  }
0x21c: {  	s0 =	simm.s32 @!p0 $0x5  }
0x21d: {  	_ =	swait.ge @!p0 [sflag:s0], s1  }
0x21e: {  	s1 =	ssub.s32 @!p0 $0x0, s1;
	[sflag:s0] =	ssyncset.done @!p0 $0x0  }
0x21f: {  	[sflag:s0] =	ssyncadd.s32 @!p0 s1  }
0x220: {  	[bflag:$0x3] =	sbarrier.arrive $0xFFFF  }
0x221: {  	_ =	shalt  }

</sc_bundles>
